<compile_context>
chip_gen: v7x
topology: tpu7x:2x2x1
jax: 0.10.2.dev20260603
libtpu: 0.0.44.dev20260713+nightly
codegen_flags: <defaults>
</compile_context>

<pallas_src>
import functools

import jax
import jax.numpy as jnp
from jax import lax
from jax.experimental import pallas as pl
from jax.experimental.pallas import tpu as pltpu
from jax.experimental.pallas import tpu_sc as plsc

CH = 512
RB = 256
CB = 512


def _sc_compact_gather(n_pairs, n_cls, n_ch, b, hw, c, n_units, nw, reps,
                       tab_ref, v_ref, lab_ref, base_ref, qkc_ref, vc_ref,
                       idxo_ref, cnto_ref, lab_v, idx_v, idxs_v, rows_v,
                       vrows_v, cnt_v, gb_v, sb_v, cs_v, sem):
    wid = lax.axis_index("s") * 2 + lax.axis_index("c")
    nchp1 = hw // CH + 1
    hwp = hw + 8
    for rep in range(reps):
        u = wid + rep * nw

        @pl.when(u < n_units)
        def _unit(u=u):
            side = u % 2
            pair = u // 2
            b_idx = pair // n_cls
            cls = pair % n_cls + 1
            t_in = side * b + b_idx
            lab_row = (side * b + b_idx) * n_ch + cls
            pltpu.sync_copy(lab_ref.at[pl.ds(lab_row * hw, hw)], lab_v)
            pltpu.sync_copy(base_ref.at[pl.ds(u * 16, 16)], gb_v)
            pltpu.sync_copy(base_ref.at[pl.ds((n_units + u) * 16, 16)], sb_v)
            lanes = lax.broadcasted_iota(jnp.int32, (16,), 0)
            gbase = gb_v[...]
            sbase = sb_v[...]
            gtrash = gbase + hw
            strash = sbase + hw

            def _init(i, carry):
                idx_v[pl.ds(i * 16, 16)] = gtrash
                idxs_v[pl.ds(i * 16, 16)] = strash
                return carry

            lax.fori_loop(0, (nchp1 * CH) // 16, _init, 0)
            fifteen = jnp.full((16,), 15, jnp.int32)

            def _scan(i, carry):
                off_v, pixg_v, pixs_v = carry
                mi = lab_v[pl.ds(i * 16, 16)]
                m = mi != 0
                csum = plsc.cumsum(mi)
                pos = off_v + csum - mi
                plsc.store_scatter(idx_v, [pos], pixg_v, mask=m)
                plsc.store_scatter(idxs_v, [pos], pixs_v, mask=m)
                cs_v[...] = csum
                total_v = plsc.load_gather(cs_v, [fifteen])
                return off_v + total_v, pixg_v + 16, pixs_v + 16

            off_v, _, _ = lax.fori_loop(
                0, hw // 16, _scan,
                (jnp.zeros((16,), jnp.int32), lanes + gbase, lanes + sbase))
            cnt = jnp.max(off_v)
            cnt_v[...] = off_v
            pltpu.sync_copy(cnt_v, cnto_ref.at[pl.ds(u * 16, 16)])
            pltpu.sync_copy(idxs_v,
                            idxo_ref.at[pl.ds(u * nchp1 * CH, nchp1 * CH)])

            nchunk = (cnt + CH - 1) // CH

            def _gather(j, carry):
                pltpu.async_copy(
                    tab_ref.at[idx_v.at[pl.ds(j * CH, CH)]],
                    rows_v, sem).wait()
                pltpu.sync_copy(rows_v, qkc_ref.at[u].at[pl.ds(j * CH, CH)])
                return carry

            lax.fori_loop(0, nchunk, _gather, 0)

            @pl.when(side == 1)
            def _vgather():
                def _vg(j, carry):
                    pltpu.async_copy(
                        v_ref.at[idx_v.at[pl.ds(j * CH, CH)]],
                        vrows_v, sem).wait()
                    pltpu.sync_copy(vrows_v,
                                    vc_ref.at[pair].at[pl.ds(j * CH, CH)])
                    return carry

                lax.fori_loop(0, nchunk, _vg, 0)


def _sc_scatter(n_pairs, hw, nchp1, colc_ref, idxo_ref, cnto_ref, dense_ref,
                idx2_v, rows8_v, cnt_v, sem):
    wid = lax.axis_index("s") * 2 + lax.axis_index("c")

    @pl.when(wid < n_pairs)
    def _unit():
        ug = 2 * wid
        pltpu.sync_copy(cnto_ref.at[pl.ds(ug * 16, 16)], cnt_v)
        cnt = jnp.max(cnt_v[...])
        pltpu.sync_copy(idxo_ref.at[pl.ds(ug * nchp1 * CH, nchp1 * CH)],
                        idx2_v)
        nchunk = (cnt + CH - 1) // CH

        def _scatter(j, carry):
            pltpu.sync_copy(colc_ref.at[wid].at[pl.ds(j * CH, CH)], rows8_v)
            pltpu.async_copy(rows8_v,
                             dense_ref.at[idx2_v.at[pl.ds(j * CH, CH)]],
                             sem).wait()
            return carry

        lax.fori_loop(0, nchunk, _scatter, 0)


def _sanitize_normalize(src_ref, dst_ref, n, hw, c):
    chn = 512
    nch = hw // chn
    nf = jnp.maximum(n.astype(jnp.float32), 1.0)

    def _pa(i, acc):
        rows = lax.broadcasted_iota(jnp.int32, (chn, 1), 0) + i * chn
        v = jnp.where(rows < n, src_ref[0, pl.ds(i * chn, chn), :], 0.0)
        return acc + jnp.sum(v, axis=0, keepdims=True)

    mean = lax.fori_loop(0, nch, _pa, jnp.zeros((1, c), jnp.float32)) / nf

    def _pb(i, carry):
        rows = lax.broadcasted_iota(jnp.int32, (chn, 1), 0) + i * chn
        v = src_ref[0, pl.ds(i * chn, chn), :]
        bar = jnp.where(rows < n, v - mean, 0.0)
        n2 = jnp.sum(bar * bar, axis=1, keepdims=True)
        dst_ref[pl.ds(i * chn, chn), :] = (
            bar * lax.rsqrt(jnp.where(n2 == 0.0, 1.0, n2))
        ).astype(jnp.bfloat16)
        return carry

    lax.fori_loop(0, nch, _pb, 0)


def _tc_attn(hw, cnt_ref, q_ref, k_ref, v_ref, out_ref, qn_ref, kn_ref,
             w_ref):
    p = pl.program_id(0)
    rb = pl.program_id(1)
    ng = cnt_ref[2 * p * 16]
    nr = cnt_ref[(2 * p + 1) * 16]

    @pl.when(rb == 0)
    def _prep():
        rows_i = lax.broadcasted_iota(jnp.int32, (hw, 1), 0)
        _sanitize_normalize(q_ref, qn_ref, ng, hw, q_ref.shape[2])
        _sanitize_normalize(k_ref, kn_ref, nr, hw, k_ref.shape[2])
        vraw = v_ref[0]
        wcols = jnp.concatenate(
            [vraw[:, 0:3], jnp.ones((hw, 1), jnp.float32),
             jnp.zeros((hw, 4), jnp.float32)], axis=1)
        w_ref[...] = jnp.where(rows_i < nr, wcols, 0.0).astype(jnp.bfloat16)

    @pl.when(rb * RB < ng)
    def _compute():
        q = qn_ref[pl.ds(rb * RB, RB), :]
        ncb = (nr + CB - 1) // CB

        def _col(cb, acc):
            ks = kn_ref[pl.ds(cb * CB, CB), :]
            logits = lax.dot_general(q, ks, (((1,), (1,)), ((), ())),
                                     preferred_element_type=jnp.float32)
            e = jnp.exp(logits).astype(jnp.bfloat16)
            ws = w_ref[pl.ds(cb * CB, CB), :]
            return acc + lax.dot_general(
                e, ws, (((1,), (0,)), ((), ())),
                preferred_element_type=jnp.float32)

        acc = lax.fori_loop(0, ncb, _col, jnp.zeros((RB, 8), jnp.float32))
        res = acc[:, 0:3] / jnp.maximum(acc[:, 3:4], 1e-30)
        out_ref[0] = jnp.concatenate(
            [res, jnp.zeros((RB, 5), jnp.float32)], axis=1)


def _tc_merge(n_cls, n_ch, chm, cnt_ref, col_ref, gl_ref, out_ref):
    ib = pl.program_id(0)
    acc = jnp.full((chm, 3), -1.0, jnp.float32)
    for cidx in range(1, n_ch):
        p = ib * n_cls + cidx - 1
        ng = cnt_ref[2 * p * 16]
        nr = cnt_ref[(2 * p + 1) * 16]
        valid = (ng > 1) & (nr > 1)
        gm = gl_ref[0, :, cidx:cidx + 1] != 0
        sel = valid & gm
        acc = jnp.where(sel, col_ref[cidx - 1, :, 0:3], acc)
    out_ref[0] = acc


def kernel(gray_feature, rgb_feature, rgb_image, gray_label, rgb_label):
    b, c, h, w = gray_feature.shape
    n_ch = gray_label.shape[1]
    hw = h * w
    n_cls = n_ch - 1
    n_pairs = b * n_cls
    n_units = 2 * n_pairs
    hwp = hw + 8
    nchp1 = hw // CH + 1
    n_rb = hw // RB

    gfT = jnp.swapaxes(gray_feature.reshape(b, c, hw), 1, 2)
    rfT = jnp.swapaxes(rgb_feature.reshape(b, c, hw), 1, 2)
    tabcat = jnp.pad(jnp.concatenate([gfT, rfT], axis=0),
                     ((0, 0), (0, 8), (0, 0))).reshape(2 * b * hwp, c)
    vT1 = jnp.pad(jnp.swapaxes(rgb_image.reshape(b, 3, hw), 1, 2),
                  ((0, 0), (0, 8), (0, 5)))
    vT = jnp.concatenate([vT1, vT1], axis=0).reshape(2 * b * hwp, 8)
    labcat = jnp.stack([gray_label.reshape(b, n_ch, hw),
                        rgb_label.reshape(b, n_ch, hw)],
                       axis=0).reshape(2 * b * n_ch * hw)
    glT = jnp.swapaxes(gray_label.reshape(b, n_ch, hw), 1, 2)
    rlT = jnp.swapaxes(rgb_label.reshape(b, n_ch, hw), 1, 2)

    uu = jnp.arange(n_units, dtype=jnp.int32)
    t_in_u = (uu % 2) * b + (uu // 2) // n_cls
    gbases = jnp.repeat(t_in_u * hwp, 16)
    sbases = jnp.repeat((uu // 2) * hwp, 16)
    bases = jnp.concatenate([gbases, sbases])

    info = plsc.get_sparse_core_info()
    nw = info.num_cores * info.num_subcores
    reps = -(-n_units // nw)

    mesh = plsc.VectorSubcoreMesh(core_axis_name="c", subcore_axis_name="s")
    sc_params = pltpu.CompilerParams(needs_layout_passes=False, use_tc_tiling_on_sc=False)
    qkc, vc, idxo, cnto = pl.kernel(
        functools.partial(_sc_compact_gather, n_pairs, n_cls, n_ch, b, hw, c,
                          n_units, nw, reps),
        out_type=[
            jax.ShapeDtypeStruct((n_units, hw, c), jnp.float32),
            jax.ShapeDtypeStruct((n_pairs, hw, 8), jnp.float32),
            jax.ShapeDtypeStruct((n_units * nchp1 * CH,), jnp.int32),
            jax.ShapeDtypeStruct((n_units * 16,), jnp.int32),
        ],
        mesh=mesh,
        scratch_types=[
            pltpu.VMEM((hw,), jnp.int32),
            pltpu.VMEM((nchp1 * CH,), jnp.int32),
            pltpu.VMEM((nchp1 * CH,), jnp.int32),
            pltpu.VMEM((CH, c), jnp.float32),
            pltpu.VMEM((CH, 8), jnp.float32),
            pltpu.VMEM((16,), jnp.int32),
            pltpu.VMEM((16,), jnp.int32),
            pltpu.VMEM((16,), jnp.int32),
            pltpu.VMEM((16,), jnp.int32),
            pltpu.SemaphoreType.DMA,
        ],
        compiler_params=sc_params,
    )(tabcat, vT, labcat, bases)

    colc = pl.pallas_call(
        functools.partial(_tc_attn, hw),
        grid_spec=pltpu.PrefetchScalarGridSpec(
            num_scalar_prefetch=1,
            grid=(n_pairs, n_rb),
            in_specs=[
                pl.BlockSpec((1, hw, c), lambda p, r, s: (p, 0, 0)),
                pl.BlockSpec((1, hw, c), lambda p, r, s: (n_pairs + p, 0, 0)),
                pl.BlockSpec((1, hw, 8), lambda p, r, s: (p, 0, 0)),
            ],
            out_specs=pl.BlockSpec((1, RB, 8), lambda p, r, s: (p, r, 0)),
            scratch_shapes=[
                pltpu.VMEM((hw, c), jnp.bfloat16),
                pltpu.VMEM((hw, c), jnp.bfloat16),
                pltpu.VMEM((hw, 8), jnp.bfloat16),
            ],
        ),
        out_shape=jax.ShapeDtypeStruct((n_pairs, hw, 8), jnp.float32),
    )(cnto, qkc, qkc, vc)

    dense = pl.kernel(
        functools.partial(_sc_scatter, n_pairs, hw, nchp1),
        out_type=jax.ShapeDtypeStruct((n_pairs * hwp, 8), jnp.float32),
        mesh=mesh,
        scratch_types=[
            pltpu.VMEM((nchp1 * CH,), jnp.int32),
            pltpu.VMEM((CH, 8), jnp.float32),
            pltpu.VMEM((16,), jnp.int32),
            pltpu.SemaphoreType.DMA,
        ],
        compiler_params=sc_params,
    )(colc, idxo, cnto).reshape(n_pairs, hwp, 8)

    chm = 512
    dense_hw = dense[:, :hw, :]
    canvasT = pl.pallas_call(
        functools.partial(_tc_merge, n_cls, n_ch, chm),
        grid_spec=pltpu.PrefetchScalarGridSpec(
            num_scalar_prefetch=1,
            grid=(b, hw // chm),
            in_specs=[
                pl.BlockSpec((n_cls, chm, 8), lambda i, j, s: (i, j, 0)),
                pl.BlockSpec((1, chm, n_ch), lambda i, j, s: (i, j, 0)),
            ],
            out_specs=pl.BlockSpec((1, chm, 3), lambda i, j, s: (i, j, 0)),
        ),
        out_shape=jax.ShapeDtypeStruct((b, hw, 3), jnp.float32),
    )(cnto, dense_hw, glT)
    return jnp.swapaxes(canvasT, 1, 2).reshape(b, 3, h, w)

# --- scband reference (transcript-rebuilt; emitter-appended) ---
"""Pipeline reference for scband-c-net-77807627534400 (READ-ONLY COPY).

The authoritative reference and input builder live on the scoring server;
editing this copy changes nothing except your own understanding.
"""

import jax, jax.numpy as jnp
import numpy as np

def setup_inputs(seed: int = 0):
    key = jax.random.key(seed)
    b, c, h, w, n_ch = 2, 128, 64, 64, 12
    ks = jax.random.split(key, 5)
    gray_feature = jax.random.normal(ks[0], (b, c, h, w), dtype=jnp.float32)
    rgb_feature = jax.random.normal(ks[1], (b, c, h, w), dtype=jnp.float32)
    rgb_image = jax.random.uniform(ks[2], (b, 3, h, w), dtype=jnp.float32)
    gray_label = jax.random.randint(ks[3], (b, n_ch, h, w), 0, 2).astype(jnp.int32)
    rgb_label = jax.random.randint(ks[4], (b, n_ch, h, w), 0, 2).astype(jnp.int32)
    return {"gray_feature": gray_feature, "rgb_feature": rgb_feature, "rgb_image": rgb_image, "gray_label": gray_label, "rgb_label": rgb_label}

def reference(gray_feature, rgb_feature, rgb_image, gray_label, rgb_label):
    b, c, h, w = gray_feature.shape
    n_ch = gray_label.shape[1]
    hw = h * w
    canvas = -jnp.ones_like(rgb_image)
    for b_idx in range(b):
        for c_idx in range(1, n_ch):
            gm = (gray_label[b_idx, c_idx] != 0).reshape(hw)
            rm = (rgb_label[b_idx, c_idx] != 0).reshape(hw)
            ng = gm.sum()
            nr = rm.sum()
            valid = (ng > 1) & (nr > 1)
            gmf = gm.astype(gray_feature.dtype)
            rmf = rm.astype(rgb_feature.dtype)
            G = gray_feature[b_idx].reshape(c, hw)
            g_mean = (G * gmf).sum(axis=1, keepdims=True) / jnp.maximum(ng, 1).astype(gray_feature.dtype)
            g_bar = (G - g_mean) * gmf
            g_norm = jnp.linalg.norm(g_bar, axis=0, keepdims=True)
            gray_n = g_bar / jnp.where(g_norm == 0, 1.0, g_norm)
            R = rgb_feature[b_idx].reshape(c, hw)
            r_mean = (R * rmf).sum(axis=1, keepdims=True) / jnp.maximum(nr, 1).astype(rgb_feature.dtype)
            r_bar = (R - r_mean) * rmf
            r_norm = jnp.linalg.norm(r_bar, axis=0, keepdims=True)
            rgb_n = r_bar / jnp.where(r_norm == 0, 1.0, r_norm)
            logits = jnp.matmul(gray_n.T, rgb_n)
            logits = jnp.where(rm[None, :], logits, -jnp.inf)
            corr = jax.nn.softmax(logits, axis=1)
            rgb_pixels = rgb_image[b_idx].reshape(3, hw)
            colorized = jnp.matmul(corr, rgb_pixels.T).T
            cur = canvas[b_idx].reshape(3, hw)
            updated = jnp.where(valid & gm[None, :], colorized, cur)
            canvas = canvas.at[b_idx].set(updated.reshape(3, h, w))
    return canvas

if __name__ == "__main__":
    import jax
    _d = setup_inputs()
    print(jax.jit(kernel)(*tuple(_d.values())))

</pallas_src>

<mosaic_0001>
#map = affine_map<(d0, d1) -> (0, 0, 0)>
#map1 = affine_map<(d0, d1) -> (0)>
#map2 = affine_map<(d0, d1) -> (0, 0)>
module attributes {stable_mosaic.version = 14 : i64} {
  func.func @_sc_scatter(%arg0: i32, %arg1: i32, %arg2: memref<22x4096x8xf32, #tpu.memory_space<hbm>>, %arg3: memref<202752xi32, #tpu.memory_space<hbm>>, %arg4: memref<704xi32, #tpu.memory_space<hbm>>, %arg5: memref<90288x8xf32, #tpu.memory_space<hbm>>, %arg6: memref<4608xi32, #tpu.memory_space<vmem>>, %arg7: memref<512x8xf32, #tpu.memory_space<vmem>>, %arg8: memref<16xi32, #tpu.memory_space<vmem>>, %arg9: memref<!tpu.dma_semaphore, #tpu.memory_space<semaphore_mem>>) attributes {dimension_semantics = [#tpu.dimension_semantics<core_parallel>, #tpu.dimension_semantics<subcore_parallel>], iteration_bounds = array<i64: 2, 16>, scalar_prefetch = 0 : i64, scratch_operands = 4 : i64, tpu.core_type = #tpu.core_type<sc_vector_subcore>, window_params = [{transform_indices = #map}, {transform_indices = #map1}, {transform_indices = #map1}, {transform_indices = #map2}]} {
    %mul3A = arith.constant 2 : i32
    %mul3A_0 = arith.muli %arg1, %mul3A : i32
    %add3A = arith.addi %mul3A_0, %arg0 : i32
    %lt3A = arith.constant 22 : i32
    %lt3A_1 = arith.cmpi slt, %add3A, %lt3A : i32
    %convert_element_type3A = arith.extui %lt3A_1 : i1 to i32
    %cond3A = arith.constant 0 : i32
    %cond3A_2 = arith.cmpi ne, %convert_element_type3A, %cond3A : i32
    scf.if %cond3A_2 {
      %mul3A_3 = arith.constant 2 : i32
      %mul3A_4 = arith.muli %mul3A_3, %add3A : i32
      %mul3A_5 = arith.constant 16 : i32
      %mul3A_6 = arith.muli %mul3A_4, %mul3A_5 : i32
      "tpu.region"() ({
        %run_scoped3A = tpu.sem_alloc : memref<!tpu.dma_semaphore, #tpu.memory_space<semaphore_mem>>
        %dma_start3A = tpu.memref_slice %arg4[%mul3A_6] : memref<704xi32, #tpu.memory_space<hbm>> -> memref<16xi32, #tpu.memory_space<hbm>>
        %dma_start3A_48 = tpu.memref_slice %arg4[%mul3A_6] : memref<704xi32, #tpu.memory_space<hbm>> -> memref<16xi32, #tpu.memory_space<hbm>>
        tpu.enqueue_dma source(%dma_start3A_48 : memref<16xi32, #tpu.memory_space<hbm>>) target(%arg8 : memref<16xi32, #tpu.memory_space<vmem>>) target_semaphore(%run_scoped3A : memref<!tpu.dma_semaphore, #tpu.memory_space<semaphore_mem>>)
        %dma_wait3A = tpu.memref_slice %arg4[%mul3A_6] : memref<704xi32, #tpu.memory_space<hbm>> -> memref<16xi32, #tpu.memory_space<hbm>>
        %dma_wait3A_49 = tpu.memref_slice %arg4[%mul3A_6] : memref<704xi32, #tpu.memory_space<hbm>> -> memref<16xi32, #tpu.memory_space<hbm>>
        tpu.wait_dma2 semaphore(%run_scoped3A : memref<!tpu.dma_semaphore, #tpu.memory_space<semaphore_mem>>) src(%dma_wait3A_49 : memref<16xi32, #tpu.memory_space<hbm>>) dst(%arg8 : memref<16xi32, #tpu.memory_space<vmem>>)
        tpu.yield
      }) : () -> ()
      %get3A = arith.constant 0 : index
      %get3A_7 = tpu.vector_load %arg8[%get3A] {strides = array<i32>} : memref<16xi32, #tpu.memory_space<vmem>>, vector<16xi32>,
      %reduce_max3A = arith.constant true
      %reduce_max3A_8 = vector.broadcast %reduce_max3A : i1 to vector<16xi1>
      %reduce_max3A_9 = arith.constant -2147483648 : i32
      %reduce_max3A_10 = vector.broadcast %reduce_max3A_9 : i32 to vector<16xi32>
      %reduce_max3A_11 = arith.xori %get3A_7, %reduce_max3A_10 : vector<16xi32>
      %reduce_max3A_12 = tpu.scan <max>, %reduce_max3A_11 masked %reduce_max3A_8 : vector<16xi32>, vector<16xi1> -> vector<16xi32>
      %reduce_max3A_13 = arith.xori %reduce_max3A_12, %reduce_max3A_10 : vector<16xi32>
      %reduce_max3A_14 = vector.extract %reduce_max3A_13[15] : i32 from vector<16xi32>
      %mul3A_15 = arith.constant 9 : i32
      %mul3A_16 = arith.muli %mul3A_4, %mul3A_15 : i32
      %mul3A_17 = arith.constant 512 : i32
      %mul3A_18 = arith.muli %mul3A_16, %mul3A_17 : i32
      "tpu.region"() ({
        %run_scoped3A = tpu.sem_alloc : memref<!tpu.dma_semaphore, #tpu.memory_space<semaphore_mem>>
        %dma_start3A = tpu.memref_slice %arg3[%mul3A_18] : memref<202752xi32, #tpu.memory_space<hbm>> -> memref<4608xi32, #tpu.memory_space<hbm>>
        %dma_start3A_48 = tpu.memref_slice %arg3[%mul3A_18] : memref<202752xi32, #tpu.memory_space<hbm>> -> memref<4608xi32, #tpu.memory_space<hbm>>
        tpu.enqueue_dma source(%dma_start3A_48 : memref<4608xi32, #tpu.memory_space<hbm>>) target(%arg6 : memref<4608xi32, #tpu.memory_space<vmem>>) target_semaphore(%run_scoped3A : memref<!tpu.dma_semaphore, #tpu.memory_space<semaphore_mem>>)
        %dma_wait3A = tpu.memref_slice %arg3[%mul3A_18] : memref<202752xi32, #tpu.memory_space<hbm>> -> memref<4608xi32, #tpu.memory_space<hbm>>
        %dma_wait3A_49 = tpu.memref_slice %arg3[%mul3A_18] : memref<202752xi32, #tpu.memory_space<hbm>> -> memref<4608xi32, #tpu.memory_space<hbm>>
        tpu.wait_dma2 semaphore(%run_scoped3A : memref<!tpu.dma_semaphore, #tpu.memory_space<semaphore_mem>>) src(%dma_wait3A_49 : memref<4608xi32, #tpu.memory_space<hbm>>) dst(%arg6 : memref<4608xi32, #tpu.memory_space<vmem>>)
        tpu.yield
      }) : () -> ()
      %add3A_19 = arith.constant 512 : i32
      %add3A_20 = arith.addi %reduce_max3A_14, %add3A_19 : i32
      %sub3A = arith.constant 1 : i32
      %sub3A_21 = arith.subi %add3A_20, %sub3A : i32
      %jit3A = arith.constant 512 : i32
      %div3A = arith.divsi %sub3A_21, %jit3A : i32
      %sign3A = arith.constant 0 : i32
      %sign3A_22 = arith.cmpi sgt, %sub3A_21, %sign3A : i32
      %sign3A_23 = arith.extui %sign3A_22 : i1 to i32
      %sign3A_24 = arith.constant 0 : i32
      %sign3A_25 = arith.cmpi slt, %sub3A_21, %sign3A_24 : i32
      %sign3A_26 = arith.extui %sign3A_25 : i1 to i32
      %sign3A_27 = arith.subi %sign3A_23, %sign3A_26 : i32
      %sign3A_28 = arith.constant 0 : i32
      %sign3A_29 = arith.cmpi sgt, %jit3A, %sign3A_28 : i32
      %sign3A_30 = arith.extui %sign3A_29 : i1 to i32
      %sign3A_31 = arith.constant 0 : i32
      %sign3A_32 = arith.cmpi slt, %jit3A, %sign3A_31 : i32
      %sign3A_33 = arith.extui %sign3A_32 : i1 to i32
      %sign3A_34 = arith.subi %sign3A_30, %sign3A_33 : i32
      %ne3A = arith.cmpi ne, %sign3A_27, %sign3A_34 : i32
      %rem3A = arith.remsi %sub3A_21, %jit3A : i32
      %ne3A_35 = arith.constant 0 : i32
      %ne3A_36 = arith.cmpi ne, %rem3A, %ne3A_35 : i32
      %and3A = arith.andi %ne3A, %ne3A_36 : i1
      %sub3A_37 = arith.constant 1 : i32
      %sub3A_38 = arith.subi %div3A, %sub3A_37 : i32
      %select_n3A = arith.select %and3A, %sub3A_38, %div3A : i32
      %while3A = arith.constant 0 : i32
      %while3A_39 = arith.constant 0 : i32
      %while3A_40 = arith.subi %select_n3A, %while3A_39 : i32
      %while3A_41 = arith.addi %while3A_39, %while3A_40 : i32
      %while3A_42 = arith.constant 1 : i32
      %while3A_43 = arith.divsi %while3A_40, %while3A_42 : i32
      %while3A_44 = arith.muli %while3A_43, %while3A_42 : i32
      %while3A_45 = arith.addi %while3A_39, %while3A_44 : i32
      %while3A_46 = arith.constant 1 : i32
      scf.for %while3A_48 = %while3A_39 to %while3A_45 step %while3A_46  : i32 {
        %mul3A_49 = arith.constant 512 : i32
        %mul3A_50 = arith.muli %while3A_48, %mul3A_49 : i32
        "tpu.region"() ({
          %run_scoped3A = tpu.sem_alloc : memref<!tpu.dma_semaphore, #tpu.memory_space<semaphore_mem>>
          %dma_start3A_59 = arith.constant 0 : i32
          %dma_start3A_60 = arith.constant 0 : i32
          %dma_start3A_61 = tpu.memref_slice %arg2[%add3A, %dma_start3A_59, %dma_start3A_60] : memref<22x4096x8xf32, #tpu.memory_space<hbm>> -> memref<1x4096x8xf32, #tpu.memory_space<hbm>>
          %dma_start3A_62 = tpu.memref_squeeze %dma_start3A_61 : memref<1x4096x8xf32, #tpu.memory_space<hbm>> -> memref<4096x8xf32, #tpu.memory_space<hbm>>
          %dma_start3A_63 = arith.constant 0 : i32
          %dma_start3A_64 = tpu.memref_slice %dma_start3A_62[%mul3A_50, %dma_start3A_63] : memref<4096x8xf32, #tpu.memory_space<hbm>> -> memref<512x8xf32, #tpu.memory_space<hbm>>
          %dma_start3A_65 = arith.constant 0 : i32
          %dma_start3A_66 = arith.constant 0 : i32
          %dma_start3A_67 = tpu.memref_slice %arg2[%add3A, %dma_start3A_65, %dma_start3A_66] : memref<22x4096x8xf32, #tpu.memory_space<hbm>> -> memref<1x4096x8xf32, #tpu.memory_space<hbm>>
          %dma_start3A_68 = tpu.memref_squeeze %dma_start3A_67 : memref<1x4096x8xf32, #tpu.memory_space<hbm>> -> memref<4096x8xf32, #tpu.memory_space<hbm>>
          %dma_start3A_69 = arith.constant 0 : i32
          %dma_start3A_70 = tpu.memref_slice %dma_start3A_68[%mul3A_50, %dma_start3A_69] : memref<4096x8xf32, #tpu.memory_space<hbm>> -> memref<512x8xf32, #tpu.memory_space<hbm>>
          tpu.enqueue_dma source(%dma_start3A_70 : memref<512x8xf32, #tpu.memory_space<hbm>>) target(%arg7 : memref<512x8xf32, #tpu.memory_space<vmem>>) target_semaphore(%run_scoped3A : memref<!tpu.dma_semaphore, #tpu.memory_space<semaphore_mem>>)
          %dma_wait3A_71 = arith.constant 0 : i32
          %dma_wait3A_72 = arith.constant 0 : i32
          %dma_wait3A_73 = tpu.memref_slice %arg2[%add3A, %dma_wait3A_71, %dma_wait3A_72] : memref<22x4096x8xf32, #tpu.memory_space<hbm>> -> memref<1x4096x8xf32, #tpu.memory_space<hbm>>
          %dma_wait3A_74 = tpu.memref_squeeze %dma_wait3A_73 : memref<1x4096x8xf32, #tpu.memory_space<hbm>> -> memref<4096x8xf32, #tpu.memory_space<hbm>>
          %dma_wait3A_75 = arith.constant 0 : i32
          %dma_wait3A_76 = tpu.memref_slice %dma_wait3A_74[%mul3A_50, %dma_wait3A_75] : memref<4096x8xf32, #tpu.memory_space<hbm>> -> memref<512x8xf32, #tpu.memory_space<hbm>>
          %dma_wait3A_77 = arith.constant 0 : i32
          %dma_wait3A_78 = arith.constant 0 : i32
          %dma_wait3A_79 = tpu.memref_slice %arg2[%add3A, %dma_wait3A_77, %dma_wait3A_78] : memref<22x4096x8xf32, #tpu.memory_space<hbm>> -> memref<1x4096x8xf32, #tpu.memory_space<hbm>>
          %dma_wait3A_80 = tpu.memref_squeeze %dma_wait3A_79 : memref<1x4096x8xf32, #tpu.memory_space<hbm>> -> memref<4096x8xf32, #tpu.memory_space<hbm>>
          %dma_wait3A_81 = arith.constant 0 : i32
          %dma_wait3A_82 = tpu.memref_slice %dma_wait3A_80[%mul3A_50, %dma_wait3A_81] : memref<4096x8xf32, #tpu.memory_space<hbm>> -> memref<512x8xf32, #tpu.memory_space<hbm>>
          tpu.wait_dma2 semaphore(%run_scoped3A : memref<!tpu.dma_semaphore, #tpu.memory_space<semaphore_mem>>) src(%dma_wait3A_82 : memref<512x8xf32, #tpu.memory_space<hbm>>) dst(%arg7 : memref<512x8xf32, #tpu.memory_space<vmem>>)
          tpu.yield
        }) : () -> ()
        %mul3A_51 = arith.constant 512 : i32
        %mul3A_52 = arith.muli %while3A_48, %mul3A_51 : i32
        %dma_start3A = tpu.memref_slice %arg6[%mul3A_52] : memref<4608xi32, #tpu.memory_space<vmem>> -> memref<512xi32, #tpu.memory_space<vmem>>
        %dma_start3A_53 = arith.constant 0 : i32
        %dma_start3A_54 = arith.constant 0 : i32
        %dma_start3A_55 = tpu.memref_slice %arg5[%dma_start3A_53, %dma_start3A_54] : memref<90288x8xf32, #tpu.memory_space<hbm>> -> memref<90288x8xf32, #tpu.memory_space<hbm>>
        tpu.enqueue_indirect_dma source(%arg7 : memref<512x8xf32, #tpu.memory_space<vmem>>) target(%dma_start3A_55 : memref<90288x8xf32, #tpu.memory_space<hbm>>) offsets(%dma_start3A : memref<512xi32, #tpu.memory_space<vmem>>) semaphore(%arg9 : memref<!tpu.dma_semaphore, #tpu.memory_space<semaphore_mem>>)
        %dma_wait3A = tpu.memref_slice %arg6[%mul3A_52] : memref<4608xi32, #tpu.memory_space<vmem>> -> memref<512xi32, #tpu.memory_space<vmem>>
        %dma_wait3A_56 = arith.constant 0 : i32
        %dma_wait3A_57 = arith.constant 0 : i32
        %dma_wait3A_58 = tpu.memref_slice %arg5[%dma_wait3A_56, %dma_wait3A_57] : memref<90288x8xf32, #tpu.memory_space<hbm>> -> memref<90288x8xf32, #tpu.memory_space<hbm>>
        tpu.wait_indirect_dma semaphore(%arg9 : memref<!tpu.dma_semaphore, #tpu.memory_space<semaphore_mem>>) src(%arg7 : memref<512x8xf32, #tpu.memory_space<vmem>>) dst(%dma_wait3A_58 : memref<90288x8xf32, #tpu.memory_space<hbm>>)
      }
      %while3A_47 = arith.constant 1 : i32
      scf.for %while3A_48 = %while3A_45 to %while3A_41 step %while3A_47  : i32 {
        %mul3A_49 = arith.constant 512 : i32
        %mul3A_50 = arith.muli %while3A_48, %mul3A_49 : i32
        "tpu.region"() ({
          %run_scoped3A = tpu.sem_alloc : memref<!tpu.dma_semaphore, #tpu.memory_space<semaphore_mem>>
          %dma_start3A_59 = arith.constant 0 : i32
          %dma_start3A_60 = arith.constant 0 : i32
          %dma_start3A_61 = tpu.memref_slice %arg2[%add3A, %dma_start3A_59, %dma_start3A_60] : memref<22x4096x8xf32, #tpu.memory_space<hbm>> -> memref<1x4096x8xf32, #tpu.memory_space<hbm>>
          %dma_start3A_62 = tpu.memref_squeeze %dma_start3A_61 : memref<1x4096x8xf32, #tpu.memory_space<hbm>> -> memref<4096x8xf32, #tpu.memory_space<hbm>>
          %dma_start3A_63 = arith.constant 0 : i32
          %dma_start3A_64 = tpu.memref_slice %dma_start3A_62[%mul3A_50, %dma_start3A_63] : memref<4096x8xf32, #tpu.memory_space<hbm>> -> memref<512x8xf32, #tpu.memory_space<hbm>>
          %dma_start3A_65 = arith.constant 0 : i32
          %dma_start3A_66 = arith.constant 0 : i32
          %dma_start3A_67 = tpu.memref_slice %arg2[%add3A, %dma_start3A_65, %dma_start3A_66] : memref<22x4096x8xf32, #tpu.memory_space<hbm>> -> memref<1x4096x8xf32, #tpu.memory_space<hbm>>
          %dma_start3A_68 = tpu.memref_squeeze %dma_start3A_67 : memref<1x4096x8xf32, #tpu.memory_space<hbm>> -> memref<4096x8xf32, #tpu.memory_space<hbm>>
          %dma_start3A_69 = arith.constant 0 : i32
          %dma_start3A_70 = tpu.memref_slice %dma_start3A_68[%mul3A_50, %dma_start3A_69] : memref<4096x8xf32, #tpu.memory_space<hbm>> -> memref<512x8xf32, #tpu.memory_space<hbm>>
          tpu.enqueue_dma source(%dma_start3A_70 : memref<512x8xf32, #tpu.memory_space<hbm>>) target(%arg7 : memref<512x8xf32, #tpu.memory_space<vmem>>) target_semaphore(%run_scoped3A : memref<!tpu.dma_semaphore, #tpu.memory_space<semaphore_mem>>)
          %dma_wait3A_71 = arith.constant 0 : i32
          %dma_wait3A_72 = arith.constant 0 : i32
          %dma_wait3A_73 = tpu.memref_slice %arg2[%add3A, %dma_wait3A_71, %dma_wait3A_72] : memref<22x4096x8xf32, #tpu.memory_space<hbm>> -> memref<1x4096x8xf32, #tpu.memory_space<hbm>>
          %dma_wait3A_74 = tpu.memref_squeeze %dma_wait3A_73 : memref<1x4096x8xf32, #tpu.memory_space<hbm>> -> memref<4096x8xf32, #tpu.memory_space<hbm>>
          %dma_wait3A_75 = arith.constant 0 : i32
          %dma_wait3A_76 = tpu.memref_slice %dma_wait3A_74[%mul3A_50, %dma_wait3A_75] : memref<4096x8xf32, #tpu.memory_space<hbm>> -> memref<512x8xf32, #tpu.memory_space<hbm>>
          %dma_wait3A_77 = arith.constant 0 : i32
          %dma_wait3A_78 = arith.constant 0 : i32
          %dma_wait3A_79 = tpu.memref_slice %arg2[%add3A, %dma_wait3A_77, %dma_wait3A_78] : memref<22x4096x8xf32, #tpu.memory_space<hbm>> -> memref<1x4096x8xf32, #tpu.memory_space<hbm>>
          %dma_wait3A_80 = tpu.memref_squeeze %dma_wait3A_79 : memref<1x4096x8xf32, #tpu.memory_space<hbm>> -> memref<4096x8xf32, #tpu.memory_space<hbm>>
          %dma_wait3A_81 = arith.constant 0 : i32
          %dma_wait3A_82 = tpu.memref_slice %dma_wait3A_80[%mul3A_50, %dma_wait3A_81] : memref<4096x8xf32, #tpu.memory_space<hbm>> -> memref<512x8xf32, #tpu.memory_space<hbm>>
          tpu.wait_dma2 semaphore(%run_scoped3A : memref<!tpu.dma_semaphore, #tpu.memory_space<semaphore_mem>>) src(%dma_wait3A_82 : memref<512x8xf32, #tpu.memory_space<hbm>>) dst(%arg7 : memref<512x8xf32, #tpu.memory_space<vmem>>)
          tpu.yield
        }) : () -> ()
        %mul3A_51 = arith.constant 512 : i32
        %mul3A_52 = arith.muli %while3A_48, %mul3A_51 : i32
        %dma_start3A = tpu.memref_slice %arg6[%mul3A_52] : memref<4608xi32, #tpu.memory_space<vmem>> -> memref<512xi32, #tpu.memory_space<vmem>>
        %dma_start3A_53 = arith.constant 0 : i32
        %dma_start3A_54 = arith.constant 0 : i32
        %dma_start3A_55 = tpu.memref_slice %arg5[%dma_start3A_53, %dma_start3A_54] : memref<90288x8xf32, #tpu.memory_space<hbm>> -> memref<90288x8xf32, #tpu.memory_space<hbm>>
        tpu.enqueue_indirect_dma source(%arg7 : memref<512x8xf32, #tpu.memory_space<vmem>>) target(%dma_start3A_55 : memref<90288x8xf32, #tpu.memory_space<hbm>>) offsets(%dma_start3A : memref<512xi32, #tpu.memory_space<vmem>>) semaphore(%arg9 : memref<!tpu.dma_semaphore, #tpu.memory_space<semaphore_mem>>)
        %dma_wait3A = tpu.memref_slice %arg6[%mul3A_52] : memref<4608xi32, #tpu.memory_space<vmem>> -> memref<512xi32, #tpu.memory_space<vmem>>
        %dma_wait3A_56 = arith.constant 0 : i32
        %dma_wait3A_57 = arith.constant 0 : i32
        %dma_wait3A_58 = tpu.memref_slice %arg5[%dma_wait3A_56, %dma_wait3A_57] : memref<90288x8xf32, #tpu.memory_space<hbm>> -> memref<90288x8xf32, #tpu.memory_space<hbm>>
        tpu.wait_indirect_dma semaphore(%arg9 : memref<!tpu.dma_semaphore, #tpu.memory_space<semaphore_mem>>) src(%arg7 : memref<512x8xf32, #tpu.memory_space<vmem>>) dst(%dma_wait3A_58 : memref<90288x8xf32, #tpu.memory_space<hbm>>)
      }
    } else {
    }
    return
  }
}

#map = affine_map<(d0, d1) -> (0, 0)>
#map1 = affine_map<(d0, d1) -> (0)>
#map2 = affine_map<(d0, d1) -> (0, 0, 0)>
module attributes {stable_mosaic.version = 14 : i64} {
  func.func @_sc_compact_gather(%arg0: i32, %arg1: i32, %arg2: memref<16416x128xf32, #tpu.memory_space<hbm>>, %arg3: memref<16416x8xf32, #tpu.memory_space<hbm>>, %arg4: memref<196608xi32, #tpu.memory_space<hbm>>, %arg5: memref<1408xi32, #tpu.memory_space<hbm>>, %arg6: memref<44x4096x128xf32, #tpu.memory_space<hbm>>, %arg7: memref<22x4096x8xf32, #tpu.memory_space<hbm>>, %arg8: memref<202752xi32, #tpu.memory_space<hbm>>, %arg9: memref<704xi32, #tpu.memory_space<hbm>>, %arg10: memref<4096xi32, #tpu.memory_space<vmem>>, %arg11: memref<4608xi32, #tpu.memory_space<vmem>>, %arg12: memref<4608xi32, #tpu.memory_space<vmem>>, %arg13: memref<512x128xf32, #tpu.memory_space<vmem>>, %arg14: memref<512x8xf32, #tpu.memory_space<vmem>>, %arg15: memref<16xi32, #tpu.memory_space<vmem>>, %arg16: memref<16xi32, #tpu.memory_space<vmem>>, %arg17: memref<16xi32, #tpu.memory_space<vmem>>, %arg18: memref<16xi32, #tpu.memory_space<vmem>>, %arg19: memref<!tpu.dma_semaphore, #tpu.memory_space<semaphore_mem>>) attributes {dimension_semantics = [#tpu.dimension_semantics<core_parallel>, #tpu.dimension_semantics<subcore_parallel>], iteration_bounds = array<i64: 2, 16>, scalar_prefetch = 0 : i64, scratch_operands = 10 : i64, tpu.core_type = #tpu.core_type<sc_vector_subcore>, window_params = [{transform_indices = #map}, {transform_indices = #map}, {transform_indices = #map1}, {transform_indices = #map1}, {transform_indices = #map2}, {transform_indices = #map2}, {transform_indices = #map1}, {transform_indices = #map1}]} {
    %mul3A = arith.constant 2 : i32
    %mul3A_0 = arith.muli %arg1, %mul3A : i32
    %add3A = arith.addi %mul3A_0, %arg0 : i32
    %add3A_1 = arith.constant 0 : i32
    %add3A_2 = arith.addi %add3A, %add3A_1 : i32
    %lt3A = arith.constant 44 : i32
    %lt3A_3 = arith.cmpi slt, %add3A_2, %lt3A : i32
    %convert_element_type3A = arith.extui %lt3A_3 : i1 to i32
    %cond3A = arith.constant 0 : i32
    %cond3A_4 = arith.cmpi ne, %convert_element_type3A, %cond3A : i32
    scf.if %cond3A_4 {
      %jit3A = arith.constant 2 : i32
      %eq3A = arith.constant 0 : i32
      %eq3A_12 = arith.cmpi eq, %jit3A, %eq3A : i32
      %jit3A_13 = arith.constant 1 : i32
      %select_n3A = arith.select %eq3A_12, %jit3A_13, %jit3A : i32
      %rem3A = arith.remsi %add3A_2, %select_n3A : i32
      %ne3A = arith.constant 0 : i32
      %ne3A_14 = arith.cmpi ne, %rem3A, %ne3A : i32
      %lt3A_15 = arith.constant 0 : i32
      %lt3A_16 = arith.cmpi slt, %rem3A, %lt3A_15 : i32
      %lt3A_17 = arith.constant 0 : i32
      %lt3A_18 = arith.cmpi slt, %select_n3A, %lt3A_17 : i32
      %ne3A_19 = arith.xori %lt3A_16, %lt3A_18 : i1
      %and3A = arith.andi %ne3A_19, %ne3A_14 : i1
      %add3A_20 = arith.addi %rem3A, %select_n3A : i32
      %select_n3A_21 = arith.select %and3A, %add3A_20, %rem3A : i32
      %jit3A_22 = arith.constant 2 : i32
      %div3A = arith.divsi %add3A_2, %jit3A_22 : i32
      %sign3A = arith.constant 0 : i32
      %sign3A_23 = arith.cmpi sgt, %add3A_2, %sign3A : i32
      %sign3A_24 = arith.extui %sign3A_23 : i1 to i32
      %sign3A_25 = arith.constant 0 : i32
      %sign3A_26 = arith.cmpi slt, %add3A_2, %sign3A_25 : i32
      %sign3A_27 = arith.extui %sign3A_26 : i1 to i32
      %sign3A_28 = arith.subi %sign3A_24, %sign3A_27 : i32
      %sign3A_29 = arith.constant 0 : i32
      %sign3A_30 = arith.cmpi sgt, %jit3A_22, %sign3A_29 : i32
      %sign3A_31 = arith.extui %sign3A_30 : i1 to i32
      %sign3A_32 = arith.constant 0 : i32
      %sign3A_33 = arith.cmpi slt, %jit3A_22, %sign3A_32 : i32
      %sign3A_34 = arith.extui %sign3A_33 : i1 to i32
      %sign3A_35 = arith.subi %sign3A_31, %sign3A_34 : i32
      %ne3A_36 = arith.cmpi ne, %sign3A_28, %sign3A_35 : i32
      %rem3A_37 = arith.remsi %add3A_2, %jit3A_22 : i32
      %ne3A_38 = arith.constant 0 : i32
      %ne3A_39 = arith.cmpi ne, %rem3A_37, %ne3A_38 : i32
      %and3A_40 = arith.andi %ne3A_36, %ne3A_39 : i1
      %sub3A = arith.constant 1 : i32
      %sub3A_41 = arith.subi %div3A, %sub3A : i32
      %select_n3A_42 = arith.select %and3A_40, %sub3A_41, %div3A : i32
      %jit3A_43 = arith.constant 11 : i32
      %div3A_44 = arith.divsi %select_n3A_42, %jit3A_43 : i32
      %sign3A_45 = arith.constant 0 : i32
      %sign3A_46 = arith.cmpi sgt, %select_n3A_42, %sign3A_45 : i32
      %sign3A_47 = arith.extui %sign3A_46 : i1 to i32
      %sign3A_48 = arith.constant 0 : i32
      %sign3A_49 = arith.cmpi slt, %select_n3A_42, %sign3A_48 : i32
      %sign3A_50 = arith.extui %sign3A_49 : i1 to i32
      %sign3A_51 = arith.subi %sign3A_47, %sign3A_50 : i32
      %sign3A_52 = arith.constant 0 : i32
      %sign3A_53 = arith.cmpi sgt, %jit3A_43, %sign3A_52 : i32
      %sign3A_54 = arith.extui %sign3A_53 : i1 to i32
      %sign3A_55 = arith.constant 0 : i32
      %sign3A_56 = arith.cmpi slt, %jit3A_43, %sign3A_55 : i32
      %sign3A_57 = arith.extui %sign3A_56 : i1 to i32
      %sign3A_58 = arith.subi %sign3A_54, %sign3A_57 : i32
      %ne3A_59 = arith.cmpi ne, %sign3A_51, %sign3A_58 : i32
      %rem3A_60 = arith.remsi %select_n3A_42, %jit3A_43 : i32
      %ne3A_61 = arith.constant 0 : i32
      %ne3A_62 = arith.cmpi ne, %rem3A_60, %ne3A_61 : i32
      %and3A_63 = arith.andi %ne3A_59, %ne3A_62 : i1
      %sub3A_64 = arith.constant 1 : i32
      %sub3A_65 = arith.subi %div3A_44, %sub3A_64 : i32
      %select_n3A_66 = arith.select %and3A_63, %sub3A_65, %div3A_44 : i32
      %jit3A_67 = arith.constant 11 : i32
      %eq3A_68 = arith.constant 0 : i32
      %eq3A_69 = arith.cmpi eq, %jit3A_67, %eq3A_68 : i32
      %jit3A_70 = arith.constant 1 : i32
      %select_n3A_71 = arith.select %eq3A_69, %jit3A_70, %jit3A_67 : i32
      %rem3A_72 = arith.remsi %select_n3A_42, %select_n3A_71 : i32
      %ne3A_73 = arith.constant 0 : i32
      %ne3A_74 = arith.cmpi ne, %rem3A_72, %ne3A_73 : i32
      %lt3A_75 = arith.constant 0 : i32
      %lt3A_76 = arith.cmpi slt, %rem3A_72, %lt3A_75 : i32
      %lt3A_77 = arith.constant 0 : i32
      %lt3A_78 = arith.cmpi slt, %select_n3A_71, %lt3A_77 : i32
      %ne3A_79 = arith.xori %lt3A_76, %lt3A_78 : i1
      %and3A_80 = arith.andi %ne3A_79, %ne3A_74 : i1
      %add3A_81 = arith.addi %rem3A_72, %select_n3A_71 : i32
      %select_n3A_82 = arith.select %and3A_80, %add3A_81, %rem3A_72 : i32
      %add3A_83 = arith.constant 1 : i32
      %add3A_84 = arith.addi %select_n3A_82, %add3A_83 : i32
      %mul3A_85 = arith.constant 2 : i32
      %mul3A_86 = arith.muli %select_n3A_21, %mul3A_85 : i32
      %add3A_87 = arith.addi %mul3A_86, %select_n3A_66 : i32
      %mul3A_88 = arith.constant 2 : i32
      %mul3A_89 = arith.muli %select_n3A_21, %mul3A_88 : i32
      %add3A_90 = arith.addi %mul3A_89, %select_n3A_66 : i32
      %mul3A_91 = arith.constant 12 : i32
      %mul3A_92 = arith.muli %add3A_90, %mul3A_91 : i32
      %add3A_93 = arith.addi %mul3A_92, %add3A_84 : i32
      %mul3A_94 = arith.constant 4096 : i32
      %mul3A_95 = arith.muli %add3A_93, %mul3A_94 : i32
      "tpu.region"() ({
        %run_scoped3A = tpu.sem_alloc : memref<!tpu.dma_semaphore, #tpu.memory_space<semaphore_mem>>
        %dma_start3A = tpu.memref_slice %arg4[%mul3A_95] : memref<196608xi32, #tpu.memory_space<hbm>> -> memref<4096xi32, #tpu.memory_space<hbm>>
        %dma_start3A_183 = tpu.memref_slice %arg4[%mul3A_95] : memref<196608xi32, #tpu.memory_space<hbm>> -> memref<4096xi32, #tpu.memory_space<hbm>>
        tpu.enqueue_dma source(%dma_start3A_183 : memref<4096xi32, #tpu.memory_space<hbm>>) target(%arg10 : memref<4096xi32, #tpu.memory_space<vmem>>) target_semaphore(%run_scoped3A : memref<!tpu.dma_semaphore, #tpu.memory_space<semaphore_mem>>)
        %dma_wait3A = tpu.memref_slice %arg4[%mul3A_95] : memref<196608xi32, #tpu.memory_space<hbm>> -> memref<4096xi32, #tpu.memory_space<hbm>>
        %dma_wait3A_184 = tpu.memref_slice %arg4[%mul3A_95] : memref<196608xi32, #tpu.memory_space<hbm>> -> memref<4096xi32, #tpu.memory_space<hbm>>
        tpu.wait_dma2 semaphore(%run_scoped3A : memref<!tpu.dma_semaphore, #tpu.memory_space<semaphore_mem>>) src(%dma_wait3A_184 : memref<4096xi32, #tpu.memory_space<hbm>>) dst(%arg10 : memref<4096xi32, #tpu.memory_space<vmem>>)
        tpu.yield
      }) : () -> ()
      %mul3A_96 = arith.constant 16 : i32
      %mul3A_97 = arith.muli %add3A_2, %mul3A_96 : i32
      "tpu.region"() ({
        %run_scoped3A = tpu.sem_alloc : memref<!tpu.dma_semaphore, #tpu.memory_space<semaphore_mem>>
        %dma_start3A = tpu.memref_slice %arg5[%mul3A_97] : memref<1408xi32, #tpu.memory_space<hbm>> -> memref<16xi32, #tpu.memory_space<hbm>>
        %dma_start3A_183 = tpu.memref_slice %arg5[%mul3A_97] : memref<1408xi32, #tpu.memory_space<hbm>> -> memref<16xi32, #tpu.memory_space<hbm>>
        tpu.enqueue_dma source(%dma_start3A_183 : memref<16xi32, #tpu.memory_space<hbm>>) target(%arg16 : memref<16xi32, #tpu.memory_space<vmem>>) target_semaphore(%run_scoped3A : memref<!tpu.dma_semaphore, #tpu.memory_space<semaphore_mem>>)
        %dma_wait3A = tpu.memref_slice %arg5[%mul3A_97] : memref<1408xi32, #tpu.memory_space<hbm>> -> memref<16xi32, #tpu.memory_space<hbm>>
        %dma_wait3A_184 = tpu.memref_slice %arg5[%mul3A_97] : memref<1408xi32, #tpu.memory_space<hbm>> -> memref<16xi32, #tpu.memory_space<hbm>>
        tpu.wait_dma2 semaphore(%run_scoped3A : memref<!tpu.dma_semaphore, #tpu.memory_space<semaphore_mem>>) src(%dma_wait3A_184 : memref<16xi32, #tpu.memory_space<hbm>>) dst(%arg16 : memref<16xi32, #tpu.memory_space<vmem>>)
        tpu.yield
      }) : () -> ()
      %add3A_98 = arith.constant 44 : i32
      %add3A_99 = arith.addi %add3A_98, %add3A_2 : i32
      %mul3A_100 = arith.constant 16 : i32
      %mul3A_101 = arith.muli %add3A_99, %mul3A_100 : i32
      "tpu.region"() ({
        %run_scoped3A = tpu.sem_alloc : memref<!tpu.dma_semaphore, #tpu.memory_space<semaphore_mem>>
        %dma_start3A = tpu.memref_slice %arg5[%mul3A_101] : memref<1408xi32, #tpu.memory_space<hbm>> -> memref<16xi32, #tpu.memory_space<hbm>>
        %dma_start3A_183 = tpu.memref_slice %arg5[%mul3A_101] : memref<1408xi32, #tpu.memory_space<hbm>> -> memref<16xi32, #tpu.memory_space<hbm>>
        tpu.enqueue_dma source(%dma_start3A_183 : memref<16xi32, #tpu.memory_space<hbm>>) target(%arg17 : memref<16xi32, #tpu.memory_space<vmem>>) target_semaphore(%run_scoped3A : memref<!tpu.dma_semaphore, #tpu.memory_space<semaphore_mem>>)
        %dma_wait3A = tpu.memref_slice %arg5[%mul3A_101] : memref<1408xi32, #tpu.memory_space<hbm>> -> memref<16xi32, #tpu.memory_space<hbm>>
        %dma_wait3A_184 = tpu.memref_slice %arg5[%mul3A_101] : memref<1408xi32, #tpu.memory_space<hbm>> -> memref<16xi32, #tpu.memory_space<hbm>>
        tpu.wait_dma2 semaphore(%run_scoped3A : memref<!tpu.dma_semaphore, #tpu.memory_space<semaphore_mem>>) src(%dma_wait3A_184 : memref<16xi32, #tpu.memory_space<hbm>>) dst(%arg17 : memref<16xi32, #tpu.memory_space<vmem>>)
        tpu.yield
      }) : () -> ()
      %iota3A = tpu.iota {dimensions = array<i32: 0>} : vector<16xi32>
      %get3A = arith.constant 0 : index
      %get3A_102 = tpu.vector_load %arg16[%get3A] {strides = array<i32>} : memref<16xi32, #tpu.memory_space<vmem>>, vector<16xi32>,
      %get3A_103 = arith.constant 0 : index
      %get3A_104 = tpu.vector_load %arg17[%get3A_103] {strides = array<i32>} : memref<16xi32, #tpu.memory_space<vmem>>, vector<16xi32>,
      %add3A_105 = arith.constant 4096 : i32
      %add3A_106 = vector.broadcast %add3A_105 : i32 to vector<16xi32>
      %add3A_107 = arith.addi %get3A_102, %add3A_106 : vector<16xi32>
      %add3A_108 = arith.constant 4096 : i32
      %add3A_109 = vector.broadcast %add3A_108 : i32 to vector<16xi32>
      %add3A_110 = arith.addi %get3A_104, %add3A_109 : vector<16xi32>
      %scan3A = arith.constant 0 : i32
      %scan3A_111 = arith.constant 0 : i32
      %scan3A_112 = arith.constant 288 : i32
      %scan3A_113 = arith.addi %scan3A_111, %scan3A_112 : i32
      %scan3A_114 = arith.constant 1 : i32
      scf.for %scan3A_183 = %scan3A_111 to %scan3A_113 step %scan3A_114  : i32 {
        %mul3A_184 = arith.constant 16 : i32
        %mul3A_185 = arith.muli %scan3A_183, %mul3A_184 : i32
        %swap3A_186 = arith.index_cast %mul3A_185 : i32 to index
        %swap3A_187 = tpu.vector_load %arg11[%swap3A_186] {strides = array<i32>} : memref<4608xi32, #tpu.memory_space<vmem>>, vector<16xi32>,
        tpu.vector_store %arg11[%swap3A_186], %add3A_107 {strides = array<i32>} : memref<4608xi32, #tpu.memory_space<vmem>>, vector<16xi32>,
        %mul3A_188 = arith.constant 16 : i32
        %mul3A_189 = arith.muli %scan3A_183, %mul3A_188 : i32
        %swap3A_190 = arith.index_cast %mul3A_189 : i32 to index
        %swap3A_191 = tpu.vector_load %arg12[%swap3A_190] {strides = array<i32>} : memref<4608xi32, #tpu.memory_space<vmem>>, vector<16xi32>,
        tpu.vector_store %arg12[%swap3A_190], %add3A_110 {strides = array<i32>} : memref<4608xi32, #tpu.memory_space<vmem>>, vector<16xi32>,
      }
      %scan3A_115 = arith.constant 288 : i32
      %broadcast_in_dim3A = arith.constant 15 : i32
      %broadcast_in_dim3A_116 = vector.broadcast %broadcast_in_dim3A : i32 to vector<16xi32>
      %broadcast_in_dim3A_117 = arith.constant 0 : i32
      %broadcast_in_dim3A_118 = vector.broadcast %broadcast_in_dim3A_117 : i32 to vector<16xi32>
      %add3A_119 = arith.addi %iota3A, %get3A_102 : vector<16xi32>
      %add3A_120 = arith.addi %iota3A, %get3A_104 : vector<16xi32>
      %scan3A_121 = arith.constant 0 : i32
      %scan3A_122 = arith.constant 256 : i32
      %scan3A_123 = arith.addi %scan3A_121, %scan3A_122 : i32
      %scan3A_124 = arith.constant 1 : i32
      %scan3A_125:3 = scf.for %scan3A_183 = %scan3A_121 to %scan3A_123 step %scan3A_124 iter_args(%scan3A_184 = %broadcast_in_dim3A_118, %scan3A_185 = %add3A_119, %scan3A_186 = %add3A_120) -> (vector<16xi32>, vector<16xi32>, vector<16xi32>)  : i32 {
        %mul3A_187 = arith.constant 16 : i32
        %mul3A_188 = arith.muli %scan3A_183, %mul3A_187 : i32
        %get3A_189 = arith.index_cast %mul3A_188 : i32 to index
        %get3A_190 = tpu.vector_load %arg10[%get3A_189] {strides = array<i32>} : memref<4096xi32, #tpu.memory_space<vmem>>, vector<16xi32>,
        %ne3A_191 = arith.constant 0 : i32
        %ne3A_192 = vector.broadcast %ne3A_191 : i32 to vector<16xi32>
        %ne3A_193 = arith.cmpi ne, %get3A_190, %ne3A_192 : vector<16xi32>
        %broadcast_in_dim3A_194 = arith.constant true
        %broadcast_in_dim3A_195 = vector.broadcast %broadcast_in_dim3A_194 : i1 to vector<16xi1>
        %masked_cumsum3A = tpu.scan <sum>, %get3A_190 masked %broadcast_in_dim3A_195 : vector<16xi32>, vector<16xi1> -> vector<16xi32>
        %add3A_196 = arith.addi %scan3A_184, %masked_cumsum3A : vector<16xi32>
        %sub3A_197 = arith.subi %add3A_196, %get3A_190 : vector<16xi32>
        tpu.vector_store_idx %arg11[%sub3A_197], %scan3A_185 masked %ne3A_193 : memref<4608xi32, #tpu.memory_space<vmem>>[vector<16xi32>], vector<16xi32>, vector<16xi1>
        tpu.vector_store_idx %arg12[%sub3A_197], %scan3A_186 masked %ne3A_193 : memref<4608xi32, #tpu.memory_space<vmem>>[vector<16xi32>], vector<16xi32>, vector<16xi1>
        %swap3A_198 = arith.constant 0 : index
        %swap3A_199 = tpu.vector_load %arg18[%swap3A_198] {strides = array<i32>} : memref<16xi32, #tpu.memory_space<vmem>>, vector<16xi32>,
        tpu.vector_store %arg18[%swap3A_198], %masked_cumsum3A {strides = array<i32>} : memref<16xi32, #tpu.memory_space<vmem>>, vector<16xi32>,
        %gather3A = tpu.vector_load_idx %arg18[%broadcast_in_dim3A_116] : memref<16xi32, #tpu.memory_space<vmem>>[vector<16xi32>], vector<16xi32>,
        %add3A_200 = arith.addi %scan3A_184, %gather3A : vector<16xi32>
        %add3A_201 = arith.constant 16 : i32
        %add3A_202 = vector.broadcast %add3A_201 : i32 to vector<16xi32>
        %add3A_203 = arith.addi %scan3A_185, %add3A_202 : vector<16xi32>
        %add3A_204 = arith.constant 16 : i32
        %add3A_205 = vector.broadcast %add3A_204 : i32 to vector<16xi32>
        %add3A_206 = arith.addi %scan3A_186, %add3A_205 : vector<16xi32>
        scf.yield %add3A_200, %add3A_203, %add3A_206 : vector<16xi32>, vector<16xi32>, vector<16xi32>
      }
      %scan3A_126 = arith.constant 256 : i32
      %reduce_max3A = arith.constant true
      %reduce_max3A_127 = vector.broadcast %reduce_max3A : i1 to vector<16xi1>
      %reduce_max3A_128 = arith.constant -2147483648 : i32
      %reduce_max3A_129 = vector.broadcast %reduce_max3A_128 : i32 to vector<16xi32>
      %reduce_max3A_130 = arith.xori %scan3A_125#0, %reduce_max3A_129 : vector<16xi32>
      %reduce_max3A_131 = tpu.scan <max>, %reduce_max3A_130 masked %reduce_max3A_127 : vector<16xi32>, vector<16xi1> -> vector<16xi32>
      %reduce_max3A_132 = arith.xori %reduce_max3A_131, %reduce_max3A_129 : vector<16xi32>
      %reduce_max3A_133 = vector.extract %reduce_max3A_132[15] : i32 from vector<16xi32>
      %swap3A = arith.constant 0 : index
      %swap3A_134 = tpu.vector_load %arg15[%swap3A] {strides = array<i32>} : memref<16xi32, #tpu.memory_space<vmem>>, vector<16xi32>,
      tpu.vector_store %arg15[%swap3A], %scan3A_125#0 {strides = array<i32>} : memref<16xi32, #tpu.memory_space<vmem>>, vector<16xi32>,
      %mul3A_135 = arith.constant 16 : i32
      %mul3A_136 = arith.muli %add3A_2, %mul3A_135 : i32
      "tpu.region"() ({
        %run_scoped3A = tpu.sem_alloc : memref<!tpu.dma_semaphore, #tpu.memory_space<semaphore_mem>>
        %dma_start3A = tpu.memref_slice %arg9[%mul3A_136] : memref<704xi32, #tpu.memory_space<hbm>> -> memref<16xi32, #tpu.memory_space<hbm>>
        %dma_start3A_183 = tpu.memref_slice %arg9[%mul3A_136] : memref<704xi32, #tpu.memory_space<hbm>> -> memref<16xi32, #tpu.memory_space<hbm>>
        tpu.enqueue_dma source(%arg15 : memref<16xi32, #tpu.memory_space<vmem>>) target(%dma_start3A_183 : memref<16xi32, #tpu.memory_space<hbm>>) target_semaphore(%run_scoped3A : memref<!tpu.dma_semaphore, #tpu.memory_space<semaphore_mem>>)
        %dma_wait3A = tpu.memref_slice %arg9[%mul3A_136] : memref<704xi32, #tpu.memory_space<hbm>> -> memref<16xi32, #tpu.memory_space<hbm>>
        %dma_wait3A_184 = tpu.memref_slice %arg9[%mul3A_136] : memref<704xi32, #tpu.memory_space<hbm>> -> memref<16xi32, #tpu.memory_space<hbm>>
        tpu.wait_dma2 semaphore(%run_scoped3A : memref<!tpu.dma_semaphore, #tpu.memory_space<semaphore_mem>>) src(%arg15 : memref<16xi32, #tpu.memory_space<vmem>>) dst(%dma_wait3A_184 : memref<16xi32, #tpu.memory_space<hbm>>)
        tpu.yield
      }) : () -> ()
      %mul3A_137 = arith.constant 9 : i32
      %mul3A_138 = arith.muli %add3A_2, %mul3A_137 : i32
      %mul3A_139 = arith.constant 512 : i32
      %mul3A_140 = arith.muli %mul3A_138, %mul3A_139 : i32
      "tpu.region"() ({
        %run_scoped3A = tpu.sem_alloc : memref<!tpu.dma_semaphore, #tpu.memory_space<semaphore_mem>>
        %dma_start3A = tpu.memref_slice %arg8[%mul3A_140] : memref<202752xi32, #tpu.memory_space<hbm>> -> memref<4608xi32, #tpu.memory_space<hbm>>
        %dma_start3A_183 = tpu.memref_slice %arg8[%mul3A_140] : memref<202752xi32, #tpu.memory_space<hbm>> -> memref<4608xi32, #tpu.memory_space<hbm>>
        tpu.enqueue_dma source(%arg12 : memref<4608xi32, #tpu.memory_space<vmem>>) target(%dma_start3A_183 : memref<4608xi32, #tpu.memory_space<hbm>>) target_semaphore(%run_scoped3A : memref<!tpu.dma_semaphore, #tpu.memory_space<semaphore_mem>>)
        %dma_wait3A = tpu.memref_slice %arg8[%mul3A_140] : memref<202752xi32, #tpu.memory_space<hbm>> -> memref<4608xi32, #tpu.memory_space<hbm>>
        %dma_wait3A_184 = tpu.memref_slice %arg8[%mul3A_140] : memref<202752xi32, #tpu.memory_space<hbm>> -> memref<4608xi32, #tpu.memory_space<hbm>>
        tpu.wait_dma2 semaphore(%run_scoped3A : memref<!tpu.dma_semaphore, #tpu.memory_space<semaphore_mem>>) src(%arg12 : memref<4608xi32, #tpu.memory_space<vmem>>) dst(%dma_wait3A_184 : memref<4608xi32, #tpu.memory_space<hbm>>)
        tpu.yield
      }) : () -> ()
      %add3A_141 = arith.constant 512 : i32
      %add3A_142 = arith.addi %reduce_max3A_133, %add3A_141 : i32
      %sub3A_143 = arith.constant 1 : i32
      %sub3A_144 = arith.subi %add3A_142, %sub3A_143 : i32
      %jit3A_145 = arith.constant 512 : i32
      %div3A_146 = arith.divsi %sub3A_144, %jit3A_145 : i32
      %sign3A_147 = arith.constant 0 : i32
      %sign3A_148 = arith.cmpi sgt, %sub3A_144, %sign3A_147 : i32
      %sign3A_149 = arith.extui %sign3A_148 : i1 to i32
      %sign3A_150 = arith.constant 0 : i32
      %sign3A_151 = arith.cmpi slt, %sub3A_144, %sign3A_150 : i32
      %sign3A_152 = arith.extui %sign3A_151 : i1 to i32
      %sign3A_153 = arith.subi %sign3A_149, %sign3A_152 : i32
      %sign3A_154 = arith.constant 0 : i32
      %sign3A_155 = arith.cmpi sgt, %jit3A_145, %sign3A_154 : i32
      %sign3A_156 = arith.extui %sign3A_155 : i1 to i32
      %sign3A_157 = arith.constant 0 : i32
      %sign3A_158 = arith.cmpi slt, %jit3A_145, %sign3A_157 : i32
      %sign3A_159 = arith.extui %sign3A_158 : i1 to i32
      %sign3A_160 = arith.subi %sign3A_156, %sign3A_159 : i32
      %ne3A_161 = arith.cmpi ne, %sign3A_153, %sign3A_160 : i32
      %rem3A_162 = arith.remsi %sub3A_144, %jit3A_145 : i32
      %ne3A_163 = arith.constant 0 : i32
      %ne3A_164 = arith.cmpi ne, %rem3A_162, %ne3A_163 : i32
      %and3A_165 = arith.andi %ne3A_161, %ne3A_164 : i1
      %sub3A_166 = arith.constant 1 : i32
      %sub3A_167 = arith.subi %div3A_146, %sub3A_166 : i32
      %select_n3A_168 = arith.select %and3A_165, %sub3A_167, %div3A_146 : i32
      %while3A = arith.constant 0 : i32
      %while3A_169 = arith.constant 0 : i32
      %while3A_170 = arith.subi %select_n3A_168, %while3A_169 : i32
      %while3A_171 = arith.addi %while3A_169, %while3A_170 : i32
      %while3A_172 = arith.constant 1 : i32
      %while3A_173 = arith.divsi %while3A_170, %while3A_172 : i32
      %while3A_174 = arith.muli %while3A_173, %while3A_172 : i32
      %while3A_175 = arith.addi %while3A_169, %while3A_174 : i32
      %while3A_176 = arith.constant 1 : i32
      scf.for %while3A_183 = %while3A_169 to %while3A_175 step %while3A_176  : i32 {
        %mul3A_184 = arith.constant 512 : i32
        %mul3A_185 = arith.muli %while3A_183, %mul3A_184 : i32
        %dma_start3A = tpu.memref_slice %arg11[%mul3A_185] : memref<4608xi32, #tpu.memory_space<vmem>> -> memref<512xi32, #tpu.memory_space<vmem>>
        %dma_start3A_186 = arith.constant 0 : i32
        %dma_start3A_187 = arith.constant 0 : i32
        %dma_start3A_188 = tpu.memref_slice %arg2[%dma_start3A_186, %dma_start3A_187] : memref<16416x128xf32, #tpu.memory_space<hbm>> -> memref<16416x128xf32, #tpu.memory_space<hbm>>
        tpu.enqueue_indirect_dma source(%dma_start3A_188 : memref<16416x128xf32, #tpu.memory_space<hbm>>) target(%arg13 : memref<512x128xf32, #tpu.memory_space<vmem>>) offsets(%dma_start3A : memref<512xi32, #tpu.memory_space<vmem>>) semaphore(%arg19 : memref<!tpu.dma_semaphore, #tpu.memory_space<semaphore_mem>>)
        %dma_wait3A = tpu.memref_slice %arg11[%mul3A_185] : memref<4608xi32, #tpu.memory_space<vmem>> -> memref<512xi32, #tpu.memory_space<vmem>>
        %dma_wait3A_189 = arith.constant 0 : i32
        %dma_wait3A_190 = arith.constant 0 : i32
        %dma_wait3A_191 = tpu.memref_slice %arg2[%dma_wait3A_189, %dma_wait3A_190] : memref<16416x128xf32, #tpu.memory_space<hbm>> -> memref<16416x128xf32, #tpu.memory_space<hbm>>
        tpu.wait_indirect_dma semaphore(%arg19 : memref<!tpu.dma_semaphore, #tpu.memory_space<semaphore_mem>>) src(%dma_wait3A_191 : memref<16416x128xf32, #tpu.memory_space<hbm>>) dst(%arg13 : memref<512x128xf32, #tpu.memory_space<vmem>>)
        %mul3A_192 = arith.constant 512 : i32
        %mul3A_193 = arith.muli %while3A_183, %mul3A_192 : i32
        "tpu.region"() ({
          %run_scoped3A = tpu.sem_alloc : memref<!tpu.dma_semaphore, #tpu.memory_space<semaphore_mem>>
          %dma_start3A_194 = arith.constant 0 : i32
          %dma_start3A_195 = arith.constant 0 : i32
          %dma_start3A_196 = tpu.memref_slice %arg6[%add3A_2, %dma_start3A_194, %dma_start3A_195] : memref<44x4096x128xf32, #tpu.memory_space<hbm>> -> memref<1x4096x128xf32, #tpu.memory_space<hbm>>
          %dma_start3A_197 = tpu.memref_squeeze %dma_start3A_196 : memref<1x4096x128xf32, #tpu.memory_space<hbm>> -> memref<4096x128xf32, #tpu.memory_space<hbm>>
          %dma_start3A_198 = arith.constant 0 : i32
          %dma_start3A_199 = tpu.memref_slice %dma_start3A_197[%mul3A_193, %dma_start3A_198] : memref<4096x128xf32, #tpu.memory_space<hbm>> -> memref<512x128xf32, #tpu.memory_space<hbm>>
          %dma_start3A_200 = arith.constant 0 : i32
          %dma_start3A_201 = arith.constant 0 : i32
          %dma_start3A_202 = tpu.memref_slice %arg6[%add3A_2, %dma_start3A_200, %dma_start3A_201] : memref<44x4096x128xf32, #tpu.memory_space<hbm>> -> memref<1x4096x128xf32, #tpu.memory_space<hbm>>
          %dma_start3A_203 = tpu.memref_squeeze %dma_start3A_202 : memref<1x4096x128xf32, #tpu.memory_space<hbm>> -> memref<4096x128xf32, #tpu.memory_space<hbm>>
          %dma_start3A_204 = arith.constant 0 : i32
          %dma_start3A_205 = tpu.memref_slice %dma_start3A_203[%mul3A_193, %dma_start3A_204] : memref<4096x128xf32, #tpu.memory_space<hbm>> -> memref<512x128xf32, #tpu.memory_space<hbm>>
          tpu.enqueue_dma source(%arg13 : memref<512x128xf32, #tpu.memory_space<vmem>>) target(%dma_start3A_205 : memref<512x128xf32, #tpu.memory_space<hbm>>) target_semaphore(%run_scoped3A : memref<!tpu.dma_semaphore, #tpu.memory_space<semaphore_mem>>)
          %dma_wait3A_206 = arith.constant 0 : i32
          %dma_wait3A_207 = arith.constant 0 : i32
          %dma_wait3A_208 = tpu.memref_slice %arg6[%add3A_2, %dma_wait3A_206, %dma_wait3A_207] : memref<44x4096x128xf32, #tpu.memory_space<hbm>> -> memref<1x4096x128xf32, #tpu.memory_space<hbm>>
          %dma_wait3A_209 = tpu.memref_squeeze %dma_wait3A_208 : memref<1x4096x128xf32, #tpu.memory_space<hbm>> -> memref<4096x128xf32, #tpu.memory_space<hbm>>
          %dma_wait3A_210 = arith.constant 0 : i32
          %dma_wait3A_211 = tpu.memref_slice %dma_wait3A_209[%mul3A_193, %dma_wait3A_210] : memref<4096x128xf32, #tpu.memory_space<hbm>> -> memref<512x128xf32, #tpu.memory_space<hbm>>
          %dma_wait3A_212 = arith.constant 0 : i32
          %dma_wait3A_213 = arith.constant 0 : i32
          %dma_wait3A_214 = tpu.memref_slice %arg6[%add3A_2, %dma_wait3A_212, %dma_wait3A_213] : memref<44x4096x128xf32, #tpu.memory_space<hbm>> -> memref<1x4096x128xf32, #tpu.memory_space<hbm>>
          %dma_wait3A_215 = tpu.memref_squeeze %dma_wait3A_214 : memref<1x4096x128xf32, #tpu.memory_space<hbm>> -> memref<4096x128xf32, #tpu.memory_space<hbm>>
          %dma_wait3A_216 = arith.constant 0 : i32
          %dma_wait3A_217 = tpu.memref_slice %dma_wait3A_215[%mul3A_193, %dma_wait3A_216] : memref<4096x128xf32, #tpu.memory_space<hbm>> -> memref<512x128xf32, #tpu.memory_space<hbm>>
          tpu.wait_dma2 semaphore(%run_scoped3A : memref<!tpu.dma_semaphore, #tpu.memory_space<semaphore_mem>>) src(%arg13 : memref<512x128xf32, #tpu.memory_space<vmem>>) dst(%dma_wait3A_217 : memref<512x128xf32, #tpu.memory_space<hbm>>)
          tpu.yield
        }) : () -> ()
      }
      %while3A_177 = arith.constant 1 : i32
      scf.for %while3A_183 = %while3A_175 to %while3A_171 step %while3A_177  : i32 {
        %mul3A_184 = arith.constant 512 : i32
        %mul3A_185 = arith.muli %while3A_183, %mul3A_184 : i32
        %dma_start3A = tpu.memref_slice %arg11[%mul3A_185] : memref<4608xi32, #tpu.memory_space<vmem>> -> memref<512xi32, #tpu.memory_space<vmem>>
        %dma_start3A_186 = arith.constant 0 : i32
        %dma_start3A_187 = arith.constant 0 : i32
        %dma_start3A_188 = tpu.memref_slice %arg2[%dma_start3A_186, %dma_start3A_187] : memref<16416x128xf32, #tpu.memory_space<hbm>> -> memref<16416x128xf32, #tpu.memory_space<hbm>>
        tpu.enqueue_indirect_dma source(%dma_start3A_188 : memref<16416x128xf32, #tpu.memory_space<hbm>>) target(%arg13 : memref<512x128xf32, #tpu.memory_space<vmem>>) offsets(%dma_start3A : memref<512xi32, #tpu.memory_space<vmem>>) semaphore(%arg19 : memref<!tpu.dma_semaphore, #tpu.memory_space<semaphore_mem>>)
        %dma_wait3A = tpu.memref_slice %arg11[%mul3A_185] : memref<4608xi32, #tpu.memory_space<vmem>> -> memref<512xi32, #tpu.memory_space<vmem>>
        %dma_wait3A_189 = arith.constant 0 : i32
        %dma_wait3A_190 = arith.constant 0 : i32
        %dma_wait3A_191 = tpu.memref_slice %arg2[%dma_wait3A_189, %dma_wait3A_190] : memref<16416x128xf32, #tpu.memory_space<hbm>> -> memref<16416x128xf32, #tpu.memory_space<hbm>>
        tpu.wait_indirect_dma semaphore(%arg19 : memref<!tpu.dma_semaphore, #tpu.memory_space<semaphore_mem>>) src(%dma_wait3A_191 : memref<16416x128xf32, #tpu.memory_space<hbm>>) dst(%arg13 : memref<512x128xf32, #tpu.memory_space<vmem>>)
        %mul3A_192 = arith.constant 512 : i32
        %mul3A_193 = arith.muli %while3A_183, %mul3A_192 : i32
        "tpu.region"() ({
          %run_scoped3A = tpu.sem_alloc : memref<!tpu.dma_semaphore, #tpu.memory_space<semaphore_mem>>
          %dma_start3A_194 = arith.constant 0 : i32
          %dma_start3A_195 = arith.constant 0 : i32
          %dma_start3A_196 = tpu.memref_slice %arg6[%add3A_2, %dma_start3A_194, %dma_start3A_195] : memref<44x4096x128xf32, #tpu.memory_space<hbm>> -> memref<1x4096x128xf32, #tpu.memory_space<hbm>>
          %dma_start3A_197 = tpu.memref_squeeze %dma_start3A_196 : memref<1x4096x128xf32, #tpu.memory_space<hbm>> -> memref<4096x128xf32, #tpu.memory_space<hbm>>
          %dma_start3A_198 = arith.constant 0 : i32
          %dma_start3A_199 = tpu.memref_slice %dma_start3A_197[%mul3A_193, %dma_start3A_198] : memref<4096x128xf32, #tpu.memory_space<hbm>> -> memref<512x128xf32, #tpu.memory_space<hbm>>
          %dma_start3A_200 = arith.constant 0 : i32
          %dma_start3A_201 = arith.constant 0 : i32
          %dma_start3A_202 = tpu.memref_slice %arg6[%add3A_2, %dma_start3A_200, %dma_start3A_201] : memref<44x4096x128xf32, #tpu.memory_space<hbm>> -> memref<1x4096x128xf32, #tpu.memory_space<hbm>>
          %dma_start3A_203 = tpu.memref_squeeze %dma_start3A_202 : memref<1x4096x128xf32, #tpu.memory_space<hbm>> -> memref<4096x128xf32, #tpu.memory_space<hbm>>
          %dma_start3A_204 = arith.constant 0 : i32
          %dma_start3A_205 = tpu.memref_slice %dma_start3A_203[%mul3A_193, %dma_start3A_204] : memref<4096x128xf32, #tpu.memory_space<hbm>> -> memref<512x128xf32, #tpu.memory_space<hbm>>
          tpu.enqueue_dma source(%arg13 : memref<512x128xf32, #tpu.memory_space<vmem>>) target(%dma_start3A_205 : memref<512x128xf32, #tpu.memory_space<hbm>>) target_semaphore(%run_scoped3A : memref<!tpu.dma_semaphore, #tpu.memory_space<semaphore_mem>>)
          %dma_wait3A_206 = arith.constant 0 : i32
          %dma_wait3A_207 = arith.constant 0 : i32
          %dma_wait3A_208 = tpu.memref_slice %arg6[%add3A_2, %dma_wait3A_206, %dma_wait3A_207] : memref<44x4096x128xf32, #tpu.memory_space<hbm>> -> memref<1x4096x128xf32, #tpu.memory_space<hbm>>
          %dma_wait3A_209 = tpu.memref_squeeze %dma_wait3A_208 : memref<1x4096x128xf32, #tpu.memory_space<hbm>> -> memref<4096x128xf32, #tpu.memory_space<hbm>>
          %dma_wait3A_210 = arith.constant 0 : i32
          %dma_wait3A_211 = tpu.memref_slice %dma_wait3A_209[%mul3A_193, %dma_wait3A_210] : memref<4096x128xf32, #tpu.memory_space<hbm>> -> memref<512x128xf32, #tpu.memory_space<hbm>>
          %dma_wait3A_212 = arith.constant 0 : i32
          %dma_wait3A_213 = arith.constant 0 : i32
          %dma_wait3A_214 = tpu.memref_slice %arg6[%add3A_2, %dma_wait3A_212, %dma_wait3A_213] : memref<44x4096x128xf32, #tpu.memory_space<hbm>> -> memref<1x4096x128xf32, #tpu.memory_space<hbm>>
          %dma_wait3A_215 = tpu.memref_squeeze %dma_wait3A_214 : memref<1x4096x128xf32, #tpu.memory_space<hbm>> -> memref<4096x128xf32, #tpu.memory_space<hbm>>
          %dma_wait3A_216 = arith.constant 0 : i32
          %dma_wait3A_217 = tpu.memref_slice %dma_wait3A_215[%mul3A_193, %dma_wait3A_216] : memref<4096x128xf32, #tpu.memory_space<hbm>> -> memref<512x128xf32, #tpu.memory_space<hbm>>
          tpu.wait_dma2 semaphore(%run_scoped3A : memref<!tpu.dma_semaphore, #tpu.memory_space<semaphore_mem>>) src(%arg13 : memref<512x128xf32, #tpu.memory_space<vmem>>) dst(%dma_wait3A_217 : memref<512x128xf32, #tpu.memory_space<hbm>>)
          tpu.yield
        }) : () -> ()
      }
      %eq3A_178 = arith.constant 1 : i32
      %eq3A_179 = arith.cmpi eq, %select_n3A_21, %eq3A_178 : i32
      %convert_element_type3A_180 = arith.extui %eq3A_179 : i1 to i32
      %cond3A_181 = arith.constant 0 : i32
      %cond3A_182 = arith.cmpi ne, %convert_element_type3A_180, %cond3A_181 : i32
      scf.if %cond3A_182 {
        %while3A_183 = arith.constant 0 : i32
        %while3A_184 = arith.constant 0 : i32
        %while3A_185 = arith.subi %select_n3A_168, %while3A_184 : i32
        %while3A_186 = arith.addi %while3A_184, %while3A_185 : i32
        %while3A_187 = arith.constant 1 : i32
        %while3A_188 = arith.divsi %while3A_185, %while3A_187 : i32
        %while3A_189 = arith.muli %while3A_188, %while3A_187 : i32
        %while3A_190 = arith.addi %while3A_184, %while3A_189 : i32
        %while3A_191 = arith.constant 1 : i32
        scf.for %while3A_193 = %while3A_184 to %while3A_190 step %while3A_191  : i32 {
          %mul3A_194 = arith.constant 512 : i32
          %mul3A_195 = arith.muli %while3A_193, %mul3A_194 : i32
          %dma_start3A = tpu.memref_slice %arg11[%mul3A_195] : memref<4608xi32, #tpu.memory_space<vmem>> -> memref<512xi32, #tpu.memory_space<vmem>>
          %dma_start3A_196 = arith.constant 0 : i32
          %dma_start3A_197 = arith.constant 0 : i32
          %dma_start3A_198 = tpu.memref_slice %arg3[%dma_start3A_196, %dma_start3A_197] : memref<16416x8xf32, #tpu.memory_space<hbm>> -> memref<16416x8xf32, #tpu.memory_space<hbm>>
          tpu.enqueue_indirect_dma source(%dma_start3A_198 : memref<16416x8xf32, #tpu.memory_space<hbm>>) target(%arg14 : memref<512x8xf32, #tpu.memory_space<vmem>>) offsets(%dma_start3A : memref<512xi32, #tpu.memory_space<vmem>>) semaphore(%arg19 : memref<!tpu.dma_semaphore, #tpu.memory_space<semaphore_mem>>)
          %dma_wait3A = tpu.memref_slice %arg11[%mul3A_195] : memref<4608xi32, #tpu.memory_space<vmem>> -> memref<512xi32, #tpu.memory_space<vmem>>
          %dma_wait3A_199 = arith.constant 0 : i32
          %dma_wait3A_200 = arith.constant 0 : i32
          %dma_wait3A_201 = tpu.memref_slice %arg3[%dma_wait3A_199, %dma_wait3A_200] : memref<16416x8xf32, #tpu.memory_space<hbm>> -> memref<16416x8xf32, #tpu.memory_space<hbm>>
          tpu.wait_indirect_dma semaphore(%arg19 : memref<!tpu.dma_semaphore, #tpu.memory_space<semaphore_mem>>) src(%dma_wait3A_201 : memref<16416x8xf32, #tpu.memory_space<hbm>>) dst(%arg14 : memref<512x8xf32, #tpu.memory_space<vmem>>)
          %mul3A_202 = arith.constant 512 : i32
          %mul3A_203 = arith.muli %while3A_193, %mul3A_202 : i32
          "tpu.region"() ({
            %run_scoped3A = tpu.sem_alloc : memref<!tpu.dma_semaphore, #tpu.memory_space<semaphore_mem>>
            %dma_start3A_204 = arith.constant 0 : i32
            %dma_start3A_205 = arith.constant 0 : i32
            %dma_start3A_206 = tpu.memref_slice %arg7[%select_n3A_42, %dma_start3A_204, %dma_start3A_205] : memref<22x4096x8xf32, #tpu.memory_space<hbm>> -> memref<1x4096x8xf32, #tpu.memory_space<hbm>>
            %dma_start3A_207 = tpu.memref_squeeze %dma_start3A_206 : memref<1x4096x8xf32, #tpu.memory_space<hbm>> -> memref<4096x8xf32, #tpu.memory_space<hbm>>
            %dma_start3A_208 = arith.constant 0 : i32
            %dma_start3A_209 = tpu.memref_slice %dma_start3A_207[%mul3A_203, %dma_start3A_208] : memref<4096x8xf32, #tpu.memory_space<hbm>> -> memref<512x8xf32, #tpu.memory_space<hbm>>
            %dma_start3A_210 = arith.constant 0 : i32
            %dma_start3A_211 = arith.constant 0 : i32
            %dma_start3A_212 = tpu.memref_slice %arg7[%select_n3A_42, %dma_start3A_210, %dma_start3A_211] : memref<22x4096x8xf32, #tpu.memory_space<hbm>> -> memref<1x4096x8xf32, #tpu.memory_space<hbm>>
            %dma_start3A_213 = tpu.memref_squeeze %dma_start3A_212 : memref<1x4096x8xf32, #tpu.memory_space<hbm>> -> memref<4096x8xf32, #tpu.memory_space<hbm>>
            %dma_start3A_214 = arith.constant 0 : i32
            %dma_start3A_215 = tpu.memref_slice %dma_start3A_213[%mul3A_203, %dma_start3A_214] : memref<4096x8xf32, #tpu.memory_space<hbm>> -> memref<512x8xf32, #tpu.memory_space<hbm>>
            tpu.enqueue_dma source(%arg14 : memref<512x8xf32, #tpu.memory_space<vmem>>) target(%dma_start3A_215 : memref<512x8xf32, #tpu.memory_space<hbm>>) target_semaphore(%run_scoped3A : memref<!tpu.dma_semaphore, #tpu.memory_space<semaphore_mem>>)
            %dma_wait3A_216 = arith.constant 0 : i32
            %dma_wait3A_217 = arith.constant 0 : i32
            %dma_wait3A_218 = tpu.memref_slice %arg7[%select_n3A_42, %dma_wait3A_216, %dma_wait3A_217] : memref<22x4096x8xf32, #tpu.memory_space<hbm>> -> memref<1x4096x8xf32, #tpu.memory_space<hbm>>
            %dma_wait3A_219 = tpu.memref_squeeze %dma_wait3A_218 : memref<1x4096x8xf32, #tpu.memory_space<hbm>> -> memref<4096x8xf32, #tpu.memory_space<hbm>>
            %dma_wait3A_220 = arith.constant 0 : i32
            %dma_wait3A_221 = tpu.memref_slice %dma_wait3A_219[%mul3A_203, %dma_wait3A_220] : memref<4096x8xf32, #tpu.memory_space<hbm>> -> memref<512x8xf32, #tpu.memory_space<hbm>>
            %dma_wait3A_222 = arith.constant 0 : i32
            %dma_wait3A_223 = arith.constant 0 : i32
            %dma_wait3A_224 = tpu.memref_slice %arg7[%select_n3A_42, %dma_wait3A_222, %dma_wait3A_223] : memref<22x4096x8xf32, #tpu.memory_space<hbm>> -> memref<1x4096x8xf32, #tpu.memory_space<hbm>>
            %dma_wait3A_225 = tpu.memref_squeeze %dma_wait3A_224 : memref<1x4096x8xf32, #tpu.memory_space<hbm>> -> memref<4096x8xf32, #tpu.memory_space<hbm>>
            %dma_wait3A_226 = arith.constant 0 : i32
            %dma_wait3A_227 = tpu.memref_slice %dma_wait3A_225[%mul3A_203, %dma_wait3A_226] : memref<4096x8xf32, #tpu.memory_space<hbm>> -> memref<512x8xf32, #tpu.memory_space<hbm>>
            tpu.wait_dma2 semaphore(%run_scoped3A : memref<!tpu.dma_semaphore, #tpu.memory_space<semaphore_mem>>) src(%arg14 : memref<512x8xf32, #tpu.memory_space<vmem>>) dst(%dma_wait3A_227 : memref<512x8xf32, #tpu.memory_space<hbm>>)
            tpu.yield
          }) : () -> ()
        }
        %while3A_192 = arith.constant 1 : i32
        scf.for %while3A_193 = %while3A_190 to %while3A_186 step %while3A_192  : i32 {
          %mul3A_194 = arith.constant 512 : i32
          %mul3A_195 = arith.muli %while3A_193, %mul3A_194 : i32
          %dma_start3A = tpu.memref_slice %arg11[%mul3A_195] : memref<4608xi32, #tpu.memory_space<vmem>> -> memref<512xi32, #tpu.memory_space<vmem>>
          %dma_start3A_196 = arith.constant 0 : i32
          %dma_start3A_197 = arith.constant 0 : i32
          %dma_start3A_198 = tpu.memref_slice %arg3[%dma_start3A_196, %dma_start3A_197] : memref<16416x8xf32, #tpu.memory_space<hbm>> -> memref<16416x8xf32, #tpu.memory_space<hbm>>
          tpu.enqueue_indirect_dma source(%dma_start3A_198 : memref<16416x8xf32, #tpu.memory_space<hbm>>) target(%arg14 : memref<512x8xf32, #tpu.memory_space<vmem>>) offsets(%dma_start3A : memref<512xi32, #tpu.memory_space<vmem>>) semaphore(%arg19 : memref<!tpu.dma_semaphore, #tpu.memory_space<semaphore_mem>>)
          %dma_wait3A = tpu.memref_slice %arg11[%mul3A_195] : memref<4608xi32, #tpu.memory_space<vmem>> -> memref<512xi32, #tpu.memory_space<vmem>>
          %dma_wait3A_199 = arith.constant 0 : i32
          %dma_wait3A_200 = arith.constant 0 : i32
          %dma_wait3A_201 = tpu.memref_slice %arg3[%dma_wait3A_199, %dma_wait3A_200] : memref<16416x8xf32, #tpu.memory_space<hbm>> -> memref<16416x8xf32, #tpu.memory_space<hbm>>
          tpu.wait_indirect_dma semaphore(%arg19 : memref<!tpu.dma_semaphore, #tpu.memory_space<semaphore_mem>>) src(%dma_wait3A_201 : memref<16416x8xf32, #tpu.memory_space<hbm>>) dst(%arg14 : memref<512x8xf32, #tpu.memory_space<vmem>>)
          %mul3A_202 = arith.constant 512 : i32
          %mul3A_203 = arith.muli %while3A_193, %mul3A_202 : i32
          "tpu.region"() ({
            %run_scoped3A = tpu.sem_alloc : memref<!tpu.dma_semaphore, #tpu.memory_space<semaphore_mem>>
            %dma_start3A_204 = arith.constant 0 : i32
            %dma_start3A_205 = arith.constant 0 : i32
            %dma_start3A_206 = tpu.memref_slice %arg7[%select_n3A_42, %dma_start3A_204, %dma_start3A_205] : memref<22x4096x8xf32, #tpu.memory_space<hbm>> -> memref<1x4096x8xf32, #tpu.memory_space<hbm>>
            %dma_start3A_207 = tpu.memref_squeeze %dma_start3A_206 : memref<1x4096x8xf32, #tpu.memory_space<hbm>> -> memref<4096x8xf32, #tpu.memory_space<hbm>>
            %dma_start3A_208 = arith.constant 0 : i32
            %dma_start3A_209 = tpu.memref_slice %dma_start3A_207[%mul3A_203, %dma_start3A_208] : memref<4096x8xf32, #tpu.memory_space<hbm>> -> memref<512x8xf32, #tpu.memory_space<hbm>>
            %dma_start3A_210 = arith.constant 0 : i32
            %dma_start3A_211 = arith.constant 0 : i32
            %dma_start3A_212 = tpu.memref_slice %arg7[%select_n3A_42, %dma_start3A_210, %dma_start3A_211] : memref<22x4096x8xf32, #tpu.memory_space<hbm>> -> memref<1x4096x8xf32, #tpu.memory_space<hbm>>
            %dma_start3A_213 = tpu.memref_squeeze %dma_start3A_212 : memref<1x4096x8xf32, #tpu.memory_space<hbm>> -> memref<4096x8xf32, #tpu.memory_space<hbm>>
            %dma_start3A_214 = arith.constant 0 : i32
            %dma_start3A_215 = tpu.memref_slice %dma_start3A_213[%mul3A_203, %dma_start3A_214] : memref<4096x8xf32, #tpu.memory_space<hbm>> -> memref<512x8xf32, #tpu.memory_space<hbm>>
            tpu.enqueue_dma source(%arg14 : memref<512x8xf32, #tpu.memory_space<vmem>>) target(%dma_start3A_215 : memref<512x8xf32, #tpu.memory_space<hbm>>) target_semaphore(%run_scoped3A : memref<!tpu.dma_semaphore, #tpu.memory_space<semaphore_mem>>)
            %dma_wait3A_216 = arith.constant 0 : i32
            %dma_wait3A_217 = arith.constant 0 : i32
            %dma_wait3A_218 = tpu.memref_slice %arg7[%select_n3A_42, %dma_wait3A_216, %dma_wait3A_217] : memref<22x4096x8xf32, #tpu.memory_space<hbm>> -> memref<1x4096x8xf32, #tpu.memory_space<hbm>>
            %dma_wait3A_219 = tpu.memref_squeeze %dma_wait3A_218 : memref<1x4096x8xf32, #tpu.memory_space<hbm>> -> memref<4096x8xf32, #tpu.memory_space<hbm>>
            %dma_wait3A_220 = arith.constant 0 : i32
            %dma_wait3A_221 = tpu.memref_slice %dma_wait3A_219[%mul3A_203, %dma_wait3A_220] : memref<4096x8xf32, #tpu.memory_space<hbm>> -> memref<512x8xf32, #tpu.memory_space<hbm>>
            %dma_wait3A_222 = arith.constant 0 : i32
            %dma_wait3A_223 = arith.constant 0 : i32
            %dma_wait3A_224 = tpu.memref_slice %arg7[%select_n3A_42, %dma_wait3A_222, %dma_wait3A_223] : memref<22x4096x8xf32, #tpu.memory_space<hbm>> -> memref<1x4096x8xf32, #tpu.memory_space<hbm>>
            %dma_wait3A_225 = tpu.memref_squeeze %dma_wait3A_224 : memref<1x4096x8xf32, #tpu.memory_space<hbm>> -> memref<4096x8xf32, #tpu.memory_space<hbm>>
            %dma_wait3A_226 = arith.constant 0 : i32
            %dma_wait3A_227 = tpu.memref_slice %dma_wait3A_225[%mul3A_203, %dma_wait3A_226] : memref<4096x8xf32, #tpu.memory_space<hbm>> -> memref<512x8xf32, #tpu.memory_space<hbm>>
            tpu.wait_dma2 semaphore(%run_scoped3A : memref<!tpu.dma_semaphore, #tpu.memory_space<semaphore_mem>>) src(%arg14 : memref<512x8xf32, #tpu.memory_space<vmem>>) dst(%dma_wait3A_227 : memref<512x8xf32, #tpu.memory_space<hbm>>)
            tpu.yield
          }) : () -> ()
        }
      } else {
      }
    } else {
    }
    %add3A_5 = arith.constant 32 : i32
    %add3A_6 = arith.addi %add3A, %add3A_5 : i32
    %lt3A_7 = arith.constant 44 : i32
    %lt3A_8 = arith.cmpi slt, %add3A_6, %lt3A_7 : i32
    %convert_element_type3A_9 = arith.extui %lt3A_8 : i1 to i32
    %cond3A_10 = arith.constant 0 : i32
    %cond3A_11 = arith.cmpi ne, %convert_element_type3A_9, %cond3A_10 : i32
    scf.if %cond3A_11 {
      %jit3A = arith.constant 2 : i32
      %eq3A = arith.constant 0 : i32
      %eq3A_12 = arith.cmpi eq, %jit3A, %eq3A : i32
      %jit3A_13 = arith.constant 1 : i32
      %select_n3A = arith.select %eq3A_12, %jit3A_13, %jit3A : i32
      %rem3A = arith.remsi %add3A_6, %select_n3A : i32
      %ne3A = arith.constant 0 : i32
      %ne3A_14 = arith.cmpi ne, %rem3A, %ne3A : i32
      %lt3A_15 = arith.constant 0 : i32
      %lt3A_16 = arith.cmpi slt, %rem3A, %lt3A_15 : i32
      %lt3A_17 = arith.constant 0 : i32
      %lt3A_18 = arith.cmpi slt, %select_n3A, %lt3A_17 : i32
      %ne3A_19 = arith.xori %lt3A_16, %lt3A_18 : i1
      %and3A = arith.andi %ne3A_19, %ne3A_14 : i1
      %add3A_20 = arith.addi %rem3A, %select_n3A : i32
      %select_n3A_21 = arith.select %and3A, %add3A_20, %rem3A : i32
      %jit3A_22 = arith.constant 2 : i32
      %div3A = arith.divsi %add3A_6, %jit3A_22 : i32
      %sign3A = arith.constant 0 : i32
      %sign3A_23 = arith.cmpi sgt, %add3A_6, %sign3A : i32
      %sign3A_24 = arith.extui %sign3A_23 : i1 to i32
      %sign3A_25 = arith.constant 0 : i32
      %sign3A_26 = arith.cmpi slt, %add3A_6, %sign3A_25 : i32
      %sign3A_27 = arith.extui %sign3A_26 : i1 to i32
      %sign3A_28 = arith.subi %sign3A_24, %sign3A_27 : i32
      %sign3A_29 = arith.constant 0 : i32
      %sign3A_30 = arith.cmpi sgt, %jit3A_22, %sign3A_29 : i32
      %sign3A_31 = arith.extui %sign3A_30 : i1 to i32
      %sign3A_32 = arith.constant 0 : i32
      %sign3A_33 = arith.cmpi slt, %jit3A_22, %sign3A_32 : i32
      %sign3A_34 = arith.extui %sign3A_33 : i1 to i32
      %sign3A_35 = arith.subi %sign3A_31, %sign3A_34 : i32
      %ne3A_36 = arith.cmpi ne, %sign3A_28, %sign3A_35 : i32
      %rem3A_37 = arith.remsi %add3A_6, %jit3A_22 : i32
      %ne3A_38 = arith.constant 0 : i32
      %ne3A_39 = arith.cmpi ne, %rem3A_37, %ne3A_38 : i32
      %and3A_40 = arith.andi %ne3A_36, %ne3A_39 : i1
      %sub3A = arith.constant 1 : i32
      %sub3A_41 = arith.subi %div3A, %sub3A : i32
      %select_n3A_42 = arith.select %and3A_40, %sub3A_41, %div3A : i32
      %jit3A_43 = arith.constant 11 : i32
      %div3A_44 = arith.divsi %select_n3A_42, %jit3A_43 : i32
      %sign3A_45 = arith.constant 0 : i32
      %sign3A_46 = arith.cmpi sgt, %select_n3A_42, %sign3A_45 : i32
      %sign3A_47 = arith.extui %sign3A_46 : i1 to i32
      %sign3A_48 = arith.constant 0 : i32
      %sign3A_49 = arith.cmpi slt, %select_n3A_42, %sign3A_48 : i32
      %sign3A_50 = arith.extui %sign3A_49 : i1 to i32
      %sign3A_51 = arith.subi %sign3A_47, %sign3A_50 : i32
      %sign3A_52 = arith.constant 0 : i32
      %sign3A_53 = arith.cmpi sgt, %jit3A_43, %sign3A_52 : i32
      %sign3A_54 = arith.extui %sign3A_53 : i1 to i32
      %sign3A_55 = arith.constant 0 : i32
      %sign3A_56 = arith.cmpi slt, %jit3A_43, %sign3A_55 : i32
      %sign3A_57 = arith.extui %sign3A_56 : i1 to i32
      %sign3A_58 = arith.subi %sign3A_54, %sign3A_57 : i32
      %ne3A_59 = arith.cmpi ne, %sign3A_51, %sign3A_58 : i32
      %rem3A_60 = arith.remsi %select_n3A_42, %jit3A_43 : i32
      %ne3A_61 = arith.constant 0 : i32
      %ne3A_62 = arith.cmpi ne, %rem3A_60, %ne3A_61 : i32
      %and3A_63 = arith.andi %ne3A_59, %ne3A_62 : i1
      %sub3A_64 = arith.constant 1 : i32
      %sub3A_65 = arith.subi %div3A_44, %sub3A_64 : i32
      %select_n3A_66 = arith.select %and3A_63, %sub3A_65, %div3A_44 : i32
      %jit3A_67 = arith.constant 11 : i32
      %eq3A_68 = arith.constant 0 : i32
      %eq3A_69 = arith.cmpi eq, %jit3A_67, %eq3A_68 : i32
      %jit3A_70 = arith.constant 1 : i32
      %select_n3A_71 = arith.select %eq3A_69, %jit3A_70, %jit3A_67 : i32
      %rem3A_72 = arith.remsi %select_n3A_42, %select_n3A_71 : i32
      %ne3A_73 = arith.constant 0 : i32
      %ne3A_74 = arith.cmpi ne, %rem3A_72, %ne3A_73 : i32
      %lt3A_75 = arith.constant 0 : i32
      %lt3A_76 = arith.cmpi slt, %rem3A_72, %lt3A_75 : i32
      %lt3A_77 = arith.constant 0 : i32
      %lt3A_78 = arith.cmpi slt, %select_n3A_71, %lt3A_77 : i32
      %ne3A_79 = arith.xori %lt3A_76, %lt3A_78 : i1
      %and3A_80 = arith.andi %ne3A_79, %ne3A_74 : i1
      %add3A_81 = arith.addi %rem3A_72, %select_n3A_71 : i32
      %select_n3A_82 = arith.select %and3A_80, %add3A_81, %rem3A_72 : i32
      %add3A_83 = arith.constant 1 : i32
      %add3A_84 = arith.addi %select_n3A_82, %add3A_83 : i32
      %mul3A_85 = arith.constant 2 : i32
      %mul3A_86 = arith.muli %select_n3A_21, %mul3A_85 : i32
      %add3A_87 = arith.addi %mul3A_86, %select_n3A_66 : i32
      %mul3A_88 = arith.constant 2 : i32
      %mul3A_89 = arith.muli %select_n3A_21, %mul3A_88 : i32
      %add3A_90 = arith.addi %mul3A_89, %select_n3A_66 : i32
      %mul3A_91 = arith.constant 12 : i32
      %mul3A_92 = arith.muli %add3A_90, %mul3A_91 : i32
      %add3A_93 = arith.addi %mul3A_92, %add3A_84 : i32
      %mul3A_94 = arith.constant 4096 : i32
      %mul3A_95 = arith.muli %add3A_93, %mul3A_94 : i32
      "tpu.region"() ({
        %run_scoped3A = tpu.sem_alloc : memref<!tpu.dma_semaphore, #tpu.memory_space<semaphore_mem>>
        %dma_start3A = tpu.memref_slice %arg4[%mul3A_95] : memref<196608xi32, #tpu.memory_space<hbm>> -> memref<4096xi32, #tpu.memory_space<hbm>>
        %dma_start3A_183 = tpu.memref_slice %arg4[%mul3A_95] : memref<196608xi32, #tpu.memory_space<hbm>> -> memref<4096xi32, #tpu.memory_space<hbm>>
        tpu.enqueue_dma source(%dma_start3A_183 : memref<4096xi32, #tpu.memory_space<hbm>>) target(%arg10 : memref<4096xi32, #tpu.memory_space<vmem>>) target_semaphore(%run_scoped3A : memref<!tpu.dma_semaphore, #tpu.memory_space<semaphore_mem>>)
        %dma_wait3A = tpu.memref_slice %arg4[%mul3A_95] : memref<196608xi32, #tpu.memory_space<hbm>> -> memref<4096xi32, #tpu.memory_space<hbm>>
        %dma_wait3A_184 = tpu.memref_slice %arg4[%mul3A_95] : memref<196608xi32, #tpu.memory_space<hbm>> -> memref<4096xi32, #tpu.memory_space<hbm>>
        tpu.wait_dma2 semaphore(%run_scoped3A : memref<!tpu.dma_semaphore, #tpu.memory_space<semaphore_mem>>) src(%dma_wait3A_184 : memref<4096xi32, #tpu.memory_space<hbm>>) dst(%arg10 : memref<4096xi32, #tpu.memory_space<vmem>>)
        tpu.yield
      }) : () -> ()
      %mul3A_96 = arith.constant 16 : i32
      %mul3A_97 = arith.muli %add3A_6, %mul3A_96 : i32
      "tpu.region"() ({
        %run_scoped3A = tpu.sem_alloc : memref<!tpu.dma_semaphore, #tpu.memory_space<semaphore_mem>>
        %dma_start3A = tpu.memref_slice %arg5[%mul3A_97] : memref<1408xi32, #tpu.memory_space<hbm>> -> memref<16xi32, #tpu.memory_space<hbm>>
        %dma_start3A_183 = tpu.memref_slice %arg5[%mul3A_97] : memref<1408xi32, #tpu.memory_space<hbm>> -> memref<16xi32, #tpu.memory_space<hbm>>
        tpu.enqueue_dma source(%dma_start3A_183 : memref<16xi32, #tpu.memory_space<hbm>>) target(%arg16 : memref<16xi32, #tpu.memory_space<vmem>>) target_semaphore(%run_scoped3A : memref<!tpu.dma_semaphore, #tpu.memory_space<semaphore_mem>>)
        %dma_wait3A = tpu.memref_slice %arg5[%mul3A_97] : memref<1408xi32, #tpu.memory_space<hbm>> -> memref<16xi32, #tpu.memory_space<hbm>>
        %dma_wait3A_184 = tpu.memref_slice %arg5[%mul3A_97] : memref<1408xi32, #tpu.memory_space<hbm>> -> memref<16xi32, #tpu.memory_space<hbm>>
        tpu.wait_dma2 semaphore(%run_scoped3A : memref<!tpu.dma_semaphore, #tpu.memory_space<semaphore_mem>>) src(%dma_wait3A_184 : memref<16xi32, #tpu.memory_space<hbm>>) dst(%arg16 : memref<16xi32, #tpu.memory_space<vmem>>)
        tpu.yield
      }) : () -> ()
      %add3A_98 = arith.constant 44 : i32
      %add3A_99 = arith.addi %add3A_98, %add3A_6 : i32
      %mul3A_100 = arith.constant 16 : i32
      %mul3A_101 = arith.muli %add3A_99, %mul3A_100 : i32
      "tpu.region"() ({
        %run_scoped3A = tpu.sem_alloc : memref<!tpu.dma_semaphore, #tpu.memory_space<semaphore_mem>>
        %dma_start3A = tpu.memref_slice %arg5[%mul3A_101] : memref<1408xi32, #tpu.memory_space<hbm>> -> memref<16xi32, #tpu.memory_space<hbm>>
        %dma_start3A_183 = tpu.memref_slice %arg5[%mul3A_101] : memref<1408xi32, #tpu.memory_space<hbm>> -> memref<16xi32, #tpu.memory_space<hbm>>
        tpu.enqueue_dma source(%dma_start3A_183 : memref<16xi32, #tpu.memory_space<hbm>>) target(%arg17 : memref<16xi32, #tpu.memory_space<vmem>>) target_semaphore(%run_scoped3A : memref<!tpu.dma_semaphore, #tpu.memory_space<semaphore_mem>>)
        %dma_wait3A = tpu.memref_slice %arg5[%mul3A_101] : memref<1408xi32, #tpu.memory_space<hbm>> -> memref<16xi32, #tpu.memory_space<hbm>>
        %dma_wait3A_184 = tpu.memref_slice %arg5[%mul3A_101] : memref<1408xi32, #tpu.memory_space<hbm>> -> memref<16xi32, #tpu.memory_space<hbm>>
        tpu.wait_dma2 semaphore(%run_scoped3A : memref<!tpu.dma_semaphore, #tpu.memory_space<semaphore_mem>>) src(%dma_wait3A_184 : memref<16xi32, #tpu.memory_space<hbm>>) dst(%arg17 : memref<16xi32, #tpu.memory_space<vmem>>)
        tpu.yield
      }) : () -> ()
      %iota3A = tpu.iota {dimensions = array<i32: 0>} : vector<16xi32>
      %get3A = arith.constant 0 : index
      %get3A_102 = tpu.vector_load %arg16[%get3A] {strides = array<i32>} : memref<16xi32, #tpu.memory_space<vmem>>, vector<16xi32>,
      %get3A_103 = arith.constant 0 : index
      %get3A_104 = tpu.vector_load %arg17[%get3A_103] {strides = array<i32>} : memref<16xi32, #tpu.memory_space<vmem>>, vector<16xi32>,
      %add3A_105 = arith.constant 4096 : i32
      %add3A_106 = vector.broadcast %add3A_105 : i32 to vector<16xi32>
      %add3A_107 = arith.addi %get3A_102, %add3A_106 : vector<16xi32>
      %add3A_108 = arith.constant 4096 : i32
      %add3A_109 = vector.broadcast %add3A_108 : i32 to vector<16xi32>
      %add3A_110 = arith.addi %get3A_104, %add3A_109 : vector<16xi32>
      %scan3A = arith.constant 0 : i32
      %scan3A_111 = arith.constant 0 : i32
      %scan3A_112 = arith.constant 288 : i32
      %scan3A_113 = arith.addi %scan3A_111, %scan3A_112 : i32
      %scan3A_114 = arith.constant 1 : i32
      scf.for %scan3A_183 = %scan3A_111 to %scan3A_113 step %scan3A_114  : i32 {
        %mul3A_184 = arith.constant 16 : i32
        %mul3A_185 = arith.muli %scan3A_183, %mul3A_184 : i32
        %swap3A_186 = arith.index_cast %mul3A_185 : i32 to index
        %swap3A_187 = tpu.vector_load %arg11[%swap3A_186] {strides = array<i32>} : memref<4608xi32, #tpu.memory_space<vmem>>, vector<16xi32>,
        tpu.vector_store %arg11[%swap3A_186], %add3A_107 {strides = array<i32>} : memref<4608xi32, #tpu.memory_space<vmem>>, vector<16xi32>,
        %mul3A_188 = arith.constant 16 : i32
        %mul3A_189 = arith.muli %scan3A_183, %mul3A_188 : i32
        %swap3A_190 = arith.index_cast %mul3A_189 : i32 to index
        %swap3A_191 = tpu.vector_load %arg12[%swap3A_190] {strides = array<i32>} : memref<4608xi32, #tpu.memory_space<vmem>>, vector<16xi32>,
        tpu.vector_store %arg12[%swap3A_190], %add3A_110 {strides = array<i32>} : memref<4608xi32, #tpu.memory_space<vmem>>, vector<16xi32>,
      }
      %scan3A_115 = arith.constant 288 : i32
      %broadcast_in_dim3A = arith.constant 15 : i32
      %broadcast_in_dim3A_116 = vector.broadcast %broadcast_in_dim3A : i32 to vector<16xi32>
      %broadcast_in_dim3A_117 = arith.constant 0 : i32
      %broadcast_in_dim3A_118 = vector.broadcast %broadcast_in_dim3A_117 : i32 to vector<16xi32>
      %add3A_119 = arith.addi %iota3A, %get3A_102 : vector<16xi32>
      %add3A_120 = arith.addi %iota3A, %get3A_104 : vector<16xi32>
      %scan3A_121 = arith.constant 0 : i32
      %scan3A_122 = arith.constant 256 : i32
      %scan3A_123 = arith.addi %scan3A_121, %scan3A_122 : i32
      %scan3A_124 = arith.constant 1 : i32
      %scan3A_125:3 = scf.for %scan3A_183 = %scan3A_121 to %scan3A_123 step %scan3A_124 iter_args(%scan3A_184 = %broadcast_in_dim3A_118, %scan3A_185 = %add3A_119, %scan3A_186 = %add3A_120) -> (vector<16xi32>, vector<16xi32>, vector<16xi32>)  : i32 {
        %mul3A_187 = arith.constant 16 : i32
        %mul3A_188 = arith.muli %scan3A_183, %mul3A_187 : i32
        %get3A_189 = arith.index_cast %mul3A_188 : i32 to index
        %get3A_190 = tpu.vector_load %arg10[%get3A_189] {strides = array<i32>} : memref<4096xi32, #tpu.memory_space<vmem>>, vector<16xi32>,
        %ne3A_191 = arith.constant 0 : i32
        %ne3A_192 = vector.broadcast %ne3A_191 : i32 to vector<16xi32>
        %ne3A_193 = arith.cmpi ne, %get3A_190, %ne3A_192 : vector<16xi32>
        %broadcast_in_dim3A_194 = arith.constant true
        %broadcast_in_dim3A_195 = vector.broadcast %broadcast_in_dim3A_194 : i1 to vector<16xi1>
        %masked_cumsum3A = tpu.scan <sum>, %get3A_190 masked %broadcast_in_dim3A_195 : vector<16xi32>, vector<16xi1> -> vector<16xi32>
        %add3A_196 = arith.addi %scan3A_184, %masked_cumsum3A : vector<16xi32>
        %sub3A_197 = arith.subi %add3A_196, %get3A_190 : vector<16xi32>
        tpu.vector_store_idx %arg11[%sub3A_197], %scan3A_185 masked %ne3A_193 : memref<4608xi32, #tpu.memory_space<vmem>>[vector<16xi32>], vector<16xi32>, vector<16xi1>
        tpu.vector_store_idx %arg12[%sub3A_197], %scan3A_186 masked %ne3A_193 : memref<4608xi32, #tpu.memory_space<vmem>>[vector<16xi32>], vector<16xi32>, vector<16xi1>
        %swap3A_198 = arith.constant 0 : index
        %swap3A_199 = tpu.vector_load %arg18[%swap3A_198] {strides = array<i32>} : memref<16xi32, #tpu.memory_space<vmem>>, vector<16xi32>,
        tpu.vector_store %arg18[%swap3A_198], %masked_cumsum3A {strides = array<i32>} : memref<16xi32, #tpu.memory_space<vmem>>, vector<16xi32>,
        %gather3A = tpu.vector_load_idx %arg18[%broadcast_in_dim3A_116] : memref<16xi32, #tpu.memory_space<vmem>>[vector<16xi32>], vector<16xi32>,
        %add3A_200 = arith.addi %scan3A_184, %gather3A : vector<16xi32>
        %add3A_201 = arith.constant 16 : i32
        %add3A_202 = vector.broadcast %add3A_201 : i32 to vector<16xi32>
        %add3A_203 = arith.addi %scan3A_185, %add3A_202 : vector<16xi32>
        %add3A_204 = arith.constant 16 : i32
        %add3A_205 = vector.broadcast %add3A_204 : i32 to vector<16xi32>
        %add3A_206 = arith.addi %scan3A_186, %add3A_205 : vector<16xi32>
        scf.yield %add3A_200, %add3A_203, %add3A_206 : vector<16xi32>, vector<16xi32>, vector<16xi32>
      }
      %scan3A_126 = arith.constant 256 : i32
      %reduce_max3A = arith.constant true
      %reduce_max3A_127 = vector.broadcast %reduce_max3A : i1 to vector<16xi1>
      %reduce_max3A_128 = arith.constant -2147483648 : i32
      %reduce_max3A_129 = vector.broadcast %reduce_max3A_128 : i32 to vector<16xi32>
      %reduce_max3A_130 = arith.xori %scan3A_125#0, %reduce_max3A_129 : vector<16xi32>
      %reduce_max3A_131 = tpu.scan <max>, %reduce_max3A_130 masked %reduce_max3A_127 : vector<16xi32>, vector<16xi1> -> vector<16xi32>
      %reduce_max3A_132 = arith.xori %reduce_max3A_131, %reduce_max3A_129 : vector<16xi32>
      %reduce_max3A_133 = vector.extract %reduce_max3A_132[15] : i32 from vector<16xi32>
      %swap3A = arith.constant 0 : index
      %swap3A_134 = tpu.vector_load %arg15[%swap3A] {strides = array<i32>} : memref<16xi32, #tpu.memory_space<vmem>>, vector<16xi32>,
      tpu.vector_store %arg15[%swap3A], %scan3A_125#0 {strides = array<i32>} : memref<16xi32, #tpu.memory_space<vmem>>, vector<16xi32>,
      %mul3A_135 = arith.constant 16 : i32
      %mul3A_136 = arith.muli %add3A_6, %mul3A_135 : i32
      "tpu.region"() ({
        %run_scoped3A = tpu.sem_alloc : memref<!tpu.dma_semaphore, #tpu.memory_space<semaphore_mem>>
        %dma_start3A = tpu.memref_slice %arg9[%mul3A_136] : memref<704xi32, #tpu.memory_space<hbm>> -> memref<16xi32, #tpu.memory_space<hbm>>
        %dma_start3A_183 = tpu.memref_slice %arg9[%mul3A_136] : memref<704xi32, #tpu.memory_space<hbm>> -> memref<16xi32, #tpu.memory_space<hbm>>
        tpu.enqueue_dma source(%arg15 : memref<16xi32, #tpu.memory_space<vmem>>) target(%dma_start3A_183 : memref<16xi32, #tpu.memory_space<hbm>>) target_semaphore(%run_scoped3A : memref<!tpu.dma_semaphore, #tpu.memory_space<semaphore_mem>>)
        %dma_wait3A = tpu.memref_slice %arg9[%mul3A_136] : memref<704xi32, #tpu.memory_space<hbm>> -> memref<16xi32, #tpu.memory_space<hbm>>
        %dma_wait3A_184 = tpu.memref_slice %arg9[%mul3A_136] : memref<704xi32, #tpu.memory_space<hbm>> -> memref<16xi32, #tpu.memory_space<hbm>>
        tpu.wait_dma2 semaphore(%run_scoped3A : memref<!tpu.dma_semaphore, #tpu.memory_space<semaphore_mem>>) src(%arg15 : memref<16xi32, #tpu.memory_space<vmem>>) dst(%dma_wait3A_184 : memref<16xi32, #tpu.memory_space<hbm>>)
        tpu.yield
      }) : () -> ()
      %mul3A_137 = arith.constant 9 : i32
      %mul3A_138 = arith.muli %add3A_6, %mul3A_137 : i32
      %mul3A_139 = arith.constant 512 : i32
      %mul3A_140 = arith.muli %mul3A_138, %mul3A_139 : i32
      "tpu.region"() ({
        %run_scoped3A = tpu.sem_alloc : memref<!tpu.dma_semaphore, #tpu.memory_space<semaphore_mem>>
        %dma_start3A = tpu.memref_slice %arg8[%mul3A_140] : memref<202752xi32, #tpu.memory_space<hbm>> -> memref<4608xi32, #tpu.memory_space<hbm>>
        %dma_start3A_183 = tpu.memref_slice %arg8[%mul3A_140] : memref<202752xi32, #tpu.memory_space<hbm>> -> memref<4608xi32, #tpu.memory_space<hbm>>
        tpu.enqueue_dma source(%arg12 : memref<4608xi32, #tpu.memory_space<vmem>>) target(%dma_start3A_183 : memref<4608xi32, #tpu.memory_space<hbm>>) target_semaphore(%run_scoped3A : memref<!tpu.dma_semaphore, #tpu.memory_space<semaphore_mem>>)
        %dma_wait3A = tpu.memref_slice %arg8[%mul3A_140] : memref<202752xi32, #tpu.memory_space<hbm>> -> memref<4608xi32, #tpu.memory_space<hbm>>
        %dma_wait3A_184 = tpu.memref_slice %arg8[%mul3A_140] : memref<202752xi32, #tpu.memory_space<hbm>> -> memref<4608xi32, #tpu.memory_space<hbm>>
        tpu.wait_dma2 semaphore(%run_scoped3A : memref<!tpu.dma_semaphore, #tpu.memory_space<semaphore_mem>>) src(%arg12 : memref<4608xi32, #tpu.memory_space<vmem>>) dst(%dma_wait3A_184 : memref<4608xi32, #tpu.memory_space<hbm>>)
        tpu.yield
      }) : () -> ()
      %add3A_141 = arith.constant 512 : i32
      %add3A_142 = arith.addi %reduce_max3A_133, %add3A_141 : i32
      %sub3A_143 = arith.constant 1 : i32
      %sub3A_144 = arith.subi %add3A_142, %sub3A_143 : i32
      %jit3A_145 = arith.constant 512 : i32
      %div3A_146 = arith.divsi %sub3A_144, %jit3A_145 : i32
      %sign3A_147 = arith.constant 0 : i32
      %sign3A_148 = arith.cmpi sgt, %sub3A_144, %sign3A_147 : i32
      %sign3A_149 = arith.extui %sign3A_148 : i1 to i32
      %sign3A_150 = arith.constant 0 : i32
      %sign3A_151 = arith.cmpi slt, %sub3A_144, %sign3A_150 : i32
      %sign3A_152 = arith.extui %sign3A_151 : i1 to i32
      %sign3A_153 = arith.subi %sign3A_149, %sign3A_152 : i32
      %sign3A_154 = arith.constant 0 : i32
      %sign3A_155 = arith.cmpi sgt, %jit3A_145, %sign3A_154 : i32
      %sign3A_156 = arith.extui %sign3A_155 : i1 to i32
      %sign3A_157 = arith.constant 0 : i32
      %sign3A_158 = arith.cmpi slt, %jit3A_145, %sign3A_157 : i32
      %sign3A_159 = arith.extui %sign3A_158 : i1 to i32
      %sign3A_160 = arith.subi %sign3A_156, %sign3A_159 : i32
      %ne3A_161 = arith.cmpi ne, %sign3A_153, %sign3A_160 : i32
      %rem3A_162 = arith.remsi %sub3A_144, %jit3A_145 : i32
      %ne3A_163 = arith.constant 0 : i32
      %ne3A_164 = arith.cmpi ne, %rem3A_162, %ne3A_163 : i32
      %and3A_165 = arith.andi %ne3A_161, %ne3A_164 : i1
      %sub3A_166 = arith.constant 1 : i32
      %sub3A_167 = arith.subi %div3A_146, %sub3A_166 : i32
      %select_n3A_168 = arith.select %and3A_165, %sub3A_167, %div3A_146 : i32
      %while3A = arith.constant 0 : i32
      %while3A_169 = arith.constant 0 : i32
      %while3A_170 = arith.subi %select_n3A_168, %while3A_169 : i32
      %while3A_171 = arith.addi %while3A_169, %while3A_170 : i32
      %while3A_172 = arith.constant 1 : i32
      %while3A_173 = arith.divsi %while3A_170, %while3A_172 : i32
      %while3A_174 = arith.muli %while3A_173, %while3A_172 : i32
      %while3A_175 = arith.addi %while3A_169, %while3A_174 : i32
      %while3A_176 = arith.constant 1 : i32
      scf.for %while3A_183 = %while3A_169 to %while3A_175 step %while3A_176  : i32 {
        %mul3A_184 = arith.constant 512 : i32
        %mul3A_185 = arith.muli %while3A_183, %mul3A_184 : i32
        %dma_start3A = tpu.memref_slice %arg11[%mul3A_185] : memref<4608xi32, #tpu.memory_space<vmem>> -> memref<512xi32, #tpu.memory_space<vmem>>
        %dma_start3A_186 = arith.constant 0 : i32
        %dma_start3A_187 = arith.constant 0 : i32
        %dma_start3A_188 = tpu.memref_slice %arg2[%dma_start3A_186, %dma_start3A_187] : memref<16416x128xf32, #tpu.memory_space<hbm>> -> memref<16416x128xf32, #tpu.memory_space<hbm>>
        tpu.enqueue_indirect_dma source(%dma_start3A_188 : memref<16416x128xf32, #tpu.memory_space<hbm>>) target(%arg13 : memref<512x128xf32, #tpu.memory_space<vmem>>) offsets(%dma_start3A : memref<512xi32, #tpu.memory_space<vmem>>) semaphore(%arg19 : memref<!tpu.dma_semaphore, #tpu.memory_space<semaphore_mem>>)
        %dma_wait3A = tpu.memref_slice %arg11[%mul3A_185] : memref<4608xi32, #tpu.memory_space<vmem>> -> memref<512xi32, #tpu.memory_space<vmem>>
        %dma_wait3A_189 = arith.constant 0 : i32
        %dma_wait3A_190 = arith.constant 0 : i32
        %dma_wait3A_191 = tpu.memref_slice %arg2[%dma_wait3A_189, %dma_wait3A_190] : memref<16416x128xf32, #tpu.memory_space<hbm>> -> memref<16416x128xf32, #tpu.memory_space<hbm>>
        tpu.wait_indirect_dma semaphore(%arg19 : memref<!tpu.dma_semaphore, #tpu.memory_space<semaphore_mem>>) src(%dma_wait3A_191 : memref<16416x128xf32, #tpu.memory_space<hbm>>) dst(%arg13 : memref<512x128xf32, #tpu.memory_space<vmem>>)
        %mul3A_192 = arith.constant 512 : i32
        %mul3A_193 = arith.muli %while3A_183, %mul3A_192 : i32
        "tpu.region"() ({
          %run_scoped3A = tpu.sem_alloc : memref<!tpu.dma_semaphore, #tpu.memory_space<semaphore_mem>>
          %dma_start3A_194 = arith.constant 0 : i32
          %dma_start3A_195 = arith.constant 0 : i32
          %dma_start3A_196 = tpu.memref_slice %arg6[%add3A_6, %dma_start3A_194, %dma_start3A_195] : memref<44x4096x128xf32, #tpu.memory_space<hbm>> -> memref<1x4096x128xf32, #tpu.memory_space<hbm>>
          %dma_start3A_197 = tpu.memref_squeeze %dma_start3A_196 : memref<1x4096x128xf32, #tpu.memory_space<hbm>> -> memref<4096x128xf32, #tpu.memory_space<hbm>>
          %dma_start3A_198 = arith.constant 0 : i32
          %dma_start3A_199 = tpu.memref_slice %dma_start3A_197[%mul3A_193, %dma_start3A_198] : memref<4096x128xf32, #tpu.memory_space<hbm>> -> memref<512x128xf32, #tpu.memory_space<hbm>>
          %dma_start3A_200 = arith.constant 0 : i32
          %dma_start3A_201 = arith.constant 0 : i32
          %dma_start3A_202 = tpu.memref_slice %arg6[%add3A_6, %dma_start3A_200, %dma_start3A_201] : memref<44x4096x128xf32, #tpu.memory_space<hbm>> -> memref<1x4096x128xf32, #tpu.memory_space<hbm>>
          %dma_start3A_203 = tpu.memref_squeeze %dma_start3A_202 : memref<1x4096x128xf32, #tpu.memory_space<hbm>> -> memref<4096x128xf32, #tpu.memory_space<hbm>>
          %dma_start3A_204 = arith.constant 0 : i32
          %dma_start3A_205 = tpu.memref_slice %dma_start3A_203[%mul3A_193, %dma_start3A_204] : memref<4096x128xf32, #tpu.memory_space<hbm>> -> memref<512x128xf32, #tpu.memory_space<hbm>>
          tpu.enqueue_dma source(%arg13 : memref<512x128xf32, #tpu.memory_space<vmem>>) target(%dma_start3A_205 : memref<512x128xf32, #tpu.memory_space<hbm>>) target_semaphore(%run_scoped3A : memref<!tpu.dma_semaphore, #tpu.memory_space<semaphore_mem>>)
          %dma_wait3A_206 = arith.constant 0 : i32
          %dma_wait3A_207 = arith.constant 0 : i32
          %dma_wait3A_208 = tpu.memref_slice %arg6[%add3A_6, %dma_wait3A_206, %dma_wait3A_207] : memref<44x4096x128xf32, #tpu.memory_space<hbm>> -> memref<1x4096x128xf32, #tpu.memory_space<hbm>>
          %dma_wait3A_209 = tpu.memref_squeeze %dma_wait3A_208 : memref<1x4096x128xf32, #tpu.memory_space<hbm>> -> memref<4096x128xf32, #tpu.memory_space<hbm>>
          %dma_wait3A_210 = arith.constant 0 : i32
          %dma_wait3A_211 = tpu.memref_slice %dma_wait3A_209[%mul3A_193, %dma_wait3A_210] : memref<4096x128xf32, #tpu.memory_space<hbm>> -> memref<512x128xf32, #tpu.memory_space<hbm>>
          %dma_wait3A_212 = arith.constant 0 : i32
          %dma_wait3A_213 = arith.constant 0 : i32
          %dma_wait3A_214 = tpu.memref_slice %arg6[%add3A_6, %dma_wait3A_212, %dma_wait3A_213] : memref<44x4096x128xf32, #tpu.memory_space<hbm>> -> memref<1x4096x128xf32, #tpu.memory_space<hbm>>
          %dma_wait3A_215 = tpu.memref_squeeze %dma_wait3A_214 : memref<1x4096x128xf32, #tpu.memory_space<hbm>> -> memref<4096x128xf32, #tpu.memory_space<hbm>>
          %dma_wait3A_216 = arith.constant 0 : i32
          %dma_wait3A_217 = tpu.memref_slice %dma_wait3A_215[%mul3A_193, %dma_wait3A_216] : memref<4096x128xf32, #tpu.memory_space<hbm>> -> memref<512x128xf32, #tpu.memory_space<hbm>>
          tpu.wait_dma2 semaphore(%run_scoped3A : memref<!tpu.dma_semaphore, #tpu.memory_space<semaphore_mem>>) src(%arg13 : memref<512x128xf32, #tpu.memory_space<vmem>>) dst(%dma_wait3A_217 : memref<512x128xf32, #tpu.memory_space<hbm>>)
          tpu.yield
        }) : () -> ()
      }
      %while3A_177 = arith.constant 1 : i32
      scf.for %while3A_183 = %while3A_175 to %while3A_171 step %while3A_177  : i32 {
        %mul3A_184 = arith.constant 512 : i32
        %mul3A_185 = arith.muli %while3A_183, %mul3A_184 : i32
        %dma_start3A = tpu.memref_slice %arg11[%mul3A_185] : memref<4608xi32, #tpu.memory_space<vmem>> -> memref<512xi32, #tpu.memory_space<vmem>>
        %dma_start3A_186 = arith.constant 0 : i32
        %dma_start3A_187 = arith.constant 0 : i32
        %dma_start3A_188 = tpu.memref_slice %arg2[%dma_start3A_186, %dma_start3A_187] : memref<16416x128xf32, #tpu.memory_space<hbm>> -> memref<16416x128xf32, #tpu.memory_space<hbm>>
        tpu.enqueue_indirect_dma source(%dma_start3A_188 : memref<16416x128xf32, #tpu.memory_space<hbm>>) target(%arg13 : memref<512x128xf32, #tpu.memory_space<vmem>>) offsets(%dma_start3A : memref<512xi32, #tpu.memory_space<vmem>>) semaphore(%arg19 : memref<!tpu.dma_semaphore, #tpu.memory_space<semaphore_mem>>)
        %dma_wait3A = tpu.memref_slice %arg11[%mul3A_185] : memref<4608xi32, #tpu.memory_space<vmem>> -> memref<512xi32, #tpu.memory_space<vmem>>
        %dma_wait3A_189 = arith.constant 0 : i32
        %dma_wait3A_190 = arith.constant 0 : i32
        %dma_wait3A_191 = tpu.memref_slice %arg2[%dma_wait3A_189, %dma_wait3A_190] : memref<16416x128xf32, #tpu.memory_space<hbm>> -> memref<16416x128xf32, #tpu.memory_space<hbm>>
        tpu.wait_indirect_dma semaphore(%arg19 : memref<!tpu.dma_semaphore, #tpu.memory_space<semaphore_mem>>) src(%dma_wait3A_191 : memref<16416x128xf32, #tpu.memory_space<hbm>>) dst(%arg13 : memref<512x128xf32, #tpu.memory_space<vmem>>)
        %mul3A_192 = arith.constant 512 : i32
        %mul3A_193 = arith.muli %while3A_183, %mul3A_192 : i32
        "tpu.region"() ({
          %run_scoped3A = tpu.sem_alloc : memref<!tpu.dma_semaphore, #tpu.memory_space<semaphore_mem>>
          %dma_start3A_194 = arith.constant 0 : i32
          %dma_start3A_195 = arith.constant 0 : i32
          %dma_start3A_196 = tpu.memref_slice %arg6[%add3A_6, %dma_start3A_194, %dma_start3A_195] : memref<44x4096x128xf32, #tpu.memory_space<hbm>> -> memref<1x4096x128xf32, #tpu.memory_space<hbm>>
          %dma_start3A_197 = tpu.memref_squeeze %dma_start3A_196 : memref<1x4096x128xf32, #tpu.memory_space<hbm>> -> memref<4096x128xf32, #tpu.memory_space<hbm>>
          %dma_start3A_198 = arith.constant 0 : i32
          %dma_start3A_199 = tpu.memref_slice %dma_start3A_197[%mul3A_193, %dma_start3A_198] : memref<4096x128xf32, #tpu.memory_space<hbm>> -> memref<512x128xf32, #tpu.memory_space<hbm>>
          %dma_start3A_200 = arith.constant 0 : i32
          %dma_start3A_201 = arith.constant 0 : i32
          %dma_start3A_202 = tpu.memref_slice %arg6[%add3A_6, %dma_start3A_200, %dma_start3A_201] : memref<44x4096x128xf32, #tpu.memory_space<hbm>> -> memref<1x4096x128xf32, #tpu.memory_space<hbm>>
          %dma_start3A_203 = tpu.memref_squeeze %dma_start3A_202 : memref<1x4096x128xf32, #tpu.memory_space<hbm>> -> memref<4096x128xf32, #tpu.memory_space<hbm>>
          %dma_start3A_204 = arith.constant 0 : i32
          %dma_start3A_205 = tpu.memref_slice %dma_start3A_203[%mul3A_193, %dma_start3A_204] : memref<4096x128xf32, #tpu.memory_space<hbm>> -> memref<512x128xf32, #tpu.memory_space<hbm>>
          tpu.enqueue_dma source(%arg13 : memref<512x128xf32, #tpu.memory_space<vmem>>) target(%dma_start3A_205 : memref<512x128xf32, #tpu.memory_space<hbm>>) target_semaphore(%run_scoped3A : memref<!tpu.dma_semaphore, #tpu.memory_space<semaphore_mem>>)
          %dma_wait3A_206 = arith.constant 0 : i32
          %dma_wait3A_207 = arith.constant 0 : i32
          %dma_wait3A_208 = tpu.memref_slice %arg6[%add3A_6, %dma_wait3A_206, %dma_wait3A_207] : memref<44x4096x128xf32, #tpu.memory_space<hbm>> -> memref<1x4096x128xf32, #tpu.memory_space<hbm>>
          %dma_wait3A_209 = tpu.memref_squeeze %dma_wait3A_208 : memref<1x4096x128xf32, #tpu.memory_space<hbm>> -> memref<4096x128xf32, #tpu.memory_space<hbm>>
          %dma_wait3A_210 = arith.constant 0 : i32
          %dma_wait3A_211 = tpu.memref_slice %dma_wait3A_209[%mul3A_193, %dma_wait3A_210] : memref<4096x128xf32, #tpu.memory_space<hbm>> -> memref<512x128xf32, #tpu.memory_space<hbm>>
          %dma_wait3A_212 = arith.constant 0 : i32
          %dma_wait3A_213 = arith.constant 0 : i32
          %dma_wait3A_214 = tpu.memref_slice %arg6[%add3A_6, %dma_wait3A_212, %dma_wait3A_213] : memref<44x4096x128xf32, #tpu.memory_space<hbm>> -> memref<1x4096x128xf32, #tpu.memory_space<hbm>>
          %dma_wait3A_215 = tpu.memref_squeeze %dma_wait3A_214 : memref<1x4096x128xf32, #tpu.memory_space<hbm>> -> memref<4096x128xf32, #tpu.memory_space<hbm>>
          %dma_wait3A_216 = arith.constant 0 : i32
          %dma_wait3A_217 = tpu.memref_slice %dma_wait3A_215[%mul3A_193, %dma_wait3A_216] : memref<4096x128xf32, #tpu.memory_space<hbm>> -> memref<512x128xf32, #tpu.memory_space<hbm>>
          tpu.wait_dma2 semaphore(%run_scoped3A : memref<!tpu.dma_semaphore, #tpu.memory_space<semaphore_mem>>) src(%arg13 : memref<512x128xf32, #tpu.memory_space<vmem>>) dst(%dma_wait3A_217 : memref<512x128xf32, #tpu.memory_space<hbm>>)
          tpu.yield
        }) : () -> ()
      }
      %eq3A_178 = arith.constant 1 : i32
      %eq3A_179 = arith.cmpi eq, %select_n3A_21, %eq3A_178 : i32
      %convert_element_type3A_180 = arith.extui %eq3A_179 : i1 to i32
      %cond3A_181 = arith.constant 0 : i32
      %cond3A_182 = arith.cmpi ne, %convert_element_type3A_180, %cond3A_181 : i32
      scf.if %cond3A_182 {
        %while3A_183 = arith.constant 0 : i32
        %while3A_184 = arith.constant 0 : i32
        %while3A_185 = arith.subi %select_n3A_168, %while3A_184 : i32
        %while3A_186 = arith.addi %while3A_184, %while3A_185 : i32
        %while3A_187 = arith.constant 1 : i32
        %while3A_188 = arith.divsi %while3A_185, %while3A_187 : i32
        %while3A_189 = arith.muli %while3A_188, %while3A_187 : i32
        %while3A_190 = arith.addi %while3A_184, %while3A_189 : i32
        %while3A_191 = arith.constant 1 : i32
        scf.for %while3A_193 = %while3A_184 to %while3A_190 step %while3A_191  : i32 {
          %mul3A_194 = arith.constant 512 : i32
          %mul3A_195 = arith.muli %while3A_193, %mul3A_194 : i32
          %dma_start3A = tpu.memref_slice %arg11[%mul3A_195] : memref<4608xi32, #tpu.memory_space<vmem>> -> memref<512xi32, #tpu.memory_space<vmem>>
          %dma_start3A_196 = arith.constant 0 : i32
          %dma_start3A_197 = arith.constant 0 : i32
          %dma_start3A_198 = tpu.memref_slice %arg3[%dma_start3A_196, %dma_start3A_197] : memref<16416x8xf32, #tpu.memory_space<hbm>> -> memref<16416x8xf32, #tpu.memory_space<hbm>>
          tpu.enqueue_indirect_dma source(%dma_start3A_198 : memref<16416x8xf32, #tpu.memory_space<hbm>>) target(%arg14 : memref<512x8xf32, #tpu.memory_space<vmem>>) offsets(%dma_start3A : memref<512xi32, #tpu.memory_space<vmem>>) semaphore(%arg19 : memref<!tpu.dma_semaphore, #tpu.memory_space<semaphore_mem>>)
          %dma_wait3A = tpu.memref_slice %arg11[%mul3A_195] : memref<4608xi32, #tpu.memory_space<vmem>> -> memref<512xi32, #tpu.memory_space<vmem>>
          %dma_wait3A_199 = arith.constant 0 : i32
          %dma_wait3A_200 = arith.constant 0 : i32
          %dma_wait3A_201 = tpu.memref_slice %arg3[%dma_wait3A_199, %dma_wait3A_200] : memref<16416x8xf32, #tpu.memory_space<hbm>> -> memref<16416x8xf32, #tpu.memory_space<hbm>>
          tpu.wait_indirect_dma semaphore(%arg19 : memref<!tpu.dma_semaphore, #tpu.memory_space<semaphore_mem>>) src(%dma_wait3A_201 : memref<16416x8xf32, #tpu.memory_space<hbm>>) dst(%arg14 : memref<512x8xf32, #tpu.memory_space<vmem>>)
          %mul3A_202 = arith.constant 512 : i32
          %mul3A_203 = arith.muli %while3A_193, %mul3A_202 : i32
          "tpu.region"() ({
            %run_scoped3A = tpu.sem_alloc : memref<!tpu.dma_semaphore, #tpu.memory_space<semaphore_mem>>
            %dma_start3A_204 = arith.constant 0 : i32
            %dma_start3A_205 = arith.constant 0 : i32
            %dma_start3A_206 = tpu.memref_slice %arg7[%select_n3A_42, %dma_start3A_204, %dma_start3A_205] : memref<22x4096x8xf32, #tpu.memory_space<hbm>> -> memref<1x4096x8xf32, #tpu.memory_space<hbm>>
            %dma_start3A_207 = tpu.memref_squeeze %dma_start3A_206 : memref<1x4096x8xf32, #tpu.memory_space<hbm>> -> memref<4096x8xf32, #tpu.memory_space<hbm>>
            %dma_start3A_208 = arith.constant 0 : i32
            %dma_start3A_209 = tpu.memref_slice %dma_start3A_207[%mul3A_203, %dma_start3A_208] : memref<4096x8xf32, #tpu.memory_space<hbm>> -> memref<512x8xf32, #tpu.memory_space<hbm>>
            %dma_start3A_210 = arith.constant 0 : i32
            %dma_start3A_211 = arith.constant 0 : i32
            %dma_start3A_212 = tpu.memref_slice %arg7[%select_n3A_42, %dma_start3A_210, %dma_start3A_211] : memref<22x4096x8xf32, #tpu.memory_space<hbm>> -> memref<1x4096x8xf32, #tpu.memory_space<hbm>>
            %dma_start3A_213 = tpu.memref_squeeze %dma_start3A_212 : memref<1x4096x8xf32, #tpu.memory_space<hbm>> -> memref<4096x8xf32, #tpu.memory_space<hbm>>
            %dma_start3A_214 = arith.constant 0 : i32
            %dma_start3A_215 = tpu.memref_slice %dma_start3A_213[%mul3A_203, %dma_start3A_214] : memref<4096x8xf32, #tpu.memory_space<hbm>> -> memref<512x8xf32, #tpu.memory_space<hbm>>
            tpu.enqueue_dma source(%arg14 : memref<512x8xf32, #tpu.memory_space<vmem>>) target(%dma_start3A_215 : memref<512x8xf32, #tpu.memory_space<hbm>>) target_semaphore(%run_scoped3A : memref<!tpu.dma_semaphore, #tpu.memory_space<semaphore_mem>>)
            %dma_wait3A_216 = arith.constant 0 : i32
            %dma_wait3A_217 = arith.constant 0 : i32
            %dma_wait3A_218 = tpu.memref_slice %arg7[%select_n3A_42, %dma_wait3A_216, %dma_wait3A_217] : memref<22x4096x8xf32, #tpu.memory_space<hbm>> -> memref<1x4096x8xf32, #tpu.memory_space<hbm>>
            %dma_wait3A_219 = tpu.memref_squeeze %dma_wait3A_218 : memref<1x4096x8xf32, #tpu.memory_space<hbm>> -> memref<4096x8xf32, #tpu.memory_space<hbm>>
            %dma_wait3A_220 = arith.constant 0 : i32
            %dma_wait3A_221 = tpu.memref_slice %dma_wait3A_219[%mul3A_203, %dma_wait3A_220] : memref<4096x8xf32, #tpu.memory_space<hbm>> -> memref<512x8xf32, #tpu.memory_space<hbm>>
            %dma_wait3A_222 = arith.constant 0 : i32
            %dma_wait3A_223 = arith.constant 0 : i32
            %dma_wait3A_224 = tpu.memref_slice %arg7[%select_n3A_42, %dma_wait3A_222, %dma_wait3A_223] : memref<22x4096x8xf32, #tpu.memory_space<hbm>> -> memref<1x4096x8xf32, #tpu.memory_space<hbm>>
            %dma_wait3A_225 = tpu.memref_squeeze %dma_wait3A_224 : memref<1x4096x8xf32, #tpu.memory_space<hbm>> -> memref<4096x8xf32, #tpu.memory_space<hbm>>
            %dma_wait3A_226 = arith.constant 0 : i32
            %dma_wait3A_227 = tpu.memref_slice %dma_wait3A_225[%mul3A_203, %dma_wait3A_226] : memref<4096x8xf32, #tpu.memory_space<hbm>> -> memref<512x8xf32, #tpu.memory_space<hbm>>
            tpu.wait_dma2 semaphore(%run_scoped3A : memref<!tpu.dma_semaphore, #tpu.memory_space<semaphore_mem>>) src(%arg14 : memref<512x8xf32, #tpu.memory_space<vmem>>) dst(%dma_wait3A_227 : memref<512x8xf32, #tpu.memory_space<hbm>>)
            tpu.yield
          }) : () -> ()
        }
        %while3A_192 = arith.constant 1 : i32
        scf.for %while3A_193 = %while3A_190 to %while3A_186 step %while3A_192  : i32 {
          %mul3A_194 = arith.constant 512 : i32
          %mul3A_195 = arith.muli %while3A_193, %mul3A_194 : i32
          %dma_start3A = tpu.memref_slice %arg11[%mul3A_195] : memref<4608xi32, #tpu.memory_space<vmem>> -> memref<512xi32, #tpu.memory_space<vmem>>
          %dma_start3A_196 = arith.constant 0 : i32
          %dma_start3A_197 = arith.constant 0 : i32
          %dma_start3A_198 = tpu.memref_slice %arg3[%dma_start3A_196, %dma_start3A_197] : memref<16416x8xf32, #tpu.memory_space<hbm>> -> memref<16416x8xf32, #tpu.memory_space<hbm>>
          tpu.enqueue_indirect_dma source(%dma_start3A_198 : memref<16416x8xf32, #tpu.memory_space<hbm>>) target(%arg14 : memref<512x8xf32, #tpu.memory_space<vmem>>) offsets(%dma_start3A : memref<512xi32, #tpu.memory_space<vmem>>) semaphore(%arg19 : memref<!tpu.dma_semaphore, #tpu.memory_space<semaphore_mem>>)
          %dma_wait3A = tpu.memref_slice %arg11[%mul3A_195] : memref<4608xi32, #tpu.memory_space<vmem>> -> memref<512xi32, #tpu.memory_space<vmem>>
          %dma_wait3A_199 = arith.constant 0 : i32
          %dma_wait3A_200 = arith.constant 0 : i32
          %dma_wait3A_201 = tpu.memref_slice %arg3[%dma_wait3A_199, %dma_wait3A_200] : memref<16416x8xf32, #tpu.memory_space<hbm>> -> memref<16416x8xf32, #tpu.memory_space<hbm>>
          tpu.wait_indirect_dma semaphore(%arg19 : memref<!tpu.dma_semaphore, #tpu.memory_space<semaphore_mem>>) src(%dma_wait3A_201 : memref<16416x8xf32, #tpu.memory_space<hbm>>) dst(%arg14 : memref<512x8xf32, #tpu.memory_space<vmem>>)
          %mul3A_202 = arith.constant 512 : i32
          %mul3A_203 = arith.muli %while3A_193, %mul3A_202 : i32
          "tpu.region"() ({
            %run_scoped3A = tpu.sem_alloc : memref<!tpu.dma_semaphore, #tpu.memory_space<semaphore_mem>>
            %dma_start3A_204 = arith.constant 0 : i32
            %dma_start3A_205 = arith.constant 0 : i32
            %dma_start3A_206 = tpu.memref_slice %arg7[%select_n3A_42, %dma_start3A_204, %dma_start3A_205] : memref<22x4096x8xf32, #tpu.memory_space<hbm>> -> memref<1x4096x8xf32, #tpu.memory_space<hbm>>
            %dma_start3A_207 = tpu.memref_squeeze %dma_start3A_206 : memref<1x4096x8xf32, #tpu.memory_space<hbm>> -> memref<4096x8xf32, #tpu.memory_space<hbm>>
            %dma_start3A_208 = arith.constant 0 : i32
            %dma_start3A_209 = tpu.memref_slice %dma_start3A_207[%mul3A_203, %dma_start3A_208] : memref<4096x8xf32, #tpu.memory_space<hbm>> -> memref<512x8xf32, #tpu.memory_space<hbm>>
            %dma_start3A_210 = arith.constant 0 : i32
            %dma_start3A_211 = arith.constant 0 : i32
            %dma_start3A_212 = tpu.memref_slice %arg7[%select_n3A_42, %dma_start3A_210, %dma_start3A_211] : memref<22x4096x8xf32, #tpu.memory_space<hbm>> -> memref<1x4096x8xf32, #tpu.memory_space<hbm>>
            %dma_start3A_213 = tpu.memref_squeeze %dma_start3A_212 : memref<1x4096x8xf32, #tpu.memory_space<hbm>> -> memref<4096x8xf32, #tpu.memory_space<hbm>>
            %dma_start3A_214 = arith.constant 0 : i32
            %dma_start3A_215 = tpu.memref_slice %dma_start3A_213[%mul3A_203, %dma_start3A_214] : memref<4096x8xf32, #tpu.memory_space<hbm>> -> memref<512x8xf32, #tpu.memory_space<hbm>>
            tpu.enqueue_dma source(%arg14 : memref<512x8xf32, #tpu.memory_space<vmem>>) target(%dma_start3A_215 : memref<512x8xf32, #tpu.memory_space<hbm>>) target_semaphore(%run_scoped3A : memref<!tpu.dma_semaphore, #tpu.memory_space<semaphore_mem>>)
            %dma_wait3A_216 = arith.constant 0 : i32
            %dma_wait3A_217 = arith.constant 0 : i32
            %dma_wait3A_218 = tpu.memref_slice %arg7[%select_n3A_42, %dma_wait3A_216, %dma_wait3A_217] : memref<22x4096x8xf32, #tpu.memory_space<hbm>> -> memref<1x4096x8xf32, #tpu.memory_space<hbm>>
            %dma_wait3A_219 = tpu.memref_squeeze %dma_wait3A_218 : memref<1x4096x8xf32, #tpu.memory_space<hbm>> -> memref<4096x8xf32, #tpu.memory_space<hbm>>
            %dma_wait3A_220 = arith.constant 0 : i32
            %dma_wait3A_221 = tpu.memref_slice %dma_wait3A_219[%mul3A_203, %dma_wait3A_220] : memref<4096x8xf32, #tpu.memory_space<hbm>> -> memref<512x8xf32, #tpu.memory_space<hbm>>
            %dma_wait3A_222 = arith.constant 0 : i32
            %dma_wait3A_223 = arith.constant 0 : i32
            %dma_wait3A_224 = tpu.memref_slice %arg7[%select_n3A_42, %dma_wait3A_222, %dma_wait3A_223] : memref<22x4096x8xf32, #tpu.memory_space<hbm>> -> memref<1x4096x8xf32, #tpu.memory_space<hbm>>
            %dma_wait3A_225 = tpu.memref_squeeze %dma_wait3A_224 : memref<1x4096x8xf32, #tpu.memory_space<hbm>> -> memref<4096x8xf32, #tpu.memory_space<hbm>>
            %dma_wait3A_226 = arith.constant 0 : i32
            %dma_wait3A_227 = tpu.memref_slice %dma_wait3A_225[%mul3A_203, %dma_wait3A_226] : memref<4096x8xf32, #tpu.memory_space<hbm>> -> memref<512x8xf32, #tpu.memory_space<hbm>>
            tpu.wait_dma2 semaphore(%run_scoped3A : memref<!tpu.dma_semaphore, #tpu.memory_space<semaphore_mem>>) src(%arg14 : memref<512x8xf32, #tpu.memory_space<vmem>>) dst(%dma_wait3A_227 : memref<512x8xf32, #tpu.memory_space<hbm>>)
            tpu.yield
          }) : () -> ()
        }
      } else {
      }
    } else {
    }
    return
  }
}

module attributes {stable_mosaic.version = 14 : i64} {
  func.func @_tc_attn(%arg0: i32, %arg1: i32, %arg2: memref<704xi32, #tpu.memory_space<smem>>, %arg3: memref<1x4096x128xf32, #tpu.memory_space<vmem>>, %arg4: memref<1x4096x128xf32, #tpu.memory_space<vmem>>, %arg5: memref<1x4096x8xf32, #tpu.memory_space<vmem>>, %arg6: memref<1x256x8xf32, #tpu.memory_space<vmem>>, %arg7: memref<4096x128xbf16, #tpu.memory_space<vmem>>, %arg8: memref<4096x128xbf16, #tpu.memory_space<vmem>>, %arg9: memref<4096x8xbf16, #tpu.memory_space<vmem>>) attributes {dimension_semantics = [#tpu.dimension_semantics<arbitrary>, #tpu.dimension_semantics<arbitrary>], iteration_bounds = array<i64: 22, 16>, scalar_prefetch = 1 : i64, scratch_operands = 3 : i64, tpu.core_type = #tpu.core_type<tc>, window_params = [{transform_indices = @transform_0, window_bounds = array<i64: 1, 4096, 128>}, {transform_indices = @transform_1, window_bounds = array<i64: 1, 4096, 128>}, {transform_indices = @transform_2, window_bounds = array<i64: 1, 4096, 8>}, {transform_indices = @transform_3, window_bounds = array<i64: 1, 256, 8>}]} {
    %mul3A = arith.constant 2 : i32
    %mul3A_0 = arith.muli %mul3A, %arg0 : i32
    %mul3A_1 = arith.constant 16 : i32
    %mul3A_2 = arith.muli %mul3A_0, %mul3A_1 : i32
    %get3A = arith.index_cast %mul3A_2 : i32 to index
    %get3A_3 = memref.load %arg2[%get3A] : memref<704xi32, #tpu.memory_space<smem>>
    %mul3A_4 = arith.constant 2 : i32
    %mul3A_5 = arith.muli %mul3A_4, %arg0 : i32
    %add3A = arith.constant 1 : i32
    %add3A_6 = arith.addi %mul3A_5, %add3A : i32
    %mul3A_7 = arith.constant 16 : i32
    %mul3A_8 = arith.muli %add3A_6, %mul3A_7 : i32
    %get3A_9 = arith.index_cast %mul3A_8 : i32 to index
    %get3A_10 = memref.load %arg2[%get3A_9] : memref<704xi32, #tpu.memory_space<smem>>
    %eq3A = arith.constant 0 : i32
    %eq3A_11 = arith.cmpi eq, %arg1, %eq3A : i32
    %convert_element_type3A = arith.extui %eq3A_11 : i1 to i32
    %cond3A = arith.constant 0 : i32
    %cond3A_12 = arith.cmpi ne, %convert_element_type3A, %cond3A : i32
    scf.if %cond3A_12 {
      %iota3A = tpu.iota {dimensions = array<i32: 0>} : vector<4096x1xi32>
      %convert_element_type3A_18 = arith.sitofp %get3A_3 : i32 to f32
      %max3A = arith.constant 1.000000e+00 : f32
      %max3A_19 = arith.maximumf %convert_element_type3A_18, %max3A : f32
      %broadcast_in_dim3A = arith.constant 0.000000e+00 : f32
      %broadcast_in_dim3A_20 = vector.broadcast %broadcast_in_dim3A : f32 to vector<1x128xf32>
      %scan3A = arith.constant 0 : i32
      %scan3A_21 = arith.constant 8 : i32
      %scan3A_22 = arith.addi %scan3A, %scan3A_21 : i32
      %scan3A_23 = arith.constant 1 : i32
      %scan3A_24 = scf.for %scan3A_67 = %scan3A to %scan3A_22 step %scan3A_23 iter_args(%scan3A_68 = %broadcast_in_dim3A_20) -> (vector<1x128xf32>)  : i32 {
        %iota3A_69 = tpu.iota {dimensions = array<i32: 0>} : vector<512x1xi32>
        %mul3A_70 = arith.constant 512 : i32
        %mul3A_71 = arith.muli %scan3A_67, %mul3A_70 : i32
        %add3A_72 = vector.broadcast %mul3A_71 : i32 to vector<512x1xi32>
        %add3A_73 = arith.addi %iota3A_69, %add3A_72 : vector<512x1xi32>
        %lt3A_74 = vector.broadcast %get3A_3 : i32 to vector<512x1xi32>
        %lt3A_75 = arith.cmpi slt, %add3A_73, %lt3A_74 : vector<512x1xi32>
        %mul3A_76 = arith.constant 512 : i32
        %mul3A_77 = arith.muli %scan3A_67, %mul3A_76 : i32
        %get3A_78 = arith.constant 0 : index
        %get3A_79 = arith.index_cast %mul3A_77 : i32 to index
        %get3A_80 = arith.constant 0 : index
        %get3A_81 = vector.load %arg3[%get3A_78, %get3A_79, %get3A_80] : memref<1x4096x128xf32, #tpu.memory_space<vmem>>, vector<1x512x128xf32>
        %get3A_82 = vector.shape_cast %get3A_81 : vector<1x512x128xf32> to vector<512x128xf32>
        %jit3A_83 = arith.constant 0.000000e+00 : f32
        %broadcast_in_dim3A_84 = vector.shape_cast %lt3A_75 : vector<512x1xi1> to vector<512x1xi1>
        %broadcast_in_dim3A_85 = vector.broadcast %broadcast_in_dim3A_84 : vector<512x1xi1> to vector<512x128xi1>
        %broadcast_in_dim3A_86 = vector.broadcast %jit3A_83 : f32 to vector<512x128xf32>
        %select_n3A_87 = arith.select %broadcast_in_dim3A_85, %get3A_82, %broadcast_in_dim3A_86 : vector<512x128xi1>, vector<512x128xf32>
        %reduce_sum3A = arith.constant dense<0.000000e+00> : vector<128xf32>
        %reduce_sum3A_88 = vector.multi_reduction <add>, %select_n3A_87, %reduce_sum3A [0] : vector<512x128xf32> to vector<128xf32>
        %broadcast_in_dim3A_89 = vector.shape_cast %reduce_sum3A_88 : vector<128xf32> to vector<1x128xf32>
        %add3A_90 = arith.addf %scan3A_68, %broadcast_in_dim3A_89 : vector<1x128xf32>
        scf.yield %add3A_90 : vector<1x128xf32>
      }
      %scan3A_25 = arith.constant 8 : i32
      %div3A = vector.broadcast %max3A_19 : f32 to vector<1x128xf32>
      %div3A_26 = arith.divf %scan3A_24, %div3A : vector<1x128xf32>
      %scan3A_27 = arith.constant 0 : i32
      %scan3A_28 = arith.constant 8 : i32
      %scan3A_29 = arith.addi %scan3A_27, %scan3A_28 : i32
      %scan3A_30 = arith.constant 1 : i32
      scf.for %scan3A_67 = %scan3A_27 to %scan3A_29 step %scan3A_30  : i32 {
        %iota3A_68 = tpu.iota {dimensions = array<i32: 0>} : vector<512x1xi32>
        %mul3A_69 = arith.constant 512 : i32
        %mul3A_70 = arith.muli %scan3A_67, %mul3A_69 : i32
        %add3A_71 = vector.broadcast %mul3A_70 : i32 to vector<512x1xi32>
        %add3A_72 = arith.addi %iota3A_68, %add3A_71 : vector<512x1xi32>
        %mul3A_73 = arith.constant 512 : i32
        %mul3A_74 = arith.muli %scan3A_67, %mul3A_73 : i32
        %get3A_75 = arith.constant 0 : index
        %get3A_76 = arith.index_cast %mul3A_74 : i32 to index
        %get3A_77 = arith.constant 0 : index
        %get3A_78 = vector.load %arg3[%get3A_75, %get3A_76, %get3A_77] : memref<1x4096x128xf32, #tpu.memory_space<vmem>>, vector<1x512x128xf32>
        %get3A_79 = vector.shape_cast %get3A_78 : vector<1x512x128xf32> to vector<512x128xf32>
        %lt3A_80 = vector.broadcast %get3A_3 : i32 to vector<512x1xi32>
        %lt3A_81 = arith.cmpi slt, %add3A_72, %lt3A_80 : vector<512x1xi32>
        %sub3A = vector.broadcast %div3A_26 : vector<1x128xf32> to vector<512x128xf32>
        %sub3A_82 = arith.subf %get3A_79, %sub3A : vector<512x128xf32>
        %jit3A_83 = arith.constant 0.000000e+00 : f32
        %broadcast_in_dim3A_84 = vector.shape_cast %lt3A_81 : vector<512x1xi1> to vector<512x1xi1>
        %broadcast_in_dim3A_85 = vector.broadcast %broadcast_in_dim3A_84 : vector<512x1xi1> to vector<512x128xi1>
        %broadcast_in_dim3A_86 = vector.broadcast %jit3A_83 : f32 to vector<512x128xf32>
        %select_n3A_87 = arith.select %broadcast_in_dim3A_85, %sub3A_82, %broadcast_in_dim3A_86 : vector<512x128xi1>, vector<512x128xf32>
        %mul3A_88 = arith.mulf %select_n3A_87, %select_n3A_87 : vector<512x128xf32>
        %reduce_sum3A = arith.constant dense<0.000000e+00> : vector<512xf32>
        %reduce_sum3A_89 = vector.multi_reduction <add>, %mul3A_88, %reduce_sum3A [1] : vector<512x128xf32> to vector<512xf32>
        %broadcast_in_dim3A_90 = vector.shape_cast %reduce_sum3A_89 : vector<512xf32> to vector<512x1xf32>
        %eq3A_91 = arith.constant 0.000000e+00 : f32
        %eq3A_92 = vector.broadcast %eq3A_91 : f32 to vector<512x1xf32>
        %eq3A_93 = arith.cmpf oeq, %broadcast_in_dim3A_90, %eq3A_92 : vector<512x1xf32>
        %jit3A_94 = arith.constant 1.000000e+00 : f32
        %broadcast_in_dim3A_95 = vector.broadcast %jit3A_94 : f32 to vector<512x1xf32>
        %select_n3A_96 = arith.select %eq3A_93, %broadcast_in_dim3A_95, %broadcast_in_dim3A_90 : vector<512x1xi1>, vector<512x1xf32>
        %rsqrt3A = math.rsqrt %select_n3A_96 : vector<512x1xf32>
        %mul3A_97 = vector.broadcast %rsqrt3A : vector<512x1xf32> to vector<512x128xf32>
        %mul3A_98 = arith.mulf %select_n3A_87, %mul3A_97 : vector<512x128xf32>
        %convert_element_type3A_99 = arith.truncf %mul3A_98 : vector<512x128xf32> to vector<512x128xbf16>
        %mul3A_100 = arith.constant 512 : i32
        %mul3A_101 = arith.muli %scan3A_67, %mul3A_100 : i32
        %swap3A_102 = arith.index_cast %mul3A_101 : i32 to index
        %swap3A_103 = arith.constant 0 : index
        %swap3A_104 = vector.load %arg7[%swap3A_102, %swap3A_103] : memref<4096x128xbf16, #tpu.memory_space<vmem>>, vector<512x128xbf16>
        tpu.vector_store %arg7[%swap3A_102, %swap3A_103], %convert_element_type3A_99 {strides = array<i32>} : memref<4096x128xbf16, #tpu.memory_space<vmem>>, vector<512x128xbf16>,
      }
      %scan3A_31 = arith.constant 8 : i32
      %convert_element_type3A_32 = arith.sitofp %get3A_10 : i32 to f32
      %max3A_33 = arith.constant 1.000000e+00 : f32
      %max3A_34 = arith.maximumf %convert_element_type3A_32, %max3A_33 : f32
      %broadcast_in_dim3A_35 = arith.constant 0.000000e+00 : f32
      %broadcast_in_dim3A_36 = vector.broadcast %broadcast_in_dim3A_35 : f32 to vector<1x128xf32>
      %scan3A_37 = arith.constant 0 : i32
      %scan3A_38 = arith.constant 8 : i32
      %scan3A_39 = arith.addi %scan3A_37, %scan3A_38 : i32
      %scan3A_40 = arith.constant 1 : i32
      %scan3A_41 = scf.for %scan3A_67 = %scan3A_37 to %scan3A_39 step %scan3A_40 iter_args(%scan3A_68 = %broadcast_in_dim3A_36) -> (vector<1x128xf32>)  : i32 {
        %iota3A_69 = tpu.iota {dimensions = array<i32: 0>} : vector<512x1xi32>
        %mul3A_70 = arith.constant 512 : i32
        %mul3A_71 = arith.muli %scan3A_67, %mul3A_70 : i32
        %add3A_72 = vector.broadcast %mul3A_71 : i32 to vector<512x1xi32>
        %add3A_73 = arith.addi %iota3A_69, %add3A_72 : vector<512x1xi32>
        %lt3A_74 = vector.broadcast %get3A_10 : i32 to vector<512x1xi32>
        %lt3A_75 = arith.cmpi slt, %add3A_73, %lt3A_74 : vector<512x1xi32>
        %mul3A_76 = arith.constant 512 : i32
        %mul3A_77 = arith.muli %scan3A_67, %mul3A_76 : i32
        %get3A_78 = arith.constant 0 : index
        %get3A_79 = arith.index_cast %mul3A_77 : i32 to index
        %get3A_80 = arith.constant 0 : index
        %get3A_81 = vector.load %arg4[%get3A_78, %get3A_79, %get3A_80] : memref<1x4096x128xf32, #tpu.memory_space<vmem>>, vector<1x512x128xf32>
        %get3A_82 = vector.shape_cast %get3A_81 : vector<1x512x128xf32> to vector<512x128xf32>
        %jit3A_83 = arith.constant 0.000000e+00 : f32
        %broadcast_in_dim3A_84 = vector.shape_cast %lt3A_75 : vector<512x1xi1> to vector<512x1xi1>
        %broadcast_in_dim3A_85 = vector.broadcast %broadcast_in_dim3A_84 : vector<512x1xi1> to vector<512x128xi1>
        %broadcast_in_dim3A_86 = vector.broadcast %jit3A_83 : f32 to vector<512x128xf32>
        %select_n3A_87 = arith.select %broadcast_in_dim3A_85, %get3A_82, %broadcast_in_dim3A_86 : vector<512x128xi1>, vector<512x128xf32>
        %reduce_sum3A = arith.constant dense<0.000000e+00> : vector<128xf32>
        %reduce_sum3A_88 = vector.multi_reduction <add>, %select_n3A_87, %reduce_sum3A [0] : vector<512x128xf32> to vector<128xf32>
        %broadcast_in_dim3A_89 = vector.shape_cast %reduce_sum3A_88 : vector<128xf32> to vector<1x128xf32>
        %add3A_90 = arith.addf %scan3A_68, %broadcast_in_dim3A_89 : vector<1x128xf32>
        scf.yield %add3A_90 : vector<1x128xf32>
      }
      %scan3A_42 = arith.constant 8 : i32
      %div3A_43 = vector.broadcast %max3A_34 : f32 to vector<1x128xf32>
      %div3A_44 = arith.divf %scan3A_41, %div3A_43 : vector<1x128xf32>
      %scan3A_45 = arith.constant 0 : i32
      %scan3A_46 = arith.constant 8 : i32
      %scan3A_47 = arith.addi %scan3A_45, %scan3A_46 : i32
      %scan3A_48 = arith.constant 1 : i32
      scf.for %scan3A_67 = %scan3A_45 to %scan3A_47 step %scan3A_48  : i32 {
        %iota3A_68 = tpu.iota {dimensions = array<i32: 0>} : vector<512x1xi32>
        %mul3A_69 = arith.constant 512 : i32
        %mul3A_70 = arith.muli %scan3A_67, %mul3A_69 : i32
        %add3A_71 = vector.broadcast %mul3A_70 : i32 to vector<512x1xi32>
        %add3A_72 = arith.addi %iota3A_68, %add3A_71 : vector<512x1xi32>
        %mul3A_73 = arith.constant 512 : i32
        %mul3A_74 = arith.muli %scan3A_67, %mul3A_73 : i32
        %get3A_75 = arith.constant 0 : index
        %get3A_76 = arith.index_cast %mul3A_74 : i32 to index
        %get3A_77 = arith.constant 0 : index
        %get3A_78 = vector.load %arg4[%get3A_75, %get3A_76, %get3A_77] : memref<1x4096x128xf32, #tpu.memory_space<vmem>>, vector<1x512x128xf32>
        %get3A_79 = vector.shape_cast %get3A_78 : vector<1x512x128xf32> to vector<512x128xf32>
        %lt3A_80 = vector.broadcast %get3A_10 : i32 to vector<512x1xi32>
        %lt3A_81 = arith.cmpi slt, %add3A_72, %lt3A_80 : vector<512x1xi32>
        %sub3A = vector.broadcast %div3A_44 : vector<1x128xf32> to vector<512x128xf32>
        %sub3A_82 = arith.subf %get3A_79, %sub3A : vector<512x128xf32>
        %jit3A_83 = arith.constant 0.000000e+00 : f32
        %broadcast_in_dim3A_84 = vector.shape_cast %lt3A_81 : vector<512x1xi1> to vector<512x1xi1>
        %broadcast_in_dim3A_85 = vector.broadcast %broadcast_in_dim3A_84 : vector<512x1xi1> to vector<512x128xi1>
        %broadcast_in_dim3A_86 = vector.broadcast %jit3A_83 : f32 to vector<512x128xf32>
        %select_n3A_87 = arith.select %broadcast_in_dim3A_85, %sub3A_82, %broadcast_in_dim3A_86 : vector<512x128xi1>, vector<512x128xf32>
        %mul3A_88 = arith.mulf %select_n3A_87, %select_n3A_87 : vector<512x128xf32>
        %reduce_sum3A = arith.constant dense<0.000000e+00> : vector<512xf32>
        %reduce_sum3A_89 = vector.multi_reduction <add>, %mul3A_88, %reduce_sum3A [1] : vector<512x128xf32> to vector<512xf32>
        %broadcast_in_dim3A_90 = vector.shape_cast %reduce_sum3A_89 : vector<512xf32> to vector<512x1xf32>
        %eq3A_91 = arith.constant 0.000000e+00 : f32
        %eq3A_92 = vector.broadcast %eq3A_91 : f32 to vector<512x1xf32>
        %eq3A_93 = arith.cmpf oeq, %broadcast_in_dim3A_90, %eq3A_92 : vector<512x1xf32>
        %jit3A_94 = arith.constant 1.000000e+00 : f32
        %broadcast_in_dim3A_95 = vector.broadcast %jit3A_94 : f32 to vector<512x1xf32>
        %select_n3A_96 = arith.select %eq3A_93, %broadcast_in_dim3A_95, %broadcast_in_dim3A_90 : vector<512x1xi1>, vector<512x1xf32>
        %rsqrt3A = math.rsqrt %select_n3A_96 : vector<512x1xf32>
        %mul3A_97 = vector.broadcast %rsqrt3A : vector<512x1xf32> to vector<512x128xf32>
        %mul3A_98 = arith.mulf %select_n3A_87, %mul3A_97 : vector<512x128xf32>
        %convert_element_type3A_99 = arith.truncf %mul3A_98 : vector<512x128xf32> to vector<512x128xbf16>
        %mul3A_100 = arith.constant 512 : i32
        %mul3A_101 = arith.muli %scan3A_67, %mul3A_100 : i32
        %swap3A_102 = arith.index_cast %mul3A_101 : i32 to index
        %swap3A_103 = arith.constant 0 : index
        %swap3A_104 = vector.load %arg8[%swap3A_102, %swap3A_103] : memref<4096x128xbf16, #tpu.memory_space<vmem>>, vector<512x128xbf16>
        tpu.vector_store %arg8[%swap3A_102, %swap3A_103], %convert_element_type3A_99 {strides = array<i32>} : memref<4096x128xbf16, #tpu.memory_space<vmem>>, vector<512x128xbf16>,
      }
      %scan3A_49 = arith.constant 8 : i32
      %get3A_50 = arith.constant 0 : index
      %get3A_51 = arith.constant 0 : index
      %get3A_52 = arith.constant 0 : index
      %get3A_53 = vector.load %arg5[%get3A_50, %get3A_51, %get3A_52] : memref<1x4096x8xf32, #tpu.memory_space<vmem>>, vector<1x4096x8xf32>
      %get3A_54 = vector.shape_cast %get3A_53 : vector<1x4096x8xf32> to vector<4096x8xf32>
      %slice3A = vector.extract_strided_slice %get3A_54 {offsets = [0, 0], sizes = [4096, 3], strides = [1, 1]} : vector<4096x8xf32> to vector<4096x3xf32>
      %broadcast_in_dim3A_55 = arith.constant 1.000000e+00 : f32
      %broadcast_in_dim3A_56 = vector.broadcast %broadcast_in_dim3A_55 : f32 to vector<4096x1xf32>
      %broadcast_in_dim3A_57 = arith.constant 0.000000e+00 : f32
      %broadcast_in_dim3A_58 = vector.broadcast %broadcast_in_dim3A_57 : f32 to vector<4096x4xf32>
      %concatenate3A = tpu.concatenate %slice3A, %broadcast_in_dim3A_56, %broadcast_in_dim3A_58 in 1 : vector<4096x3xf32>, vector<4096x1xf32>, vector<4096x4xf32> -> vector<4096x8xf32>
      %lt3A_59 = vector.broadcast %get3A_10 : i32 to vector<4096x1xi32>
      %lt3A_60 = arith.cmpi slt, %iota3A, %lt3A_59 : vector<4096x1xi32>
      %jit3A = arith.constant 0.000000e+00 : f32
      %broadcast_in_dim3A_61 = vector.shape_cast %lt3A_60 : vector<4096x1xi1> to vector<4096x1xi1>
      %broadcast_in_dim3A_62 = vector.broadcast %broadcast_in_dim3A_61 : vector<4096x1xi1> to vector<4096x8xi1>
      %broadcast_in_dim3A_63 = vector.broadcast %jit3A : f32 to vector<4096x8xf32>
      %select_n3A = arith.select %broadcast_in_dim3A_62, %concatenate3A, %broadcast_in_dim3A_63 : vector<4096x8xi1>, vector<4096x8xf32>
      %convert_element_type3A_64 = arith.truncf %select_n3A : vector<4096x8xf32> to vector<4096x8xbf16>
      %swap3A = arith.constant 0 : index
      %swap3A_65 = arith.constant 0 : index
      %swap3A_66 = vector.load %arg9[%swap3A, %swap3A_65] : memref<4096x8xbf16, #tpu.memory_space<vmem>>, vector<4096x8xbf16>
      tpu.vector_store %arg9[%swap3A, %swap3A_65], %convert_element_type3A_64 {strides = array<i32>} : memref<4096x8xbf16, #tpu.memory_space<vmem>>, vector<4096x8xbf16>,
    } else {
    }
    %mul3A_13 = arith.constant 256 : i32
    %mul3A_14 = arith.muli %arg1, %mul3A_13 : i32
    %lt3A = arith.cmpi slt, %mul3A_14, %get3A_3 : i32
    %convert_element_type3A_15 = arith.extui %lt3A : i1 to i32
    %cond3A_16 = arith.constant 0 : i32
    %cond3A_17 = arith.cmpi ne, %convert_element_type3A_15, %cond3A_16 : i32
    scf.if %cond3A_17 {
      %mul3A_18 = arith.constant 256 : i32
      %mul3A_19 = arith.muli %arg1, %mul3A_18 : i32
      %get3A_20 = arith.index_cast %mul3A_19 : i32 to index
      %get3A_21 = arith.constant 0 : index
      %get3A_22 = vector.load %arg7[%get3A_20, %get3A_21] : memref<4096x128xbf16, #tpu.memory_space<vmem>>, vector<256x128xbf16>
      %add3A_23 = arith.constant 512 : i32
      %add3A_24 = arith.addi %get3A_10, %add3A_23 : i32
      %sub3A = arith.constant 1 : i32
      %sub3A_25 = arith.subi %add3A_24, %sub3A : i32
      %jit3A = arith.constant 512 : i32
      %div3A = arith.divsi %sub3A_25, %jit3A : i32
      %sign3A = arith.constant 0 : i32
      %sign3A_26 = arith.cmpi sgt, %sub3A_25, %sign3A : i32
      %sign3A_27 = arith.extui %sign3A_26 : i1 to i32
      %sign3A_28 = arith.constant 0 : i32
      %sign3A_29 = arith.cmpi slt, %sub3A_25, %sign3A_28 : i32
      %sign3A_30 = arith.extui %sign3A_29 : i1 to i32
      %sign3A_31 = arith.subi %sign3A_27, %sign3A_30 : i32
      %sign3A_32 = arith.constant 0 : i32
      %sign3A_33 = arith.cmpi sgt, %jit3A, %sign3A_32 : i32
      %sign3A_34 = arith.extui %sign3A_33 : i1 to i32
      %sign3A_35 = arith.constant 0 : i32
      %sign3A_36 = arith.cmpi slt, %jit3A, %sign3A_35 : i32
      %sign3A_37 = arith.extui %sign3A_36 : i1 to i32
      %sign3A_38 = arith.subi %sign3A_34, %sign3A_37 : i32
      %ne3A = arith.cmpi ne, %sign3A_31, %sign3A_38 : i32
      %rem3A = arith.remsi %sub3A_25, %jit3A : i32
      %ne3A_39 = arith.constant 0 : i32
      %ne3A_40 = arith.cmpi ne, %rem3A, %ne3A_39 : i32
      %and3A = arith.andi %ne3A, %ne3A_40 : i1
      %sub3A_41 = arith.constant 1 : i32
      %sub3A_42 = arith.subi %div3A, %sub3A_41 : i32
      %select_n3A = arith.select %and3A, %sub3A_42, %div3A : i32
      %broadcast_in_dim3A = arith.constant 0.000000e+00 : f32
      %broadcast_in_dim3A_43 = vector.broadcast %broadcast_in_dim3A : f32 to vector<256x8xf32>
      %while3A = arith.constant 0 : i32
      %while3A_44 = arith.subi %select_n3A, %while3A : i32
      %while3A_45 = arith.addi %while3A, %while3A_44 : i32
      %while3A_46 = arith.constant 1 : i32
      %while3A_47 = arith.divsi %while3A_44, %while3A_46 : i32
      %while3A_48 = arith.muli %while3A_47, %while3A_46 : i32
      %while3A_49 = arith.addi %while3A, %while3A_48 : i32
      %while3A_50 = arith.constant 1 : i32
      %while3A_51 = scf.for %while3A_66 = %while3A to %while3A_49 step %while3A_50 iter_args(%while3A_67 = %broadcast_in_dim3A_43) -> (vector<256x8xf32>)  : i32 {
        %mul3A_68 = arith.constant 512 : i32
        %mul3A_69 = arith.muli %while3A_66, %mul3A_68 : i32
        %get3A_70 = arith.index_cast %mul3A_69 : i32 to index
        %get3A_71 = arith.constant 0 : index
        %get3A_72 = vector.load %arg8[%get3A_70, %get3A_71] : memref<4096x128xbf16, #tpu.memory_space<vmem>>, vector<512x128xbf16>
        %dot_general3A = arith.constant dense<0.000000e+00> : vector<256x512xf32>
        %dot_general3A_73 = tpu.matmul %get3A_22, %get3A_72, %dot_general3A {dimension_numbers = #tpu.dot_dimension_numbers<[1], [1], [0], [0], [0, 0, 1, 0], [], []>, transpose_lhs_hint = false} : vector<256x128xbf16>, vector<512x128xbf16>, vector<256x512xf32> -> vector<256x512xf32>
        %exp3A = math.exp %dot_general3A_73 : vector<256x512xf32>
        %convert_element_type3A_74 = arith.truncf %exp3A : vector<256x512xf32> to vector<256x512xbf16>
        %mul3A_75 = arith.constant 512 : i32
        %mul3A_76 = arith.muli %while3A_66, %mul3A_75 : i32
        %get3A_77 = arith.index_cast %mul3A_76 : i32 to index
        %get3A_78 = arith.constant 0 : index
        %get3A_79 = vector.load %arg9[%get3A_77, %get3A_78] : memref<4096x8xbf16, #tpu.memory_space<vmem>>, vector<512x8xbf16>
        %dot_general3A_80 = arith.constant dense<0.000000e+00> : vector<256x8xf32>
        %dot_general3A_81 = tpu.matmul %convert_element_type3A_74, %get3A_79, %dot_general3A_80 {dimension_numbers = #tpu.dot_dimension_numbers<[1], [0], [0], [1], [0, 0, 1, 1], [], []>, transpose_lhs_hint = false} : vector<256x512xbf16>, vector<512x8xbf16>, vector<256x8xf32> -> vector<256x8xf32>
        %add3A_82 = arith.addf %while3A_67, %dot_general3A_81 : vector<256x8xf32>
        scf.yield %add3A_82 : vector<256x8xf32>
      }
      %while3A_52 = arith.constant 1 : i32
      %while3A_53 = scf.for %while3A_66 = %while3A_49 to %while3A_45 step %while3A_52 iter_args(%while3A_67 = %while3A_51) -> (vector<256x8xf32>)  : i32 {
        %mul3A_68 = arith.constant 512 : i32
        %mul3A_69 = arith.muli %while3A_66, %mul3A_68 : i32
        %get3A_70 = arith.index_cast %mul3A_69 : i32 to index
        %get3A_71 = arith.constant 0 : index
        %get3A_72 = vector.load %arg8[%get3A_70, %get3A_71] : memref<4096x128xbf16, #tpu.memory_space<vmem>>, vector<512x128xbf16>
        %dot_general3A = arith.constant dense<0.000000e+00> : vector<256x512xf32>
        %dot_general3A_73 = tpu.matmul %get3A_22, %get3A_72, %dot_general3A {dimension_numbers = #tpu.dot_dimension_numbers<[1], [1], [0], [0], [0, 0, 1, 0], [], []>, transpose_lhs_hint = false} : vector<256x128xbf16>, vector<512x128xbf16>, vector<256x512xf32> -> vector<256x512xf32>
        %exp3A = math.exp %dot_general3A_73 : vector<256x512xf32>
        %convert_element_type3A_74 = arith.truncf %exp3A : vector<256x512xf32> to vector<256x512xbf16>
        %mul3A_75 = arith.constant 512 : i32
        %mul3A_76 = arith.muli %while3A_66, %mul3A_75 : i32
        %get3A_77 = arith.index_cast %mul3A_76 : i32 to index
        %get3A_78 = arith.constant 0 : index
        %get3A_79 = vector.load %arg9[%get3A_77, %get3A_78] : memref<4096x8xbf16, #tpu.memory_space<vmem>>, vector<512x8xbf16>
        %dot_general3A_80 = arith.constant dense<0.000000e+00> : vector<256x8xf32>
        %dot_general3A_81 = tpu.matmul %convert_element_type3A_74, %get3A_79, %dot_general3A_80 {dimension_numbers = #tpu.dot_dimension_numbers<[1], [0], [0], [1], [0, 0, 1, 1], [], []>, transpose_lhs_hint = false} : vector<256x512xbf16>, vector<512x8xbf16>, vector<256x8xf32> -> vector<256x8xf32>
        %add3A_82 = arith.addf %while3A_67, %dot_general3A_81 : vector<256x8xf32>
        scf.yield %add3A_82 : vector<256x8xf32>
      }
      %slice3A = vector.extract_strided_slice %while3A_53 {offsets = [0, 0], sizes = [256, 3], strides = [1, 1]} : vector<256x8xf32> to vector<256x3xf32>
      %slice3A_54 = vector.extract_strided_slice %while3A_53 {offsets = [0, 3], sizes = [256, 1], strides = [1, 1]} : vector<256x8xf32> to vector<256x1xf32>
      %max3A = arith.constant 1.000000e-30 : f32
      %max3A_55 = vector.broadcast %max3A : f32 to vector<256x1xf32>
      %max3A_56 = arith.maximumf %slice3A_54, %max3A_55 : vector<256x1xf32>
      %div3A_57 = vector.broadcast %max3A_56 : vector<256x1xf32> to vector<256x3xf32>
      %div3A_58 = arith.divf %slice3A, %div3A_57 : vector<256x3xf32>
      %broadcast_in_dim3A_59 = arith.constant 0.000000e+00 : f32
      %broadcast_in_dim3A_60 = vector.broadcast %broadcast_in_dim3A_59 : f32 to vector<256x5xf32>
      %concatenate3A = tpu.concatenate %div3A_58, %broadcast_in_dim3A_60 in 1 : vector<256x3xf32>, vector<256x5xf32> -> vector<256x8xf32>
      %swap3A = arith.constant 0 : index
      %swap3A_61 = arith.constant 0 : index
      %swap3A_62 = arith.constant 0 : index
      %swap3A_63 = vector.load %arg6[%swap3A, %swap3A_61, %swap3A_62] : memref<1x256x8xf32, #tpu.memory_space<vmem>>, vector<1x256x8xf32>
      %swap3A_64 = vector.shape_cast %swap3A_63 : vector<1x256x8xf32> to vector<256x8xf32>
      %swap3A_65 = vector.shape_cast %concatenate3A : vector<256x8xf32> to vector<1x256x8xf32>
      tpu.vector_store %arg6[%swap3A, %swap3A_61, %swap3A_62], %swap3A_65 {strides = array<i32>} : memref<1x256x8xf32, #tpu.memory_space<vmem>>, vector<1x256x8xf32>,
    } else {
    }
    return
  }
  func.func @transform_0(%arg0: i32, %arg1: i32, %arg2: memref<704xi32, #tpu.memory_space<smem>>) -> (i32, i32, i32) {
    %c0_i32 = arith.constant 0 : i32
    %c0_i32_0 = arith.constant 0 : i32
    %c0_i32_1 = arith.constant 0 : i32
    return %arg0, %c0_i32, %c0_i32_0 : i32, i32, i32
  }
  func.func @transform_1(%arg0: i32, %arg1: i32, %arg2: memref<704xi32, #tpu.memory_space<smem>>) -> (i32, i32, i32) {
    %add3A = arith.constant 22 : i32
    %add3A_0 = arith.addi %add3A, %arg0 : i32
    %c0_i32 = arith.constant 0 : i32
    %c0_i32_1 = arith.constant 0 : i32
    %c0_i32_2 = arith.constant 0 : i32
    return %add3A_0, %c0_i32, %c0_i32_1 : i32, i32, i32
  }
  func.func @transform_2(%arg0: i32, %arg1: i32, %arg2: memref<704xi32, #tpu.memory_space<smem>>) -> (i32, i32, i32) {
    %c0_i32 = arith.constant 0 : i32
    %c0_i32_0 = arith.constant 0 : i32
    %c0_i32_1 = arith.constant 0 : i32
    return %arg0, %c0_i32, %c0_i32_0 : i32, i32, i32
  }
  func.func @transform_3(%arg0: i32, %arg1: i32, %arg2: memref<704xi32, #tpu.memory_space<smem>>) -> (i32, i32, i32) {
    %c0_i32 = arith.constant 0 : i32
    %c0_i32_0 = arith.constant 0 : i32
    return %arg0, %arg1, %c0_i32 : i32, i32, i32
  }
}

module attributes {stable_mosaic.version = 14 : i64} {
  func.func @_tc_merge(%arg0: i32, %arg1: i32, %arg2: memref<704xi32, #tpu.memory_space<smem>>, %arg3: memref<11x512x8xf32, #tpu.memory_space<vmem>>, %arg4: memref<1x512x12xi32, #tpu.memory_space<vmem>>, %arg5: memref<1x512x3xf32, #tpu.memory_space<vmem>>) attributes {dimension_semantics = [#tpu.dimension_semantics<arbitrary>, #tpu.dimension_semantics<arbitrary>], iteration_bounds = array<i64: 2, 8>, scalar_prefetch = 1 : i64, scratch_operands = 0 : i64, tpu.core_type = #tpu.core_type<tc>, window_params = [{transform_indices = @transform_0, window_bounds = array<i64: 11, 512, 8>}, {transform_indices = @transform_1, window_bounds = array<i64: 1, 512, 12>}, {transform_indices = @transform_2, window_bounds = array<i64: 1, 512, 3>}]} {
    %broadcast_in_dim3A = arith.constant -1.000000e+00 : f32
    %broadcast_in_dim3A_0 = vector.broadcast %broadcast_in_dim3A : f32 to vector<512x3xf32>
    %mul3A = arith.constant 11 : i32
    %mul3A_1 = arith.muli %arg0, %mul3A : i32
    %add3A = arith.constant 1 : i32
    %add3A_2 = arith.addi %mul3A_1, %add3A : i32
    %sub3A = arith.constant 1 : i32
    %sub3A_3 = arith.subi %add3A_2, %sub3A : i32
    %mul3A_4 = arith.constant 2 : i32
    %mul3A_5 = arith.muli %mul3A_4, %sub3A_3 : i32
    %mul3A_6 = arith.constant 16 : i32
    %mul3A_7 = arith.muli %mul3A_5, %mul3A_6 : i32
    %get3A = arith.index_cast %mul3A_7 : i32 to index
    %get3A_8 = memref.load %arg2[%get3A] : memref<704xi32, #tpu.memory_space<smem>>
    %mul3A_9 = arith.constant 2 : i32
    %mul3A_10 = arith.muli %mul3A_9, %sub3A_3 : i32
    %add3A_11 = arith.constant 1 : i32
    %add3A_12 = arith.addi %mul3A_10, %add3A_11 : i32
    %mul3A_13 = arith.constant 16 : i32
    %mul3A_14 = arith.muli %add3A_12, %mul3A_13 : i32
    %get3A_15 = arith.index_cast %mul3A_14 : i32 to index
    %get3A_16 = memref.load %arg2[%get3A_15] : memref<704xi32, #tpu.memory_space<smem>>
    %gt3A = arith.constant 1 : i32
    %gt3A_17 = arith.cmpi sgt, %get3A_8, %gt3A : i32
    %gt3A_18 = arith.constant 1 : i32
    %gt3A_19 = arith.cmpi sgt, %get3A_16, %gt3A_18 : i32
    %and3A = arith.andi %gt3A_17, %gt3A_19 : i1
    %get3A_20 = arith.constant 0 : index
    %get3A_21 = arith.constant 0 : index
    %get3A_22 = arith.constant 1 : index
    %get3A_23 = vector.load %arg4[%get3A_20, %get3A_21, %get3A_22] : memref<1x512x12xi32, #tpu.memory_space<vmem>>, vector<1x512x1xi32>
    %get3A_24 = vector.shape_cast %get3A_23 : vector<1x512x1xi32> to vector<512x1xi32>
    %ne3A = arith.constant 0 : i32
    %ne3A_25 = vector.broadcast %ne3A : i32 to vector<512x1xi32>
    %ne3A_26 = arith.cmpi ne, %get3A_24, %ne3A_25 : vector<512x1xi32>
    %and3A_27 = vector.broadcast %and3A : i1 to vector<512x1xi1>
    %and3A_28 = arith.andi %and3A_27, %ne3A_26 : vector<512x1xi1>
    %get3A_29 = arith.constant 0 : index
    %get3A_30 = arith.constant 0 : index
    %get3A_31 = arith.constant 0 : index
    %get3A_32 = vector.load %arg3[%get3A_29, %get3A_30, %get3A_31] : memref<11x512x8xf32, #tpu.memory_space<vmem>>, vector<1x512x3xf32>
    %get3A_33 = vector.shape_cast %get3A_32 : vector<1x512x3xf32> to vector<512x3xf32>
    %broadcast_in_dim3A_34 = vector.shape_cast %and3A_28 : vector<512x1xi1> to vector<512x1xi1>
    %broadcast_in_dim3A_35 = vector.broadcast %broadcast_in_dim3A_34 : vector<512x1xi1> to vector<512x3xi1>
    %select_n3A = arith.select %broadcast_in_dim3A_35, %get3A_33, %broadcast_in_dim3A_0 : vector<512x3xi1>, vector<512x3xf32>
    %mul3A_36 = arith.constant 11 : i32
    %mul3A_37 = arith.muli %arg0, %mul3A_36 : i32
    %add3A_38 = arith.constant 2 : i32
    %add3A_39 = arith.addi %mul3A_37, %add3A_38 : i32
    %sub3A_40 = arith.constant 1 : i32
    %sub3A_41 = arith.subi %add3A_39, %sub3A_40 : i32
    %mul3A_42 = arith.constant 2 : i32
    %mul3A_43 = arith.muli %mul3A_42, %sub3A_41 : i32
    %mul3A_44 = arith.constant 16 : i32
    %mul3A_45 = arith.muli %mul3A_43, %mul3A_44 : i32
    %get3A_46 = arith.index_cast %mul3A_45 : i32 to index
    %get3A_47 = memref.load %arg2[%get3A_46] : memref<704xi32, #tpu.memory_space<smem>>
    %mul3A_48 = arith.constant 2 : i32
    %mul3A_49 = arith.muli %mul3A_48, %sub3A_41 : i32
    %add3A_50 = arith.constant 1 : i32
    %add3A_51 = arith.addi %mul3A_49, %add3A_50 : i32
    %mul3A_52 = arith.constant 16 : i32
    %mul3A_53 = arith.muli %add3A_51, %mul3A_52 : i32
    %get3A_54 = arith.index_cast %mul3A_53 : i32 to index
    %get3A_55 = memref.load %arg2[%get3A_54] : memref<704xi32, #tpu.memory_space<smem>>
    %gt3A_56 = arith.constant 1 : i32
    %gt3A_57 = arith.cmpi sgt, %get3A_47, %gt3A_56 : i32
    %gt3A_58 = arith.constant 1 : i32
    %gt3A_59 = arith.cmpi sgt, %get3A_55, %gt3A_58 : i32
    %and3A_60 = arith.andi %gt3A_57, %gt3A_59 : i1
    %get3A_61 = arith.constant 0 : index
    %get3A_62 = arith.constant 0 : index
    %get3A_63 = arith.constant 2 : index
    %get3A_64 = vector.load %arg4[%get3A_61, %get3A_62, %get3A_63] : memref<1x512x12xi32, #tpu.memory_space<vmem>>, vector<1x512x1xi32>
    %get3A_65 = vector.shape_cast %get3A_64 : vector<1x512x1xi32> to vector<512x1xi32>
    %ne3A_66 = arith.constant 0 : i32
    %ne3A_67 = vector.broadcast %ne3A_66 : i32 to vector<512x1xi32>
    %ne3A_68 = arith.cmpi ne, %get3A_65, %ne3A_67 : vector<512x1xi32>
    %and3A_69 = vector.broadcast %and3A_60 : i1 to vector<512x1xi1>
    %and3A_70 = arith.andi %and3A_69, %ne3A_68 : vector<512x1xi1>
    %get3A_71 = arith.constant 1 : index
    %get3A_72 = arith.constant 0 : index
    %get3A_73 = arith.constant 0 : index
    %get3A_74 = vector.load %arg3[%get3A_71, %get3A_72, %get3A_73] : memref<11x512x8xf32, #tpu.memory_space<vmem>>, vector<1x512x3xf32>
    %get3A_75 = vector.shape_cast %get3A_74 : vector<1x512x3xf32> to vector<512x3xf32>
    %broadcast_in_dim3A_76 = vector.shape_cast %and3A_70 : vector<512x1xi1> to vector<512x1xi1>
    %broadcast_in_dim3A_77 = vector.broadcast %broadcast_in_dim3A_76 : vector<512x1xi1> to vector<512x3xi1>
    %select_n3A_78 = arith.select %broadcast_in_dim3A_77, %get3A_75, %select_n3A : vector<512x3xi1>, vector<512x3xf32>
    %mul3A_79 = arith.constant 11 : i32
    %mul3A_80 = arith.muli %arg0, %mul3A_79 : i32
    %add3A_81 = arith.constant 3 : i32
    %add3A_82 = arith.addi %mul3A_80, %add3A_81 : i32
    %sub3A_83 = arith.constant 1 : i32
    %sub3A_84 = arith.subi %add3A_82, %sub3A_83 : i32
    %mul3A_85 = arith.constant 2 : i32
    %mul3A_86 = arith.muli %mul3A_85, %sub3A_84 : i32
    %mul3A_87 = arith.constant 16 : i32
    %mul3A_88 = arith.muli %mul3A_86, %mul3A_87 : i32
    %get3A_89 = arith.index_cast %mul3A_88 : i32 to index
    %get3A_90 = memref.load %arg2[%get3A_89] : memref<704xi32, #tpu.memory_space<smem>>
    %mul3A_91 = arith.constant 2 : i32
    %mul3A_92 = arith.muli %mul3A_91, %sub3A_84 : i32
    %add3A_93 = arith.constant 1 : i32
    %add3A_94 = arith.addi %mul3A_92, %add3A_93 : i32
    %mul3A_95 = arith.constant 16 : i32
    %mul3A_96 = arith.muli %add3A_94, %mul3A_95 : i32
    %get3A_97 = arith.index_cast %mul3A_96 : i32 to index
    %get3A_98 = memref.load %arg2[%get3A_97] : memref<704xi32, #tpu.memory_space<smem>>
    %gt3A_99 = arith.constant 1 : i32
    %gt3A_100 = arith.cmpi sgt, %get3A_90, %gt3A_99 : i32
    %gt3A_101 = arith.constant 1 : i32
    %gt3A_102 = arith.cmpi sgt, %get3A_98, %gt3A_101 : i32
    %and3A_103 = arith.andi %gt3A_100, %gt3A_102 : i1
    %get3A_104 = arith.constant 0 : index
    %get3A_105 = arith.constant 0 : index
    %get3A_106 = arith.constant 3 : index
    %get3A_107 = vector.load %arg4[%get3A_104, %get3A_105, %get3A_106] : memref<1x512x12xi32, #tpu.memory_space<vmem>>, vector<1x512x1xi32>
    %get3A_108 = vector.shape_cast %get3A_107 : vector<1x512x1xi32> to vector<512x1xi32>
    %ne3A_109 = arith.constant 0 : i32
    %ne3A_110 = vector.broadcast %ne3A_109 : i32 to vector<512x1xi32>
    %ne3A_111 = arith.cmpi ne, %get3A_108, %ne3A_110 : vector<512x1xi32>
    %and3A_112 = vector.broadcast %and3A_103 : i1 to vector<512x1xi1>
    %and3A_113 = arith.andi %and3A_112, %ne3A_111 : vector<512x1xi1>
    %get3A_114 = arith.constant 2 : index
    %get3A_115 = arith.constant 0 : index
    %get3A_116 = arith.constant 0 : index
    %get3A_117 = vector.load %arg3[%get3A_114, %get3A_115, %get3A_116] : memref<11x512x8xf32, #tpu.memory_space<vmem>>, vector<1x512x3xf32>
    %get3A_118 = vector.shape_cast %get3A_117 : vector<1x512x3xf32> to vector<512x3xf32>
    %broadcast_in_dim3A_119 = vector.shape_cast %and3A_113 : vector<512x1xi1> to vector<512x1xi1>
    %broadcast_in_dim3A_120 = vector.broadcast %broadcast_in_dim3A_119 : vector<512x1xi1> to vector<512x3xi1>
    %select_n3A_121 = arith.select %broadcast_in_dim3A_120, %get3A_118, %select_n3A_78 : vector<512x3xi1>, vector<512x3xf32>
    %mul3A_122 = arith.constant 11 : i32
    %mul3A_123 = arith.muli %arg0, %mul3A_122 : i32
    %add3A_124 = arith.constant 4 : i32
    %add3A_125 = arith.addi %mul3A_123, %add3A_124 : i32
    %sub3A_126 = arith.constant 1 : i32
    %sub3A_127 = arith.subi %add3A_125, %sub3A_126 : i32
    %mul3A_128 = arith.constant 2 : i32
    %mul3A_129 = arith.muli %mul3A_128, %sub3A_127 : i32
    %mul3A_130 = arith.constant 16 : i32
    %mul3A_131 = arith.muli %mul3A_129, %mul3A_130 : i32
    %get3A_132 = arith.index_cast %mul3A_131 : i32 to index
    %get3A_133 = memref.load %arg2[%get3A_132] : memref<704xi32, #tpu.memory_space<smem>>
    %mul3A_134 = arith.constant 2 : i32
    %mul3A_135 = arith.muli %mul3A_134, %sub3A_127 : i32
    %add3A_136 = arith.constant 1 : i32
    %add3A_137 = arith.addi %mul3A_135, %add3A_136 : i32
    %mul3A_138 = arith.constant 16 : i32
    %mul3A_139 = arith.muli %add3A_137, %mul3A_138 : i32
    %get3A_140 = arith.index_cast %mul3A_139 : i32 to index
    %get3A_141 = memref.load %arg2[%get3A_140] : memref<704xi32, #tpu.memory_space<smem>>
    %gt3A_142 = arith.constant 1 : i32
    %gt3A_143 = arith.cmpi sgt, %get3A_133, %gt3A_142 : i32
    %gt3A_144 = arith.constant 1 : i32
    %gt3A_145 = arith.cmpi sgt, %get3A_141, %gt3A_144 : i32
    %and3A_146 = arith.andi %gt3A_143, %gt3A_145 : i1
    %get3A_147 = arith.constant 0 : index
    %get3A_148 = arith.constant 0 : index
    %get3A_149 = arith.constant 4 : index
    %get3A_150 = vector.load %arg4[%get3A_147, %get3A_148, %get3A_149] : memref<1x512x12xi32, #tpu.memory_space<vmem>>, vector<1x512x1xi32>
    %get3A_151 = vector.shape_cast %get3A_150 : vector<1x512x1xi32> to vector<512x1xi32>
    %ne3A_152 = arith.constant 0 : i32
    %ne3A_153 = vector.broadcast %ne3A_152 : i32 to vector<512x1xi32>
    %ne3A_154 = arith.cmpi ne, %get3A_151, %ne3A_153 : vector<512x1xi32>
    %and3A_155 = vector.broadcast %and3A_146 : i1 to vector<512x1xi1>
    %and3A_156 = arith.andi %and3A_155, %ne3A_154 : vector<512x1xi1>
    %get3A_157 = arith.constant 3 : index
    %get3A_158 = arith.constant 0 : index
    %get3A_159 = arith.constant 0 : index
    %get3A_160 = vector.load %arg3[%get3A_157, %get3A_158, %get3A_159] : memref<11x512x8xf32, #tpu.memory_space<vmem>>, vector<1x512x3xf32>
    %get3A_161 = vector.shape_cast %get3A_160 : vector<1x512x3xf32> to vector<512x3xf32>
    %broadcast_in_dim3A_162 = vector.shape_cast %and3A_156 : vector<512x1xi1> to vector<512x1xi1>
    %broadcast_in_dim3A_163 = vector.broadcast %broadcast_in_dim3A_162 : vector<512x1xi1> to vector<512x3xi1>
    %select_n3A_164 = arith.select %broadcast_in_dim3A_163, %get3A_161, %select_n3A_121 : vector<512x3xi1>, vector<512x3xf32>
    %mul3A_165 = arith.constant 11 : i32
    %mul3A_166 = arith.muli %arg0, %mul3A_165 : i32
    %add3A_167 = arith.constant 5 : i32
    %add3A_168 = arith.addi %mul3A_166, %add3A_167 : i32
    %sub3A_169 = arith.constant 1 : i32
    %sub3A_170 = arith.subi %add3A_168, %sub3A_169 : i32
    %mul3A_171 = arith.constant 2 : i32
    %mul3A_172 = arith.muli %mul3A_171, %sub3A_170 : i32
    %mul3A_173 = arith.constant 16 : i32
    %mul3A_174 = arith.muli %mul3A_172, %mul3A_173 : i32
    %get3A_175 = arith.index_cast %mul3A_174 : i32 to index
    %get3A_176 = memref.load %arg2[%get3A_175] : memref<704xi32, #tpu.memory_space<smem>>
    %mul3A_177 = arith.constant 2 : i32
    %mul3A_178 = arith.muli %mul3A_177, %sub3A_170 : i32
    %add3A_179 = arith.constant 1 : i32
    %add3A_180 = arith.addi %mul3A_178, %add3A_179 : i32
    %mul3A_181 = arith.constant 16 : i32
    %mul3A_182 = arith.muli %add3A_180, %mul3A_181 : i32
    %get3A_183 = arith.index_cast %mul3A_182 : i32 to index
    %get3A_184 = memref.load %arg2[%get3A_183] : memref<704xi32, #tpu.memory_space<smem>>
    %gt3A_185 = arith.constant 1 : i32
    %gt3A_186 = arith.cmpi sgt, %get3A_176, %gt3A_185 : i32
    %gt3A_187 = arith.constant 1 : i32
    %gt3A_188 = arith.cmpi sgt, %get3A_184, %gt3A_187 : i32
    %and3A_189 = arith.andi %gt3A_186, %gt3A_188 : i1
    %get3A_190 = arith.constant 0 : index
    %get3A_191 = arith.constant 0 : index
    %get3A_192 = arith.constant 5 : index
    %get3A_193 = vector.load %arg4[%get3A_190, %get3A_191, %get3A_192] : memref<1x512x12xi32, #tpu.memory_space<vmem>>, vector<1x512x1xi32>
    %get3A_194 = vector.shape_cast %get3A_193 : vector<1x512x1xi32> to vector<512x1xi32>
    %ne3A_195 = arith.constant 0 : i32
    %ne3A_196 = vector.broadcast %ne3A_195 : i32 to vector<512x1xi32>
    %ne3A_197 = arith.cmpi ne, %get3A_194, %ne3A_196 : vector<512x1xi32>
    %and3A_198 = vector.broadcast %and3A_189 : i1 to vector<512x1xi1>
    %and3A_199 = arith.andi %and3A_198, %ne3A_197 : vector<512x1xi1>
    %get3A_200 = arith.constant 4 : index
    %get3A_201 = arith.constant 0 : index
    %get3A_202 = arith.constant 0 : index
    %get3A_203 = vector.load %arg3[%get3A_200, %get3A_201, %get3A_202] : memref<11x512x8xf32, #tpu.memory_space<vmem>>, vector<1x512x3xf32>
    %get3A_204 = vector.shape_cast %get3A_203 : vector<1x512x3xf32> to vector<512x3xf32>
    %broadcast_in_dim3A_205 = vector.shape_cast %and3A_199 : vector<512x1xi1> to vector<512x1xi1>
    %broadcast_in_dim3A_206 = vector.broadcast %broadcast_in_dim3A_205 : vector<512x1xi1> to vector<512x3xi1>
    %select_n3A_207 = arith.select %broadcast_in_dim3A_206, %get3A_204, %select_n3A_164 : vector<512x3xi1>, vector<512x3xf32>
    %mul3A_208 = arith.constant 11 : i32
    %mul3A_209 = arith.muli %arg0, %mul3A_208 : i32
    %add3A_210 = arith.constant 6 : i32
    %add3A_211 = arith.addi %mul3A_209, %add3A_210 : i32
    %sub3A_212 = arith.constant 1 : i32
    %sub3A_213 = arith.subi %add3A_211, %sub3A_212 : i32
    %mul3A_214 = arith.constant 2 : i32
    %mul3A_215 = arith.muli %mul3A_214, %sub3A_213 : i32
    %mul3A_216 = arith.constant 16 : i32
    %mul3A_217 = arith.muli %mul3A_215, %mul3A_216 : i32
    %get3A_218 = arith.index_cast %mul3A_217 : i32 to index
    %get3A_219 = memref.load %arg2[%get3A_218] : memref<704xi32, #tpu.memory_space<smem>>
    %mul3A_220 = arith.constant 2 : i32
    %mul3A_221 = arith.muli %mul3A_220, %sub3A_213 : i32
    %add3A_222 = arith.constant 1 : i32
    %add3A_223 = arith.addi %mul3A_221, %add3A_222 : i32
    %mul3A_224 = arith.constant 16 : i32
    %mul3A_225 = arith.muli %add3A_223, %mul3A_224 : i32
    %get3A_226 = arith.index_cast %mul3A_225 : i32 to index
    %get3A_227 = memref.load %arg2[%get3A_226] : memref<704xi32, #tpu.memory_space<smem>>
    %gt3A_228 = arith.constant 1 : i32
    %gt3A_229 = arith.cmpi sgt, %get3A_219, %gt3A_228 : i32
    %gt3A_230 = arith.constant 1 : i32
    %gt3A_231 = arith.cmpi sgt, %get3A_227, %gt3A_230 : i32
    %and3A_232 = arith.andi %gt3A_229, %gt3A_231 : i1
    %get3A_233 = arith.constant 0 : index
    %get3A_234 = arith.constant 0 : index
    %get3A_235 = arith.constant 6 : index
    %get3A_236 = vector.load %arg4[%get3A_233, %get3A_234, %get3A_235] : memref<1x512x12xi32, #tpu.memory_space<vmem>>, vector<1x512x1xi32>
    %get3A_237 = vector.shape_cast %get3A_236 : vector<1x512x1xi32> to vector<512x1xi32>
    %ne3A_238 = arith.constant 0 : i32
    %ne3A_239 = vector.broadcast %ne3A_238 : i32 to vector<512x1xi32>
    %ne3A_240 = arith.cmpi ne, %get3A_237, %ne3A_239 : vector<512x1xi32>
    %and3A_241 = vector.broadcast %and3A_232 : i1 to vector<512x1xi1>
    %and3A_242 = arith.andi %and3A_241, %ne3A_240 : vector<512x1xi1>
    %get3A_243 = arith.constant 5 : index
    %get3A_244 = arith.constant 0 : index
    %get3A_245 = arith.constant 0 : index
    %get3A_246 = vector.load %arg3[%get3A_243, %get3A_244, %get3A_245] : memref<11x512x8xf32, #tpu.memory_space<vmem>>, vector<1x512x3xf32>
    %get3A_247 = vector.shape_cast %get3A_246 : vector<1x512x3xf32> to vector<512x3xf32>
    %broadcast_in_dim3A_248 = vector.shape_cast %and3A_242 : vector<512x1xi1> to vector<512x1xi1>
    %broadcast_in_dim3A_249 = vector.broadcast %broadcast_in_dim3A_248 : vector<512x1xi1> to vector<512x3xi1>
    %select_n3A_250 = arith.select %broadcast_in_dim3A_249, %get3A_247, %select_n3A_207 : vector<512x3xi1>, vector<512x3xf32>
    %mul3A_251 = arith.constant 11 : i32
    %mul3A_252 = arith.muli %arg0, %mul3A_251 : i32
    %add3A_253 = arith.constant 7 : i32
    %add3A_254 = arith.addi %mul3A_252, %add3A_253 : i32
    %sub3A_255 = arith.constant 1 : i32
    %sub3A_256 = arith.subi %add3A_254, %sub3A_255 : i32
    %mul3A_257 = arith.constant 2 : i32
    %mul3A_258 = arith.muli %mul3A_257, %sub3A_256 : i32
    %mul3A_259 = arith.constant 16 : i32
    %mul3A_260 = arith.muli %mul3A_258, %mul3A_259 : i32
    %get3A_261 = arith.index_cast %mul3A_260 : i32 to index
    %get3A_262 = memref.load %arg2[%get3A_261] : memref<704xi32, #tpu.memory_space<smem>>
    %mul3A_263 = arith.constant 2 : i32
    %mul3A_264 = arith.muli %mul3A_263, %sub3A_256 : i32
    %add3A_265 = arith.constant 1 : i32
    %add3A_266 = arith.addi %mul3A_264, %add3A_265 : i32
    %mul3A_267 = arith.constant 16 : i32
    %mul3A_268 = arith.muli %add3A_266, %mul3A_267 : i32
    %get3A_269 = arith.index_cast %mul3A_268 : i32 to index
    %get3A_270 = memref.load %arg2[%get3A_269] : memref<704xi32, #tpu.memory_space<smem>>
    %gt3A_271 = arith.constant 1 : i32
    %gt3A_272 = arith.cmpi sgt, %get3A_262, %gt3A_271 : i32
    %gt3A_273 = arith.constant 1 : i32
    %gt3A_274 = arith.cmpi sgt, %get3A_270, %gt3A_273 : i32
    %and3A_275 = arith.andi %gt3A_272, %gt3A_274 : i1
    %get3A_276 = arith.constant 0 : index
    %get3A_277 = arith.constant 0 : index
    %get3A_278 = arith.constant 7 : index
    %get3A_279 = vector.load %arg4[%get3A_276, %get3A_277, %get3A_278] : memref<1x512x12xi32, #tpu.memory_space<vmem>>, vector<1x512x1xi32>
    %get3A_280 = vector.shape_cast %get3A_279 : vector<1x512x1xi32> to vector<512x1xi32>
    %ne3A_281 = arith.constant 0 : i32
    %ne3A_282 = vector.broadcast %ne3A_281 : i32 to vector<512x1xi32>
    %ne3A_283 = arith.cmpi ne, %get3A_280, %ne3A_282 : vector<512x1xi32>
    %and3A_284 = vector.broadcast %and3A_275 : i1 to vector<512x1xi1>
    %and3A_285 = arith.andi %and3A_284, %ne3A_283 : vector<512x1xi1>
    %get3A_286 = arith.constant 6 : index
    %get3A_287 = arith.constant 0 : index
    %get3A_288 = arith.constant 0 : index
    %get3A_289 = vector.load %arg3[%get3A_286, %get3A_287, %get3A_288] : memref<11x512x8xf32, #tpu.memory_space<vmem>>, vector<1x512x3xf32>
    %get3A_290 = vector.shape_cast %get3A_289 : vector<1x512x3xf32> to vector<512x3xf32>
    %broadcast_in_dim3A_291 = vector.shape_cast %and3A_285 : vector<512x1xi1> to vector<512x1xi1>
    %broadcast_in_dim3A_292 = vector.broadcast %broadcast_in_dim3A_291 : vector<512x1xi1> to vector<512x3xi1>
    %select_n3A_293 = arith.select %broadcast_in_dim3A_292, %get3A_290, %select_n3A_250 : vector<512x3xi1>, vector<512x3xf32>
    %mul3A_294 = arith.constant 11 : i32
    %mul3A_295 = arith.muli %arg0, %mul3A_294 : i32
    %add3A_296 = arith.constant 8 : i32
    %add3A_297 = arith.addi %mul3A_295, %add3A_296 : i32
    %sub3A_298 = arith.constant 1 : i32
    %sub3A_299 = arith.subi %add3A_297, %sub3A_298 : i32
    %mul3A_300 = arith.constant 2 : i32
    %mul3A_301 = arith.muli %mul3A_300, %sub3A_299 : i32
    %mul3A_302 = arith.constant 16 : i32
    %mul3A_303 = arith.muli %mul3A_301, %mul3A_302 : i32
    %get3A_304 = arith.index_cast %mul3A_303 : i32 to index
    %get3A_305 = memref.load %arg2[%get3A_304] : memref<704xi32, #tpu.memory_space<smem>>
    %mul3A_306 = arith.constant 2 : i32
    %mul3A_307 = arith.muli %mul3A_306, %sub3A_299 : i32
    %add3A_308 = arith.constant 1 : i32
    %add3A_309 = arith.addi %mul3A_307, %add3A_308 : i32
    %mul3A_310 = arith.constant 16 : i32
    %mul3A_311 = arith.muli %add3A_309, %mul3A_310 : i32
    %get3A_312 = arith.index_cast %mul3A_311 : i32 to index
    %get3A_313 = memref.load %arg2[%get3A_312] : memref<704xi32, #tpu.memory_space<smem>>
    %gt3A_314 = arith.constant 1 : i32
    %gt3A_315 = arith.cmpi sgt, %get3A_305, %gt3A_314 : i32
    %gt3A_316 = arith.constant 1 : i32
    %gt3A_317 = arith.cmpi sgt, %get3A_313, %gt3A_316 : i32
    %and3A_318 = arith.andi %gt3A_315, %gt3A_317 : i1
    %get3A_319 = arith.constant 0 : index
    %get3A_320 = arith.constant 0 : index
    %get3A_321 = arith.constant 8 : index
    %get3A_322 = vector.load %arg4[%get3A_319, %get3A_320, %get3A_321] : memref<1x512x12xi32, #tpu.memory_space<vmem>>, vector<1x512x1xi32>
    %get3A_323 = vector.shape_cast %get3A_322 : vector<1x512x1xi32> to vector<512x1xi32>
    %ne3A_324 = arith.constant 0 : i32
    %ne3A_325 = vector.broadcast %ne3A_324 : i32 to vector<512x1xi32>
    %ne3A_326 = arith.cmpi ne, %get3A_323, %ne3A_325 : vector<512x1xi32>
    %and3A_327 = vector.broadcast %and3A_318 : i1 to vector<512x1xi1>
    %and3A_328 = arith.andi %and3A_327, %ne3A_326 : vector<512x1xi1>
    %get3A_329 = arith.constant 7 : index
    %get3A_330 = arith.constant 0 : index
    %get3A_331 = arith.constant 0 : index
    %get3A_332 = vector.load %arg3[%get3A_329, %get3A_330, %get3A_331] : memref<11x512x8xf32, #tpu.memory_space<vmem>>, vector<1x512x3xf32>
    %get3A_333 = vector.shape_cast %get3A_332 : vector<1x512x3xf32> to vector<512x3xf32>
    %broadcast_in_dim3A_334 = vector.shape_cast %and3A_328 : vector<512x1xi1> to vector<512x1xi1>
    %broadcast_in_dim3A_335 = vector.broadcast %broadcast_in_dim3A_334 : vector<512x1xi1> to vector<512x3xi1>
    %select_n3A_336 = arith.select %broadcast_in_dim3A_335, %get3A_333, %select_n3A_293 : vector<512x3xi1>, vector<512x3xf32>
    %mul3A_337 = arith.constant 11 : i32
    %mul3A_338 = arith.muli %arg0, %mul3A_337 : i32
    %add3A_339 = arith.constant 9 : i32
    %add3A_340 = arith.addi %mul3A_338, %add3A_339 : i32
    %sub3A_341 = arith.constant 1 : i32
    %sub3A_342 = arith.subi %add3A_340, %sub3A_341 : i32
    %mul3A_343 = arith.constant 2 : i32
    %mul3A_344 = arith.muli %mul3A_343, %sub3A_342 : i32
    %mul3A_345 = arith.constant 16 : i32
    %mul3A_346 = arith.muli %mul3A_344, %mul3A_345 : i32
    %get3A_347 = arith.index_cast %mul3A_346 : i32 to index
    %get3A_348 = memref.load %arg2[%get3A_347] : memref<704xi32, #tpu.memory_space<smem>>
    %mul3A_349 = arith.constant 2 : i32
    %mul3A_350 = arith.muli %mul3A_349, %sub3A_342 : i32
    %add3A_351 = arith.constant 1 : i32
    %add3A_352 = arith.addi %mul3A_350, %add3A_351 : i32
    %mul3A_353 = arith.constant 16 : i32
    %mul3A_354 = arith.muli %add3A_352, %mul3A_353 : i32
    %get3A_355 = arith.index_cast %mul3A_354 : i32 to index
    %get3A_356 = memref.load %arg2[%get3A_355] : memref<704xi32, #tpu.memory_space<smem>>
    %gt3A_357 = arith.constant 1 : i32
    %gt3A_358 = arith.cmpi sgt, %get3A_348, %gt3A_357 : i32
    %gt3A_359 = arith.constant 1 : i32
    %gt3A_360 = arith.cmpi sgt, %get3A_356, %gt3A_359 : i32
    %and3A_361 = arith.andi %gt3A_358, %gt3A_360 : i1
    %get3A_362 = arith.constant 0 : index
    %get3A_363 = arith.constant 0 : index
    %get3A_364 = arith.constant 9 : index
    %get3A_365 = vector.load %arg4[%get3A_362, %get3A_363, %get3A_364] : memref<1x512x12xi32, #tpu.memory_space<vmem>>, vector<1x512x1xi32>
    %get3A_366 = vector.shape_cast %get3A_365 : vector<1x512x1xi32> to vector<512x1xi32>
    %ne3A_367 = arith.constant 0 : i32
    %ne3A_368 = vector.broadcast %ne3A_367 : i32 to vector<512x1xi32>
    %ne3A_369 = arith.cmpi ne, %get3A_366, %ne3A_368 : vector<512x1xi32>
    %and3A_370 = vector.broadcast %and3A_361 : i1 to vector<512x1xi1>
    %and3A_371 = arith.andi %and3A_370, %ne3A_369 : vector<512x1xi1>
    %get3A_372 = arith.constant 8 : index
    %get3A_373 = arith.constant 0 : index
    %get3A_374 = arith.constant 0 : index
    %get3A_375 = vector.load %arg3[%get3A_372, %get3A_373, %get3A_374] : memref<11x512x8xf32, #tpu.memory_space<vmem>>, vector<1x512x3xf32>
    %get3A_376 = vector.shape_cast %get3A_375 : vector<1x512x3xf32> to vector<512x3xf32>
    %broadcast_in_dim3A_377 = vector.shape_cast %and3A_371 : vector<512x1xi1> to vector<512x1xi1>
    %broadcast_in_dim3A_378 = vector.broadcast %broadcast_in_dim3A_377 : vector<512x1xi1> to vector<512x3xi1>
    %select_n3A_379 = arith.select %broadcast_in_dim3A_378, %get3A_376, %select_n3A_336 : vector<512x3xi1>, vector<512x3xf32>
    %mul3A_380 = arith.constant 11 : i32
    %mul3A_381 = arith.muli %arg0, %mul3A_380 : i32
    %add3A_382 = arith.constant 10 : i32
    %add3A_383 = arith.addi %mul3A_381, %add3A_382 : i32
    %sub3A_384 = arith.constant 1 : i32
    %sub3A_385 = arith.subi %add3A_383, %sub3A_384 : i32
    %mul3A_386 = arith.constant 2 : i32
    %mul3A_387 = arith.muli %mul3A_386, %sub3A_385 : i32
    %mul3A_388 = arith.constant 16 : i32
    %mul3A_389 = arith.muli %mul3A_387, %mul3A_388 : i32
    %get3A_390 = arith.index_cast %mul3A_389 : i32 to index
    %get3A_391 = memref.load %arg2[%get3A_390] : memref<704xi32, #tpu.memory_space<smem>>
    %mul3A_392 = arith.constant 2 : i32
    %mul3A_393 = arith.muli %mul3A_392, %sub3A_385 : i32
    %add3A_394 = arith.constant 1 : i32
    %add3A_395 = arith.addi %mul3A_393, %add3A_394 : i32
    %mul3A_396 = arith.constant 16 : i32
    %mul3A_397 = arith.muli %add3A_395, %mul3A_396 : i32
    %get3A_398 = arith.index_cast %mul3A_397 : i32 to index
    %get3A_399 = memref.load %arg2[%get3A_398] : memref<704xi32, #tpu.memory_space<smem>>
    %gt3A_400 = arith.constant 1 : i32
    %gt3A_401 = arith.cmpi sgt, %get3A_391, %gt3A_400 : i32
    %gt3A_402 = arith.constant 1 : i32
    %gt3A_403 = arith.cmpi sgt, %get3A_399, %gt3A_402 : i32
    %and3A_404 = arith.andi %gt3A_401, %gt3A_403 : i1
    %get3A_405 = arith.constant 0 : index
    %get3A_406 = arith.constant 0 : index
    %get3A_407 = arith.constant 10 : index
    %get3A_408 = vector.load %arg4[%get3A_405, %get3A_406, %get3A_407] : memref<1x512x12xi32, #tpu.memory_space<vmem>>, vector<1x512x1xi32>
    %get3A_409 = vector.shape_cast %get3A_408 : vector<1x512x1xi32> to vector<512x1xi32>
    %ne3A_410 = arith.constant 0 : i32
    %ne3A_411 = vector.broadcast %ne3A_410 : i32 to vector<512x1xi32>
    %ne3A_412 = arith.cmpi ne, %get3A_409, %ne3A_411 : vector<512x1xi32>
    %and3A_413 = vector.broadcast %and3A_404 : i1 to vector<512x1xi1>
    %and3A_414 = arith.andi %and3A_413, %ne3A_412 : vector<512x1xi1>
    %get3A_415 = arith.constant 9 : index
    %get3A_416 = arith.constant 0 : index
    %get3A_417 = arith.constant 0 : index
    %get3A_418 = vector.load %arg3[%get3A_415, %get3A_416, %get3A_417] : memref<11x512x8xf32, #tpu.memory_space<vmem>>, vector<1x512x3xf32>
    %get3A_419 = vector.shape_cast %get3A_418 : vector<1x512x3xf32> to vector<512x3xf32>
    %broadcast_in_dim3A_420 = vector.shape_cast %and3A_414 : vector<512x1xi1> to vector<512x1xi1>
    %broadcast_in_dim3A_421 = vector.broadcast %broadcast_in_dim3A_420 : vector<512x1xi1> to vector<512x3xi1>
    %select_n3A_422 = arith.select %broadcast_in_dim3A_421, %get3A_419, %select_n3A_379 : vector<512x3xi1>, vector<512x3xf32>
    %mul3A_423 = arith.constant 11 : i32
    %mul3A_424 = arith.muli %arg0, %mul3A_423 : i32
    %add3A_425 = arith.constant 11 : i32
    %add3A_426 = arith.addi %mul3A_424, %add3A_425 : i32
    %sub3A_427 = arith.constant 1 : i32
    %sub3A_428 = arith.subi %add3A_426, %sub3A_427 : i32
    %mul3A_429 = arith.constant 2 : i32
    %mul3A_430 = arith.muli %mul3A_429, %sub3A_428 : i32
    %mul3A_431 = arith.constant 16 : i32
    %mul3A_432 = arith.muli %mul3A_430, %mul3A_431 : i32
    %get3A_433 = arith.index_cast %mul3A_432 : i32 to index
    %get3A_434 = memref.load %arg2[%get3A_433] : memref<704xi32, #tpu.memory_space<smem>>
    %mul3A_435 = arith.constant 2 : i32
    %mul3A_436 = arith.muli %mul3A_435, %sub3A_428 : i32
    %add3A_437 = arith.constant 1 : i32
    %add3A_438 = arith.addi %mul3A_436, %add3A_437 : i32
    %mul3A_439 = arith.constant 16 : i32
    %mul3A_440 = arith.muli %add3A_438, %mul3A_439 : i32
    %get3A_441 = arith.index_cast %mul3A_440 : i32 to index
    %get3A_442 = memref.load %arg2[%get3A_441] : memref<704xi32, #tpu.memory_space<smem>>
    %gt3A_443 = arith.constant 1 : i32
    %gt3A_444 = arith.cmpi sgt, %get3A_434, %gt3A_443 : i32
    %gt3A_445 = arith.constant 1 : i32
    %gt3A_446 = arith.cmpi sgt, %get3A_442, %gt3A_445 : i32
    %and3A_447 = arith.andi %gt3A_444, %gt3A_446 : i1
    %get3A_448 = arith.constant 0 : index
    %get3A_449 = arith.constant 0 : index
    %get3A_450 = arith.constant 11 : index
    %get3A_451 = vector.load %arg4[%get3A_448, %get3A_449, %get3A_450] : memref<1x512x12xi32, #tpu.memory_space<vmem>>, vector<1x512x1xi32>
    %get3A_452 = vector.shape_cast %get3A_451 : vector<1x512x1xi32> to vector<512x1xi32>
    %ne3A_453 = arith.constant 0 : i32
    %ne3A_454 = vector.broadcast %ne3A_453 : i32 to vector<512x1xi32>
    %ne3A_455 = arith.cmpi ne, %get3A_452, %ne3A_454 : vector<512x1xi32>
    %and3A_456 = vector.broadcast %and3A_447 : i1 to vector<512x1xi1>
    %and3A_457 = arith.andi %and3A_456, %ne3A_455 : vector<512x1xi1>
    %get3A_458 = arith.constant 10 : index
    %get3A_459 = arith.constant 0 : index
    %get3A_460 = arith.constant 0 : index
    %get3A_461 = vector.load %arg3[%get3A_458, %get3A_459, %get3A_460] : memref<11x512x8xf32, #tpu.memory_space<vmem>>, vector<1x512x3xf32>
    %get3A_462 = vector.shape_cast %get3A_461 : vector<1x512x3xf32> to vector<512x3xf32>
    %broadcast_in_dim3A_463 = vector.shape_cast %and3A_457 : vector<512x1xi1> to vector<512x1xi1>
    %broadcast_in_dim3A_464 = vector.broadcast %broadcast_in_dim3A_463 : vector<512x1xi1> to vector<512x3xi1>
    %select_n3A_465 = arith.select %broadcast_in_dim3A_464, %get3A_462, %select_n3A_422 : vector<512x3xi1>, vector<512x3xf32>
    %swap3A = arith.constant 0 : index
    %swap3A_466 = arith.constant 0 : index
    %swap3A_467 = arith.constant 0 : index
    %swap3A_468 = vector.load %arg5[%swap3A, %swap3A_466, %swap3A_467] : memref<1x512x3xf32, #tpu.memory_space<vmem>>, vector<1x512x3xf32>
    %swap3A_469 = vector.shape_cast %swap3A_468 : vector<1x512x3xf32> to vector<512x3xf32>
    %swap3A_470 = vector.shape_cast %select_n3A_465 : vector<512x3xf32> to vector<1x512x3xf32>
    tpu.vector_store %arg5[%swap3A, %swap3A_466, %swap3A_467], %swap3A_470 {strides = array<i32>} : memref<1x512x3xf32, #tpu.memory_space<vmem>>, vector<1x512x3xf32>,
    return
  }
  func.func @transform_0(%arg0: i32, %arg1: i32, %arg2: memref<704xi32, #tpu.memory_space<smem>>) -> (i32, i32, i32) {
    %c0_i32 = arith.constant 0 : i32
    %c0_i32_0 = arith.constant 0 : i32
    return %arg0, %arg1, %c0_i32 : i32, i32, i32
  }
  func.func @transform_1(%arg0: i32, %arg1: i32, %arg2: memref<704xi32, #tpu.memory_space<smem>>) -> (i32, i32, i32) {
    %c0_i32 = arith.constant 0 : i32
    %c0_i32_0 = arith.constant 0 : i32
    return %arg0, %arg1, %c0_i32 : i32, i32, i32
  }
  func.func @transform_2(%arg0: i32, %arg1: i32, %arg2: memref<704xi32, #tpu.memory_space<smem>>) -> (i32, i32, i32) {
    %c0_i32 = arith.constant 0 : i32
    %c0_i32_0 = arith.constant 0 : i32
    return %arg0, %arg1, %c0_i32 : i32, i32, i32
  }
}

</mosaic_0001>

<sc_bundles>
// kernel: kernel.6.cloned.1.call-start
scs
__scs_entry_jumppad:
0x0: {  	(pc) =	sbr.rel $0x88, $3  }
0x1: {  	(tag) =	ssettag $0x0;
	lr =	simm.s32 $0x1  }
0x2: {  	[smem:$0x3F9C] =	sst lr;
	_ =	strace $0xD0000000  }
0x3: {  	_ = 	snop  }
0x4: {  	_ = 	snop  }
0x5: {  	_ = 	snop  }
0x6: {  	_ = 	snop  }
0x7: {  	_ = 	snop  }
__scs_overlays_trampoline_lowered:
0x8: {  	[smem:$0x3FAB] =	sst s0  }
0x9: {  	[smem:$0x3FAC] =	sst s1  }
0xa: {  	[smem:$0x3FAD] =	sst s2  }
0xb: {  	[smem:$0x3FAE] =	sst s3  }
0xc: {  	[smem:$0x3FAF] =	sst s4  }
0xd: {  	[smem:$0x3FB0] =	sst s5  }
0xe: {  	[smem:$0x3FB1] =	sst s6  }
0xf: {  	[smem:$0x3FB2] =	sst s7  }
0x10: {  	[smem:$0x3FB3] =	sst s8  }
0x11: {  	[smem:$0x3FB4] =	sst s9;
	s0 =	simm.s32 @!p0 $0x0  }
0x12: {  	s1 =	sld [smem:$0x3F9A];
	s0 =	simm.s32 @p0 $0x1  }
0x13: {  	[smem:$0x3FB5] =	sst s0;
	s0 =	simm.s32 @!p1 $0x0  }
0x14: {  	s2 =	sld [smem:$0x3F99];
	s0 =	simm.s32 @p1 $0x1  }
0x15: {  	[smem:$0x3FB6] =	sst s0;
	s0 =	simm.s32 @!p2 $0x0  }
0x16: {  	s3 =	sld [smem:$0x3FDB];
	s0 =	simm.s32 @p2 $0x1  }
0x17: {  	s4 =	simm.s32 $0x1BF5;
	[smem:$0x3FB8] =	sst s0  }
0x18: {  	s0 =	sld [smem:$0x3F9B];
	_ =	swait.ge [sflag:s4], $0x0  }
0x19: {  	s7 =	sld [smem:$0x3F9C]  }
0x1a: {  	s8 =	sadd.s32 $0xFFFFE003, lr  }
0x1b: {  	s9 =	sadd.s32 $0xFFFFFEF7, lr;
	s5 =	simm.s32 $0xFFFFFFFF;
	p2 =	slt.u32 s8, $0xFFFFF086  }
0x1c: {  	p1 =	slt.u32 s9, $0xF7A;
	s5 =	simm.s32 @!p2 $0x0  }
0x1d: {  	s5 =	simm.s32 @p1 $0x1;
	p0 =	seq.s32 s7, s2  }
0x1e: {  	s7 =	smul.u32 @!p0 $0xF7A, s2;
	p2 =	seq.s32 @!p0 s5, $0x0  }
0x1f: {  	s9 =	smul.u32 $0xF7A, s1;
	s8 =	simm.s32 @!p0 $0x1BF5;
	p2 =	por !p2, p0  }
0x20: {  	[sflag:s8] =	ssyncset.s32 @!p0 $0xFFFFF086;
	s6 =	sadd.s32 @!p0 s3, s7;
	s7 =	simm.s32 @!p0 $0x108  }
0x21: {  	s3 =	sadd.s32 s3, s9;
	s6 =	sadd.s32 @!p0 $0x88, s6;
	s7 =	simm.s32 @p2 $0x1082  }
0x22: {  	[simem:s7], [sflag:s8] =	dma.local @!p0 [hbm:s6], $0xF7A  }
0x23: {  	s9 =	sor.u32 $0xD0000000, s2;
	s6 =	simm.s32 $0x108;
	_ =	swait.ge @!p0 [sflag:s8], $0x0  }
0x24: {  	s3 =	sadd.s32 $0x88, s3;
	s6 =	simm.s32 @!p1 $0x1082;
	[sflag:s4] =	ssyncset.s32 $0xFFFFF086  }
0x25: {  	[simem:s6], [sflag:s4] =	dma.local [hbm:s3], $0xF7A  }
0x26: {  	[smem:$0x3F9C] =	sst s1;
	(tag) =	ssettag s2;
	_ =	strace s9  }
0x27: {  	s1 =	sld [smem:$0x3FAC]  }
0x28: {  	s2 =	sld [smem:$0x3FAD]  }
0x29: {  	s4 =	sld [smem:$0x3FAF]  }
0x2a: {  	p0 =	seq.s32 s5, $0x0;
	s5 =	sld [smem:$0x3FB0]  }
0x2b: {  	s6 =	sld [smem:$0x3FB1]  }
0x2c: {  	s7 =	sld [smem:$0x3FB2]  }
0x2d: {  	s3 =	simm.s32 $0x108;
	s8 =	sld [smem:$0x3FB3]  }
0x2e: {  	s3 =	simm.s32 @!p0 $0x1082;
	s9 =	sld [smem:$0x3FB4]  }
0x2f: {  	lr =	sadd.s32 s0, s3;
	s0 =	sld [smem:$0x3FAB]  }
0x30: {  	s3 =	sld [smem:$0x3FAE]  }
0x31: {  	[smem:$0x3FB7] =	sst s10  }
0x32: {  	s10 =	sld [smem:$0x3FB5];
	_ =	sdelay $0x3  }
0x33: {  	p0 =	seq.s32 s10, $0x1;
	s10 =	sld [smem:$0x3FB7];
	_ =	sdelay $0x3  }
0x34: {  	[smem:$0x3FB7] =	sst s10  }
0x35: {  	s10 =	sld [smem:$0x3FB6];
	_ =	sdelay $0x3  }
0x36: {  	p1 =	seq.s32 s10, $0x1;
	s10 =	sld [smem:$0x3FB7];
	_ =	sdelay $0x3  }
0x37: {  	[smem:$0x3FB7] =	sst s10  }
0x38: {  	s10 =	sld [smem:$0x3FB8]  }
0x39: {  	_ = 	snop;
	(pc) =	sbr.ind lr, $3  }
0x3a: {  	_ = 	snop  }
0x3b: {  	_ = 	snop  }
0x3c: {  	p2 =	seq.s32 s10, $0x1;
	s10 =	sld [smem:$0x3FB7]  }
0x3d: {  	_ =	shalt  }
0x3e: {  	_ =	shalt  }
0x3f: {  	_ =	shalt  }
0x40: {  	_ =	shalt  }
0x41: {  	_ =	shalt  }
0x42: {  	_ =	shalt  }
0x43: {  	_ =	shalt  }
0x44: {  	_ =	shalt  }
0x45: {  	_ =	shalt  }
0x46: {  	_ =	shalt  }
0x47: {  	_ =	shalt  }
0x48: {  	_ =	shalt  }
0x49: {  	_ =	shalt  }
0x4a: {  	_ =	shalt  }
0x4b: {  	_ =	shalt  }
0x4c: {  	_ =	shalt  }
0x4d: {  	_ =	shalt  }
0x4e: {  	_ =	shalt  }
0x4f: {  	_ =	shalt  }
0x50: {  	_ =	shalt  }
0x51: {  	_ =	shalt  }
0x52: {  	_ =	shalt  }
0x53: {  	_ =	shalt  }
0x54: {  	_ =	shalt  }
0x55: {  	_ =	shalt  }
0x56: {  	_ =	shalt  }
0x57: {  	_ =	shalt  }
0x58: {  	_ =	shalt  }
0x59: {  	_ =	shalt  }
0x5a: {  	_ =	shalt  }
0x5b: {  	_ =	shalt  }
0x5c: {  	_ =	shalt  }
0x5d: {  	_ =	shalt  }
0x5e: {  	_ =	shalt  }
0x5f: {  	_ =	shalt  }
0x60: {  	_ =	shalt  }
0x61: {  	_ =	shalt  }
0x62: {  	_ =	shalt  }
0x63: {  	_ =	shalt  }
0x64: {  	_ =	shalt  }
0x65: {  	_ =	shalt  }
0x66: {  	_ =	shalt  }
0x67: {  	_ =	shalt  }
0x68: {  	_ =	shalt  }
0x69: {  	_ =	shalt  }
0x6a: {  	_ =	shalt  }
0x6b: {  	_ =	shalt  }
0x6c: {  	_ =	shalt  }
0x6d: {  	_ =	shalt  }
0x6e: {  	_ =	shalt  }
0x6f: {  	_ =	shalt  }
0x70: {  	_ =	shalt  }
0x71: {  	_ =	shalt  }
0x72: {  	_ =	shalt  }
0x73: {  	_ =	shalt  }
0x74: {  	_ =	shalt  }
0x75: {  	_ =	shalt  }
0x76: {  	_ =	shalt  }
0x77: {  	_ =	shalt  }
0x78: {  	_ =	shalt  }
0x79: {  	_ =	shalt  }
0x7a: {  	_ =	shalt  }
0x7b: {  	_ =	shalt  }
0x7c: {  	_ =	shalt  }
0x7d: {  	_ =	shalt  }
0x7e: {  	_ =	shalt  }
0x7f: {  	_ =	shalt  }
0x80: {  	_ =	shalt  }
0x81: {  	_ =	shalt  }
0x82: {  	_ =	shalt  }
0x83: {  	_ =	shalt  }
0x84: {  	_ =	shalt  }
0x85: {  	_ =	shalt  }
0x86: {  	_ =	shalt  }
0x87: {  	_ =	shalt  }
.Lfunc_end0:
.L_simem_size_0:
called_computation_lowered:
.L_overlay_start_0:
0x88: {  	s2 =	sld [smem:$0x3FD9]  }
0x89: {  	s3 =	sld [smem:$0x3FFE];
	_ =	sdelay $0x1  }
0x8a: {  	s1 =	srdreg.scid  }
0x8b: {  	s0 =	sand.u32 $0x1, s1  }
0x8c: {  	s17 =	sshll.u32 s0, $0xA;
	s2 =	sadd.s32 s3, s2  }
0x8d: {  	s2 =	sadd.s32 s2, s17  }
0x8e: {  	[smem:$0x3FC3] =	sst s2  }
0x8f: {  	_ = 	snop  }
0x90: {  	s2 =	sld [smem:$0x3FD0];
	(tm) =	ssettm $0x1  }
0x91: {  	s18 =	sld [smem:$0x3FFB];
	_ =	sdelay $0x3  }
0x92: {  	_ =	strace s18  }
0x93: {  	s3 =	sld [smem:$0x3FFC];
	_ =	sdelay $0x3  }
0x94: {  	_ =	strace s3  }
0x95: {  	s3 =	sld [smem:$0x3FFD];
	_ =	sdelay $0x3  }
0x96: {  	_ =	strace s3  }
0x97: {  	_ =	strace $0x8FFFFFFF  }
0x98: {  	s19 =	sld [smem:$0x3FDB];
	_ =	sdelay $0x1  }
0x99: {  	s4 =	simm.s32 $_scs_section_size  }
0x9a: {  	s5 =	simm.s32 $_size__tile_overlayer_lowered;
	s6 =	simm.s32 $_tile_overlayer_lowered  }
0x9b: {  	s22 =	simm.s32 $0x1BFF;
	s21 =	sshll.u32 s6, $0x1;
	s3 =	sadd.s32 s4, s19  }
0x9c: {  	s7 =	simm.s32 $0x0;
	s20 =	sshll.u32 s5, $0x1;
	s5 =	sadd.s32 s21, s3  }
0x9d: {  	[timem:s7], [sflag:s22] =	dma.local [hbm:s5], s20  }
0x9e: {  	_ =	swait.ge [sflag:s22], s20  }
0x9f: {  	s4 =	ssub.s32 $0x0, s20;
	[sflag:s22] =	ssyncset.done $0x0  }
0xa0: {  	[sflag:s22] =	ssyncadd.s32 s4;
	_ =	sdelay $0x1  }
0xa1: {  	s23 =	simm.s32 $0x1B8B  }
0xa2: {  	_ =	swait.ge [sflag:s23], $0x1  }
0xa3: {  	[sflag:s23] =	ssyncset.done $0x0  }
0xa4: {  	s25 =	simm.s32 $0x1B8E;
	s24 =	sld [smem:$0x3FFE];
	[sflag:s23] =	ssyncadd.s32 $0xFFFFFFFF  }
0xa5: {  	s26 =	simm.s32 $execute0_lowered;
	[smem:$0x3FD2] =	sst s25  }
0xa6: {  	s5 =	sshll.u32 s26, $0x1;
	_ =	strace $0x80000046;
	[dreg:$0x1] =	wrdreg $0xFFFFFFFF  }
0xa7: {  	s28 =	simm.s32 $_size_execute0_lowered;
	s3 =	sadd.s32 s3, s5;
	[dreg:$0x0] =	wrdreg $0x0  }
0xa8: {  	s5 =	sshll.u32 s28, $0x1;
	[dreg:$0x2] =	wrdreg s3  }
0xa9: {  	[dreg:$0x3] =	wrdreg s5  }
0xaa: {  	[dreg:$0x4] =	wrdreg $0xC0  }
0xab: {  	_ =	task [dreg:s7], $0x5FFFF  }
0xac: {  	[dreg:$0x1] =	wrdreg $0xFFFFFFFF  }
0xad: {  	[dreg:$0x0] =	wrdreg $0x60  }
0xae: {  	[dreg:$0x2] =	wrdreg s24  }
0xaf: {  	[dreg:$0x3] =	wrdreg s2  }
0xb0: {  	[dreg:$0x4] =	wrdreg $0x9  }
0xb1: {  	_ =	task.clear_ibuf [dreg:s7], $0x5FFFF;
	_ =	strace $0x90000046  }
0xb2: {  	s29 =	simm.s32 $0x9;
	_ =	strace $0x80000048  }
0xb3: {  	_ =	swait.ge [sflag:s29], $0x1  }
0xb4: {  	[sflag:s29] =	ssyncadd.s32 $0xFFFFFFFF  }
0xb5: {  	_ =	strace $0x90000048  }
0xb6: {  	_ =	sfence  }
0xb7: {  	s30 =	sld [smem:$0x0];
	_ =	sdelay $0x2  }
0xb8: {  	s31 =	sshll.u32 s1, $0xD;
	s1 =	sshrl.u32 s1, $0x2  }
0xb9: {  	s3 =	sand.u32 $0x4000, s31;
	s1 =	sadd.s32 s1, s30  }
0xba: {  	s0 =	sor.u32 s3, s0;
	s1 =	sshll.u32 s1, $0x11  }
0xbb: {  	s0 =	sor.u32 s1, s0  }
0xbc: {  	s0 =	sadd.s32 $0x8F2B, s0  }
0xbd: {  	[sflag:s0] =	ssyncadd.remote.s32 $0x1  }
0xbe: {  	_ =	sfence.sel $0xFFFF  }
0xbf: {  	[dreg:$0x0] =	wrdreg $0xFFFFFFFF;
	(pc) =	sbr.abs _section_cstart, $3  }
0xc0: {  	[dreg:$0x1] =	wrdreg $0xFFFFFFFF  }
0xc1: {  	_ =	task.clear_ibuf [dreg:s7], $0x2FFFF;
	_ =	strace $0x9FFFFFFF  }
0xc2: {  	(tm) =	ssettm $0x7FFFFFFF  }
0xc3: {  	_ =	shalt  }
tec
execute0_lowered:
.L_overlay_start_1:
0x0: {  	(tag) =	ssettag $0x1  }
0x1: {  	s0 =	srdreg.scid  }
0x2: {  	s26 =	stileid.u32;
	s5 =	rddreg [dreg:$0x0]  }
0x3: {  	s10 =	simm.s32 $0x1;
	s9 =	sand.u32 $0x1, s0;
	s20 =	sshll.u32 s26, $0x1  }
0x4: {  	s28 =	simm.s32 $0x14400;
	s29 =	simm.s32 $0x200;
	s1 =	sor.u32 s9, s20  }
0x5: {  	s30 =	simm.s32 $0x3400;
	p0 =	seq.s32 s9, $0x1;
	p1 =	seq.s32 s1, $0x0  }
0x6: {  	s31 =	simm.s32 $0x13400;
	s0 =	simm.s32 $0x1;
	p1 =	por !p1, !p0  }
0x7: {  	s13 =	sadd.s32 $0x5A00, s5;
	s14 =	sadd.s32 $0x61C00, s5;
	p1 =	por !p1, !p1  }
0x8: {  	s15 =	sadd.s32 $0x4BC00, s5;
	s17 =	sadd.s32 $0x321C00, s5;
	s0 =	simm.s32 @!p1 $0x0  }
0x9: {  	s19 =	sadd.s32 $0x328000, s5;
	s18 =	sor.u32 $0x20, s1;
	s11 =	ssub.s32 s26, s0  }
0xa: {  	s22 =	ssub.s32 $0x2, s9;
	s12 =	sshrl.u32 s18, $0x1;
	s0 =	smul.u32 $0xFFFFFFBB, s11  }
0xb: {  	s21 =	sshll.u32 s9, $0x1;
	s16 =	sshrl.u32 s22, $0x1;
	s23 =	smul.u32 $0x18, s12  }
0xc: {  	s25 =	sshll.u32 s1, $0x1;
	s20 =	ssub.s32 s22, s16;
	s0 =	sshrl.u32 s0, $0x8  }
0xd: {  	s20 =	smax.u32 s20, $0x1;
	s24 =	sshrl.u32 s23, $0x8;
	s0 =	sadd.s32 s11, s0  }
0xe: {  	s22 =	smul.u32 $0xB, s24;
	s2 =	sand.u32 $0x80, s0;
	s0 =	sshll.u32 s0, $0x18  }
0xf: {  	s23 =	smul.u32 $0x18, s9;
	s2 =	sshrl.u32 s2, $0x7;
	s3 =	sshra.s32 s0, $0x1B  }
0x10: {  	s9 =	sadd.s32 s19, s25;
	s12 =	ssub.s32 s12, s22;
	s6 =	sadd.s32 s2, s3  }
0x11: {  	p6 =	slt.s32 s11, $0x1;
	s12 =	sand.u32 $0xFF, s12;
	s4 =	smul.u32 $0xB, s6  }
0x12: {  	s24 =	sshll.u32 s11, $0xC;
	s12 =	sadd.s32 s12, s23;
	s0 =	rddreg [dreg:$0x1]  }
0x13: {  	s16 =	sshll.u32 s12, $0x9;
	s2 =	simm.s32 $0x0;
	s7 =	ssub.s32 s11, s4  }
0x14: {  	s3 =	sadd.s32 $0xBA00, s5;
	[smem:$0x7FF] =	sst s2;
	s8 =	sand.u32 $0xFF, s7  }
0x15: {  	s6 =	sadd.s32 s6, s21;
	s21 =	smul.u32 $0x240, s1;
	p2 =	sne.s32 s8, $0x0  }
0x16: {  	s1 =	sshll.u32 s1, $0x10;
	_ =	strace $0x80000047;
	p1 =	por !p6, !p2  }
0x17: {  	s4 =	sadd.s32 $0x1800, s5;
	s7 =	sshll.u32 s7, $0x18;
	p1 =	por !p1, !p1  }
0x18: {  	s5 =	simm.s32 $0x1;
	s7 =	sshra.s32 s7, $0x18;
	s10 =	simm.s32 @!p1 $0x0  }
0x19: {  	p1 =	slt.s32 s7, $0x0;
	s6 =	ssub.s32 s6, s10;
	s10 =	simm.s32 $0xC  }
0x1a: {  	s11 =	sadd.s32 s14, s1;
	s6 =	smul.u32 $0xC, s6;
	s10 =	simm.s32 @!p1 $0x1  }
0x1b: {  	p1 =	sgt.u32 s26, $0x5;
	s26 =	simm.s32 $0x14430;
	s7 =	sadd.s32 s7, s10  }
0x1c: {  	s10 =	sadd.s32 s17, s21;
	s21 =	smul.u32 $0x240, s18;
	s6 =	sadd.s32 s6, s7  }
0x1d: {  	s7 =	sadd.s32 s0, s25;
	s25 =	sand.u32 $0x1FFFF000, s24;
	s24 =	sshll.u32 s18, $0xB  }
0x1e: {  	s6 =	sshll.u32 s6, $0x9;
	s8 =	sadd.s32 $0x58, s7;
	s12 =	sadd.s32 s15, s25  }
0x1f: {  	s22 =	sadd.s32 $0x98, s7;
	s17 =	sadd.s32 s17, s21;
	s25 =	sshll.u32 s18, $0x10  }
0x20: {  	s21 =	simm.s32 $0x2;
	s6 =	sand.u32 $0x1FFFFE00, s6;
	[dreg:$0x5] =	wrdreg s22  }
0x21: {  	s22 =	simm.s32 $0x14410;
	s6 =	sadd.s32 s13, s6;
	s13 =	sadd.s32 s16, s13  }
.Ltmp0:
0x22: {  	s16 =	sshll.u32 s18, $0x1;
	s1 =	sadd.s32 $0x1A00, s13;
	(pc) =	sbr.rel .LBB2_1-.Ltmp0, $4  }
0x23: {  	s18 =	sadd.s32 s14, s25;
	s0 =	sadd.s32 s0, s16;
	[dreg:$0x3] =	wrdreg s1  }
0x24: {  	s25 =	simm.s32 $0x2200;
	s23 =	sadd.s32 s19, s16;
	[dreg:$0x4] =	wrdreg s0  }
0x25: {  	[dreg:$0x6] =	wrdreg s23;
	s1 =	sand.u32 $0x1F000, s24;
	s23 =	simm.s32 $0x14420  }
0x26: {  	v0 =	vlaneseq.u32;
	v1 =	vimm.s32 $0xF;
	s24 =	simm.s32 $0x1000;
	s19 =	sadd.s32 s15, s1;
	s1 =	simm.s32 $0x0  }
.LBB2_23:
0x27: {  	[sflag:s21] =	ssyncadd.s32 $0xFFFFF000  }
.LBB2_24:
0x28: {  	s1 =	sadd.s32 $0x1, s1  }
0x29: {  	p2 =	sne.s32 s1, s20  }
.Ltmp1:
0x2a: {  	_ = 	snop;
	(pc) =	sbr.rel @!p2 .LBB2_25-.Ltmp1, $1  }
0x2b: {  	_ =	sdelay $0x3  }
.LBB2_1:
0x2c: {  	[tilespmem:s2], [sflag:$0x2] =	stream.linear.gather [hbm4b:s6+s2], $0x1000, $0x38;
	[tilespmem:$0x14440] =	vst v63  }
0x2d: {  	_ =	swait.ge [sflag:s21], $0x1000  }
0x2e: {  	[sflag:s21] =	ssyncset.done $0x0  }
0x2f: {  	[sflag:s21] =	ssyncadd.s32 $0xFFFFF000  }
0x30: {  	[tilespmem:s22], [sflag:$0x2] =	stream.linear.gather [hbm4b:s7+s2], $0x10, $0x38;
	[tilespmem:$0x14440] =	vst v63  }
0x31: {  	_ =	swait.ge [sflag:s21], $0x10  }
0x32: {  	[sflag:s21] =	ssyncset.done $0x0  }
0x33: {  	[sflag:s21] =	ssyncadd.s32 $0xFFFFFFF0  }
0x34: {  	[tilespmem:s23], [sflag:$0x2] =	stream.linear.gather [hbm4b:s8+s2], $0x10, $0x38;
	[tilespmem:$0x14440] =	vst v63  }
0x35: {  	_ =	swait.ge [sflag:s21], $0x10  }
0x36: {  	[sflag:s21] =	ssyncset.done $0x0  }
0x37: {  	[sflag:s21] =	ssyncadd.s32 $0xFFFFFFF0  }
0x38: {  	v2 =	vld [tilespmem:$0x14410]  }
0x39: {  	v5 =	vld [tilespmem:$0x14420];
	_ =	sdelay $0x4  }
0x3a: {  	s0 =	simm.s32 $0x40;
	s13 =	simm.s32 $0x0;
	v3 =	vadd.s32 $0x1000, v2;
	v4 =	vadd.s32 $0x1000, v5  }
.LBB2_2:
0x3b: {  	p2 =	sne.s32 s0, $0x47C0;
	[tilespmem:s13+$0x1000] =	vst v3;
	s14 =	smov.u32 s0;
	s0 =	sadd.s32 $0x40, s0  }
.Ltmp2:
0x3c: {  	[tilespmem:s13+$0x2200] =	vst v4;
	(pc) =	sbr.rel @p2 .LBB2_2-.Ltmp2, $2  }
0x3d: {  	_ =	sdelay $0x2  }
0x3e: {  	s13 =	sshra.s32 s14, $0x2  }
0x3f: {  	[tilespmem:s13+$0x1000] =	vst v3  }
0x40: {  	[tilespmem:s13+$0x2200] =	vst v4;
	s0 =	simm.s32 $0x0  }
0x41: {  	v4 =	vld [tilespmem:s0+$0x0];
	_ =	sdelay $0x4  }
0x42: {  	(xrf0) =	vadd.scan.msk.s32 $0xffff, v4;
	_ =	sdelay $0x4  }
0x43: {  	v3 =	vimm.s32 $0x0  }
0x44: {  	vm0 =	vne.s32 v4, $0x0;
	v4 =	vsub.s32 v3, v4;
	v6, _, _ =	vpop (xrf0)  }
0x45: {  	v7 =	vadd.s32 v6, v4;
	_ =	sdelay $0x3  }
0x46: {  	v4 =	vadd.s32 v0, v2  }
0x47: {  	v2 =	vadd.s32 v0, v5;
	[tilespmem:v7+s24+$0x0] =	vst.idx.msk vm0, v4  }
0x48: {  	[tilespmem:v7+s25+$0x0] =	vst.idx.msk vm0, v2  }
0x49: {  	s16 =	simm.s32 $0x10;
	[tilespmem:$0x14430] =	vst v6  }
0x4a: {  	v5 =	vld [tilespmem:s16+$0x0]  }
0x4b: {  	s0 =	simm.s32 $0x80;
	v6 =	vld.idx.msk [tilespmem:v1+s26+$0x0], $0xffff  }
.LBB2_4:
0x4c: {  	p2 =	sne.s32 s0, $0x3FC0;
	_ =	sdelay $0x2  }
0x4d: {  	(xrf0) =	vadd.scan.msk.s32 $0xffff, v5;
	_ =	sdelay $0x1  }
0x4e: {  	v3 =	vadd.s32 v3, v6;
	_ =	sdelay $0x3  }
0x4f: {  	vm0 =	vne.s32 v5, $0x0;
	v5 =	vsub.s32 v3, v5;
	v6, _, _ =	vpop (xrf0)  }
0x50: {  	v5 =	vadd.s32 v6, v5;
	_ =	sdelay $0x3  }
0x51: {  	v4 =	vadd.s32 $0x10, v4  }
.Ltmp3:
0x52: {  	v2 =	vadd.s32 $0x10, v2;
	[tilespmem:v5+s24+$0x0] =	vst.idx.msk vm0, v4;
	(pc) =	sbr.rel @p2 .LBB2_4-.Ltmp3, $4  }
0x53: {  	[tilespmem:v5+s25+$0x0] =	vst.idx.msk vm0, v2  }
0x54: {  	s13 =	sshra.s32 s0, $0x2;
	[tilespmem:$0x14430] =	vst v6  }
0x55: {  	v5 =	vld [tilespmem:s13+$0x0]  }
0x56: {  	s0 =	sadd.s32 $0x40, s0;
	v6 =	vld.idx.msk [tilespmem:v1+s26+$0x0], $0xffff  }
0x57: {  	_ =	sdelay $0x2  }
0x58: {  	(xrf0) =	vadd.scan.msk.s32 $0xffff, v5;
	_ =	sdelay $0x4  }
0x59: {  	v3 =	vadd.s32 v3, v6  }
0x5a: {  	vm0 =	vne.s32 v5, $0x0;
	v62 =	vsub.s32 v3, v5;
	v63, _, _ =	vpop (xrf0)  }
0x5b: {  	v5 =	vadd.s32 v63, v62;
	_ =	sdelay $0x3  }
0x5c: {  	v4 =	vadd.s32 $0x10, v4  }
0x5d: {  	v2 =	vadd.s32 $0x10, v2;
	[tilespmem:v5+s24+$0x0] =	vst.idx.msk vm0, v4  }
0x5e: {  	[tilespmem:v5+s25+$0x0] =	vst.idx.msk vm0, v2  }
0x5f: {  	[tilespmem:$0x14430] =	vst v63  }
0x60: {  	v2 =	vld.idx.msk [tilespmem:v1+s26+$0x0], $0xffff;
	_ =	sdelay $0x4  }
0x61: {  	v2 =	vadd.s32 v3, v2  }
0x62: {  	v3 =	vxor.u32 $0x80000000, v2  }
0x63: {  	(xrf0) =	vmax.scan.msk.u32 $0xffff, v3;
	_ =	sdelay $0x5  }
0x64: {  	v3, _, _ =	vpop (xrf0)  }
0x65: {  	(v2sf) =	vpush v3, $0xF;
	_ =	sdelay $0xc  }
0x66: {  	s0 =	simm.s32 $0x0;
	[tilespmem:$0x14400] =	vst v2  }
0x67: {  	[hbm4b:s9+s0] =	stream.linear.scatter [tilespmem:s28], [sflag:$0x2], $0x10, $0x38;
	[tilespmem:$0x14440] =	vst v63  }
0x68: {  	s13 =	spop (v2sf)  }
0x69: {  	s13 =	sadd.s32 $0x800001FF, s13  }
0x6a: {  	s14 =	sand.u32 $0x1FF, s13  }
0x6b: {  	s16 =	sshra.s32 s13, $0x1F;
	p3 =	slt.s32 s13, $0x1;
	p2 =	sne.s32 s14, $0x0  }
0x6c: {  	s14 =	sshrl.u32 s16, $0x17;
	p2 =	por !p3, !p2  }
0x6d: {  	s13 =	sadd.s32 s14, s13;
	s14 =	simm.s32 $0x1;
	p2 =	por !p2, !p2  }
0x6e: {  	s13 =	sshra.s32 s13, $0x9;
	s14 =	simm.s32 @!p2 $0x0  }
0x6f: {  	_ =	swait.ge [sflag:s21], $0x10;
	s13 =	ssub.s32 s13, s14  }
0x70: {  	[sflag:s21] =	ssyncset.done $0x0;
	p2 =	slt.s32 s13, $0x1  }
.Ltmp4:
0x71: {  	[sflag:s21] =	ssyncadd.s32 $0xFFFFFFF0;
	(pc) =	sbr.rel @p2 .LBB2_12-.Ltmp4, $4  }
0x72: {  	[hbm4b:s10+s0] =	stream.linear.scatter [tilespmem:s25], [sflag:$0x2], $0x1200, $0x38;
	[tilespmem:$0x14440] =	vst v63  }
0x73: {  	_ =	swait.ge [sflag:s21], $0x1200  }
0x74: {  	[sflag:s21] =	ssyncset.done $0x0  }
0x75: {  	[sflag:s21] =	ssyncadd.s32 $0xFFFFEE00;
	s14 =	simm.s32 $0x1000  }
0x76: {  	[tilespmem:s30], [sflag:$0x1] =	stream.indirect.gather [hbm4b:s3+s29], $0x80, s14, s29, $0xb8;
	[tilespmem:$0x14440] =	vst v63  }
0x77: {  	p2 =	sne.s32 s13, $0x1;
	_ =	swait.ge [sflag:s5], $0x10000  }
.Ltmp5:
0x78: {  	s15 =	sand.u32 $0x1FFFE000, s0;
	[sflag:s5] =	ssyncset.done $0x0;
	(pc) =	sbr.rel @!p2 .LBB2_8-.Ltmp5, $4  }
0x79: {  	s15 =	sadd.s32 s15, s11;
	[sflag:s5] =	ssyncadd.s32 $0xFFFF0000  }
0x7a: {  	[hbm4b:s15+s2] =	stream.linear.scatter [tilespmem:s30], [sflag:$0x2], $0x10000, $0x38;
	[tilespmem:$0x14440] =	vst v63  }
0x7b: {  	_ =	swait.ge [sflag:s21], $0x10000  }
0x7c: {  	s15 =	sadd.s32 $0xFFFFFFFF, s13;
	[sflag:s21] =	ssyncset.done $0x0  }
.LBB2_7:
0x7d: {  	[sflag:s21] =	ssyncadd.s32 $0xFFFF0000;
	s0 =	sadd.s32 $0x2000, s0;
	s14 =	sadd.s32 $0x200, s14  }
0x7e: {  	[tilespmem:s30], [sflag:$0x1] =	stream.indirect.gather [hbm4b:s3+s29], $0x80, s14, s29, $0xb8;
	[tilespmem:$0x14440] =	vst v63  }
0x7f: {  	p2 =	sne.s32 s15, $0x1;
	s15 =	sadd.s32 $0xFFFFFFFF, s15;
	_ =	swait.ge [sflag:s5], $0x10000  }
.Ltmp6:
0x80: {  	s16 =	sand.u32 $0x1FFFE000, s0;
	[sflag:s5] =	ssyncset.done $0x0;
	(pc) =	sbr.rel @p2 .LBB2_7-.Ltmp6, $4  }
0x81: {  	s16 =	sadd.s32 s16, s11;
	[sflag:s5] =	ssyncadd.s32 $0xFFFF0000  }
0x82: {  	[hbm4b:s16+s2] =	stream.linear.scatter [tilespmem:s30], [sflag:$0x2], $0x10000, $0x38;
	[tilespmem:$0x14440] =	vst v63  }
0x83: {  	_ =	swait.ge [sflag:s21], $0x10000  }
0x84: {  	[sflag:s21] =	ssyncset.done $0x0  }
.LBB2_8:
.Ltmp7:
0x85: {  	(pc) =	sbr.rel @!p0 .LBB2_12-.Ltmp7, $2  }
0x86: {  	_ =	sdelay $0x2  }
0x87: {  	[sflag:s21] =	ssyncadd.s32 $0xFFFF0000  }
0x88: {  	s0 =	simm.s32 $0x1000  }
0x89: {  	[tilespmem:s31], [sflag:$0x1] =	stream.indirect.gather [hbm4b:s4+s29], $0x8, s0, s29, $0xb8;
	[tilespmem:$0x14440] =	vst v63  }
0x8a: {  	s14 =	simm.s32 $0x0;
	p2 =	sne.s32 s13, $0x1;
	_ =	swait.ge [sflag:s5], $0x1000  }
.Ltmp8:
0x8b: {  	s15 =	sand.u32 $0x1FFFFE00, s14;
	[sflag:s5] =	ssyncset.done $0x0;
	(pc) =	sbr.rel @!p2 .LBB2_11-.Ltmp8, $4  }
0x8c: {  	s15 =	sadd.s32 s15, s12;
	[sflag:s5] =	ssyncadd.s32 $0xFFFFF000  }
0x8d: {  	[hbm4b:s15+s2] =	stream.linear.scatter [tilespmem:s31], [sflag:$0x2], $0x1000, $0x38;
	[tilespmem:$0x14440] =	vst v63  }
0x8e: {  	_ =	swait.ge [sflag:s21], $0x1000  }
0x8f: {  	s13 =	sadd.s32 $0xFFFFFFFF, s13;
	[sflag:s21] =	ssyncset.done $0x0  }
.LBB2_10:
0x90: {  	[sflag:s21] =	ssyncadd.s32 $0xFFFFF000;
	s14 =	sadd.s32 $0x200, s14;
	s0 =	sadd.s32 $0x200, s0  }
0x91: {  	[tilespmem:s31], [sflag:$0x1] =	stream.indirect.gather [hbm4b:s4+s29], $0x8, s0, s29, $0xb8;
	[tilespmem:$0x14440] =	vst v63  }
0x92: {  	p2 =	sne.s32 s13, $0x1;
	s13 =	sadd.s32 $0xFFFFFFFF, s13;
	_ =	swait.ge [sflag:s5], $0x1000  }
.Ltmp9:
0x93: {  	s15 =	sand.u32 $0x1FFFFE00, s14;
	[sflag:s5] =	ssyncset.done $0x0;
	(pc) =	sbr.rel @p2 .LBB2_10-.Ltmp9, $4  }
0x94: {  	s15 =	sadd.s32 s15, s12;
	[sflag:s5] =	ssyncadd.s32 $0xFFFFF000  }
0x95: {  	[hbm4b:s15+s2] =	stream.linear.scatter [tilespmem:s31], [sflag:$0x2], $0x1000, $0x38;
	[tilespmem:$0x14440] =	vst v63  }
0x96: {  	_ =	swait.ge [sflag:s21], $0x1000  }
0x97: {  	[sflag:s21] =	ssyncset.done $0x0  }
.LBB2_11:
0x98: {  	[sflag:s21] =	ssyncadd.s32 $0xFFFFF000  }
.LBB2_12:
.Ltmp10:
0x99: {  	(pc) =	sbr.rel @p1 .LBB2_24-.Ltmp10, $1  }
0x9a: {  	_ =	sdelay $0x3  }
0x9b: {  	s0 =	simm.s32 $0x0;
	s13 =	rddreg [dreg:$0x3]  }
0x9c: {  	[tilespmem:s0], [sflag:$0x2] =	stream.linear.gather [hbm4b:s13+s0], $0x1000, $0x38;
	[tilespmem:$0x14440] =	vst v63  }
0x9d: {  	_ =	swait.ge [sflag:s21], $0x1000  }
0x9e: {  	[sflag:s21] =	ssyncset.done $0x0  }
0x9f: {  	s15 =	rddreg [dreg:$0x4];
	[sflag:s21] =	ssyncadd.s32 $0xFFFFF000  }
0xa0: {  	[tilespmem:s22], [sflag:$0x2] =	stream.linear.gather [hbm4b:s15+s0], $0x10, $0x38;
	[tilespmem:$0x14440] =	vst v63  }
0xa1: {  	_ =	swait.ge [sflag:s21], $0x10  }
0xa2: {  	[sflag:s21] =	ssyncset.done $0x0  }
0xa3: {  	s16 =	rddreg [dreg:$0x5];
	[sflag:s21] =	ssyncadd.s32 $0xFFFFFFF0  }
0xa4: {  	[tilespmem:s23], [sflag:$0x2] =	stream.linear.gather [hbm4b:s16+s0], $0x10, $0x38;
	[tilespmem:$0x14440] =	vst v63  }
0xa5: {  	_ =	swait.ge [sflag:s21], $0x10  }
0xa6: {  	[sflag:s21] =	ssyncset.done $0x0  }
0xa7: {  	[sflag:s21] =	ssyncadd.s32 $0xFFFFFFF0  }
0xa8: {  	v2 =	vld [tilespmem:$0x14410]  }
0xa9: {  	v5 =	vld [tilespmem:$0x14420];
	_ =	sdelay $0x4  }
0xaa: {  	s13 =	simm.s32 $0x0;
	s0 =	simm.s32 $0x40;
	v3 =	vadd.s32 $0x1000, v2;
	v4 =	vadd.s32 $0x1000, v5  }
.LBB2_14:
0xab: {  	p2 =	sne.s32 s0, $0x47C0;
	[tilespmem:s13+$0x1000] =	vst v3;
	s14 =	smov.u32 s0;
	s0 =	sadd.s32 $0x40, s0  }
.Ltmp11:
0xac: {  	[tilespmem:s13+$0x2200] =	vst v4;
	(pc) =	sbr.rel @p2 .LBB2_14-.Ltmp11, $2  }
0xad: {  	_ =	sdelay $0x2  }
0xae: {  	s13 =	sshra.s32 s14, $0x2  }
0xaf: {  	[tilespmem:s13+$0x1000] =	vst v3  }
0xb0: {  	[tilespmem:s13+$0x2200] =	vst v4;
	s0 =	simm.s32 $0x0  }
0xb1: {  	v4 =	vld [tilespmem:s0+$0x0];
	_ =	sdelay $0x4  }
0xb2: {  	(xrf0) =	vadd.scan.msk.s32 $0xffff, v4;
	_ =	sdelay $0x4  }
0xb3: {  	v3 =	vimm.s32 $0x0  }
0xb4: {  	vm0 =	vne.s32 v4, $0x0;
	v4 =	vsub.s32 v3, v4;
	v6, _, _ =	vpop (xrf0)  }
0xb5: {  	v7 =	vadd.s32 v6, v4;
	_ =	sdelay $0x3  }
0xb6: {  	v4 =	vadd.s32 v0, v2  }
0xb7: {  	v2 =	vadd.s32 v0, v5;
	[tilespmem:v7+s24+$0x0] =	vst.idx.msk vm0, v4  }
0xb8: {  	[tilespmem:v7+s25+$0x0] =	vst.idx.msk vm0, v2  }
0xb9: {  	s16 =	simm.s32 $0x10;
	[tilespmem:$0x14430] =	vst v6  }
0xba: {  	v5 =	vld [tilespmem:s16+$0x0]  }
0xbb: {  	s0 =	simm.s32 $0x80;
	v6 =	vld.idx.msk [tilespmem:v1+s26+$0x0], $0xffff  }
.LBB2_16:
0xbc: {  	p2 =	sne.s32 s0, $0x3FC0;
	_ =	sdelay $0x2  }
0xbd: {  	(xrf0) =	vadd.scan.msk.s32 $0xffff, v5;
	_ =	sdelay $0x1  }
0xbe: {  	v3 =	vadd.s32 v3, v6;
	_ =	sdelay $0x3  }
0xbf: {  	vm0 =	vne.s32 v5, $0x0;
	v5 =	vsub.s32 v3, v5;
	v6, _, _ =	vpop (xrf0)  }
0xc0: {  	v5 =	vadd.s32 v6, v5;
	_ =	sdelay $0x3  }
0xc1: {  	v4 =	vadd.s32 $0x10, v4  }
.Ltmp12:
0xc2: {  	v2 =	vadd.s32 $0x10, v2;
	[tilespmem:v5+s24+$0x0] =	vst.idx.msk vm0, v4;
	(pc) =	sbr.rel @p2 .LBB2_16-.Ltmp12, $4  }
0xc3: {  	[tilespmem:v5+s25+$0x0] =	vst.idx.msk vm0, v2  }
0xc4: {  	s13 =	sshra.s32 s0, $0x2;
	[tilespmem:$0x14430] =	vst v6  }
0xc5: {  	v5 =	vld [tilespmem:s13+$0x0]  }
0xc6: {  	s0 =	sadd.s32 $0x40, s0;
	v6 =	vld.idx.msk [tilespmem:v1+s26+$0x0], $0xffff  }
0xc7: {  	_ =	sdelay $0x2  }
0xc8: {  	(xrf0) =	vadd.scan.msk.s32 $0xffff, v5;
	_ =	sdelay $0x4  }
0xc9: {  	v3 =	vadd.s32 v3, v6  }
0xca: {  	vm0 =	vne.s32 v5, $0x0;
	v62 =	vsub.s32 v3, v5;
	v63, _, _ =	vpop (xrf0)  }
0xcb: {  	v5 =	vadd.s32 v63, v62;
	_ =	sdelay $0x3  }
0xcc: {  	v4 =	vadd.s32 $0x10, v4  }
0xcd: {  	v2 =	vadd.s32 $0x10, v2;
	[tilespmem:v5+s24+$0x0] =	vst.idx.msk vm0, v4  }
0xce: {  	[tilespmem:v5+s25+$0x0] =	vst.idx.msk vm0, v2  }
0xcf: {  	[tilespmem:$0x14430] =	vst v63  }
0xd0: {  	v2 =	vld.idx.msk [tilespmem:v1+s26+$0x0], $0xffff;
	_ =	sdelay $0x4  }
0xd1: {  	v2 =	vadd.s32 v3, v2  }
0xd2: {  	v3 =	vxor.u32 $0x80000000, v2  }
0xd3: {  	(xrf0) =	vmax.scan.msk.u32 $0xffff, v3;
	_ =	sdelay $0x5  }
0xd4: {  	v3, _, _ =	vpop (xrf0)  }
0xd5: {  	(v2sf) =	vpush v3, $0xF;
	_ =	sdelay $0xc  }
0xd6: {  	s0 =	simm.s32 $0x0;
	s14 =	rddreg [dreg:$0x6];
	[tilespmem:$0x14400] =	vst v2  }
0xd7: {  	[hbm4b:s14+s0] =	stream.linear.scatter [tilespmem:s28], [sflag:$0x2], $0x10, $0x38;
	[tilespmem:$0x14440] =	vst v63  }
0xd8: {  	s13 =	spop (v2sf)  }
0xd9: {  	s13 =	sadd.s32 $0x800001FF, s13  }
0xda: {  	s15 =	sand.u32 $0x1FF, s13  }
0xdb: {  	s16 =	sshra.s32 s13, $0x1F;
	p3 =	slt.s32 s13, $0x1;
	p2 =	sne.s32 s15, $0x0  }
0xdc: {  	s14 =	sshrl.u32 s16, $0x17;
	p2 =	por !p3, !p2  }
0xdd: {  	s13 =	sadd.s32 s14, s13;
	s14 =	simm.s32 $0x1;
	p2 =	por !p2, !p2  }
0xde: {  	s13 =	sshra.s32 s13, $0x9;
	s14 =	simm.s32 @!p2 $0x0  }
0xdf: {  	_ =	swait.ge [sflag:s21], $0x10;
	s13 =	ssub.s32 s13, s14  }
0xe0: {  	[sflag:s21] =	ssyncset.done $0x0;
	p2 =	slt.s32 s13, $0x1  }
.Ltmp13:
0xe1: {  	[sflag:s21] =	ssyncadd.s32 $0xFFFFFFF0;
	(pc) =	sbr.rel @p2 .LBB2_24-.Ltmp13, $4  }
0xe2: {  	[hbm4b:s17+s0] =	stream.linear.scatter [tilespmem:s25], [sflag:$0x2], $0x1200, $0x38;
	[tilespmem:$0x14440] =	vst v63  }
0xe3: {  	_ =	swait.ge [sflag:s21], $0x1200  }
0xe4: {  	[sflag:s21] =	ssyncset.done $0x0  }
0xe5: {  	[sflag:s21] =	ssyncadd.s32 $0xFFFFEE00;
	s14 =	simm.s32 $0x1000  }
0xe6: {  	[tilespmem:s30], [sflag:$0x1] =	stream.indirect.gather [hbm4b:s3+s29], $0x80, s14, s29, $0xb8;
	[tilespmem:$0x14440] =	vst v63  }
0xe7: {  	p2 =	sne.s32 s13, $0x1;
	_ =	swait.ge [sflag:s5], $0x10000  }
.Ltmp14:
0xe8: {  	s15 =	sand.u32 $0x1FFFE000, s0;
	[sflag:s5] =	ssyncset.done $0x0;
	(pc) =	sbr.rel @!p2 .LBB2_20-.Ltmp14, $4  }
0xe9: {  	s15 =	sadd.s32 s15, s18;
	[sflag:s5] =	ssyncadd.s32 $0xFFFF0000  }
0xea: {  	[hbm4b:s15+s2] =	stream.linear.scatter [tilespmem:s30], [sflag:$0x2], $0x10000, $0x38;
	[tilespmem:$0x14440] =	vst v63  }
0xeb: {  	_ =	swait.ge [sflag:s21], $0x10000  }
0xec: {  	s15 =	sadd.s32 $0xFFFFFFFF, s13;
	[sflag:s21] =	ssyncset.done $0x0  }
.LBB2_19:
0xed: {  	[sflag:s21] =	ssyncadd.s32 $0xFFFF0000;
	s0 =	sadd.s32 $0x2000, s0;
	s14 =	sadd.s32 $0x200, s14  }
0xee: {  	[tilespmem:s30], [sflag:$0x1] =	stream.indirect.gather [hbm4b:s3+s29], $0x80, s14, s29, $0xb8;
	[tilespmem:$0x14440] =	vst v63  }
0xef: {  	p2 =	sne.s32 s15, $0x1;
	s15 =	sadd.s32 $0xFFFFFFFF, s15;
	_ =	swait.ge [sflag:s5], $0x10000  }
.Ltmp15:
0xf0: {  	s16 =	sand.u32 $0x1FFFE000, s0;
	[sflag:s5] =	ssyncset.done $0x0;
	(pc) =	sbr.rel @p2 .LBB2_19-.Ltmp15, $4  }
0xf1: {  	s16 =	sadd.s32 s16, s18;
	[sflag:s5] =	ssyncadd.s32 $0xFFFF0000  }
0xf2: {  	[hbm4b:s16+s2] =	stream.linear.scatter [tilespmem:s30], [sflag:$0x2], $0x10000, $0x38;
	[tilespmem:$0x14440] =	vst v63  }
0xf3: {  	_ =	swait.ge [sflag:s21], $0x10000  }
0xf4: {  	[sflag:s21] =	ssyncset.done $0x0  }
.LBB2_20:
.Ltmp16:
0xf5: {  	(pc) =	sbr.rel @!p0 .LBB2_24-.Ltmp16, $2  }
0xf6: {  	_ =	sdelay $0x2  }
0xf7: {  	[sflag:s21] =	ssyncadd.s32 $0xFFFF0000  }
0xf8: {  	s0 =	simm.s32 $0x1000  }
0xf9: {  	[tilespmem:s31], [sflag:$0x1] =	stream.indirect.gather [hbm4b:s4+s29], $0x8, s0, s29, $0xb8;
	[tilespmem:$0x14440] =	vst v63  }
0xfa: {  	s14 =	simm.s32 $0x0;
	p2 =	sne.s32 s13, $0x1;
	_ =	swait.ge [sflag:s5], $0x1000  }
.Ltmp17:
0xfb: {  	s15 =	sand.u32 $0x1FFFFE00, s14;
	[sflag:s5] =	ssyncset.done $0x0;
	(pc) =	sbr.rel @!p2 .LBB2_23-.Ltmp17, $4  }
0xfc: {  	s15 =	sadd.s32 s15, s19;
	[sflag:s5] =	ssyncadd.s32 $0xFFFFF000  }
0xfd: {  	[hbm4b:s15+s2] =	stream.linear.scatter [tilespmem:s31], [sflag:$0x2], $0x1000, $0x38;
	[tilespmem:$0x14440] =	vst v63  }
0xfe: {  	_ =	swait.ge [sflag:s21], $0x1000  }
0xff: {  	s13 =	sadd.s32 $0xFFFFFFFF, s13;
	[sflag:s21] =	ssyncset.done $0x0  }
.LBB2_22:
0x100: {  	[sflag:s21] =	ssyncadd.s32 $0xFFFFF000;
	s14 =	sadd.s32 $0x200, s14;
	s0 =	sadd.s32 $0x200, s0  }
0x101: {  	[tilespmem:s31], [sflag:$0x1] =	stream.indirect.gather [hbm4b:s4+s29], $0x8, s0, s29, $0xb8;
	[tilespmem:$0x14440] =	vst v63  }
0x102: {  	p2 =	sne.s32 s13, $0x1;
	s13 =	sadd.s32 $0xFFFFFFFF, s13;
	_ =	swait.ge [sflag:s5], $0x1000  }
.Ltmp18:
0x103: {  	s15 =	sand.u32 $0x1FFFFE00, s14;
	[sflag:s5] =	ssyncset.done $0x0;
	(pc) =	sbr.rel @p2 .LBB2_22-.Ltmp18, $4  }
0x104: {  	s15 =	sadd.s32 s15, s19;
	[sflag:s5] =	ssyncadd.s32 $0xFFFFF000  }
0x105: {  	[hbm4b:s15+s2] =	stream.linear.scatter [tilespmem:s31], [sflag:$0x2], $0x1000, $0x38;
	[tilespmem:$0x14440] =	vst v63  }
0x106: {  	_ =	swait.ge [sflag:s21], $0x1000  }
0x107: {  	[sflag:s21] =	ssyncset.done $0x0  }
.Ltmp19:
0x108: {  	_ = 	snop;
	(pc) =	sbr.rel .LBB2_23-.Ltmp19, $1  }
0x109: {  	_ =	sdelay $0x3  }
.LBB2_25:
0x10a: {  	_ =	sfence.sel $0x180000  }
0x10b: {  	[bflag:$0x0] =	sbarrier.arrive $0xFFFF  }
0x10c: {  	_ =	strace $0x90000047  }
0x10d: {  	s0 =	stileid.u32;
	[bflag:$0x2] =	sbarrier.arrive $0xFFFF  }
0x10e: {  	p0 =	sne.s32 s0, $0x0;
	s0 =	rddreg [dreg:$0x2]  }
0x10f: {  	s0 =	sadd.s32 @!p0 $0x100000, s0  }
0x110: {  	[sflag:s0] =	ssyncadd.tile.s32 @!p0 $0x1;
	_ =	shalt  }
.Lfunc_end2:
_tile_overlayer_lowered:
.L_overlay_start_2:
0x111: {  	(tag) =	ssettag $0x2  }
0x112: {  	s0 =	rddreg [dreg:$0x0];
	s2 =	stileid.u32  }
0x113: {  	s1 =	rddreg [dreg:$0x1];
	p0 =	sne.s32 s2, $0x0  }
0x114: {  	s3 =	rddreg [dreg:$0x2];
	[bflag:$0x3] =	sbarrier.arrive $0xFFFF;
	s2 =	simm.s32 @!p0 $0x1C02  }
0x115: {  	[timem:s3], [sflag:s2] =	dma.local @!p0 [hbm:s0], s1  }
0x116: {  	s0 =	simm.s32 @!p0 $0x2  }
0x117: {  	_ =	swait.ge @!p0 [sflag:s0], s1  }
0x118: {  	s1 =	ssub.s32 @!p0 $0x0, s1;
	[sflag:s0] =	ssyncset.done @!p0 $0x0  }
0x119: {  	[sflag:s0] =	ssyncadd.s32 @!p0 s1  }
0x11a: {  	[bflag:$0x3] =	sbarrier.arrive $0xFFFF  }
0x11b: {  	_ =	shalt  }

// kernel: kernel.9.cloned.1.call-start
scs
__scs_entry_jumppad:
0x0: {  	(pc) =	sbr.rel $0x88, $3  }
0x1: {  	(tag) =	ssettag $0x0;
	lr =	simm.s32 $0x1  }
0x2: {  	[smem:$0x3F9C] =	sst lr;
	_ =	strace $0xD0000000  }
0x3: {  	_ = 	snop  }
0x4: {  	_ = 	snop  }
0x5: {  	_ = 	snop  }
0x6: {  	_ = 	snop  }
0x7: {  	_ = 	snop  }
__scs_overlays_trampoline_lowered:
0x8: {  	[smem:$0x3FAB] =	sst s0  }
0x9: {  	[smem:$0x3FAC] =	sst s1  }
0xa: {  	[smem:$0x3FAD] =	sst s2  }
0xb: {  	[smem:$0x3FAE] =	sst s3  }
0xc: {  	[smem:$0x3FAF] =	sst s4  }
0xd: {  	[smem:$0x3FB0] =	sst s5  }
0xe: {  	[smem:$0x3FB1] =	sst s6  }
0xf: {  	[smem:$0x3FB2] =	sst s7  }
0x10: {  	[smem:$0x3FB3] =	sst s8  }
0x11: {  	[smem:$0x3FB4] =	sst s9;
	s0 =	simm.s32 @!p0 $0x0  }
0x12: {  	s1 =	sld [smem:$0x3F9A];
	s0 =	simm.s32 @p0 $0x1  }
0x13: {  	[smem:$0x3FB5] =	sst s0;
	s0 =	simm.s32 @!p1 $0x0  }
0x14: {  	s2 =	sld [smem:$0x3F99];
	s0 =	simm.s32 @p1 $0x1  }
0x15: {  	[smem:$0x3FB6] =	sst s0;
	s0 =	simm.s32 @!p2 $0x0  }
0x16: {  	s3 =	sld [smem:$0x3FDB];
	s0 =	simm.s32 @p2 $0x1  }
0x17: {  	s4 =	simm.s32 $0x1BF5;
	[smem:$0x3FB8] =	sst s0  }
0x18: {  	s0 =	sld [smem:$0x3F9B];
	_ =	swait.ge [sflag:s4], $0x0  }
0x19: {  	s7 =	sld [smem:$0x3F9C]  }
0x1a: {  	s8 =	sadd.s32 $0xFFFFE003, lr  }
0x1b: {  	s9 =	sadd.s32 $0xFFFFFEF7, lr;
	s5 =	simm.s32 $0xFFFFFFFF;
	p2 =	slt.u32 s8, $0xFFFFF086  }
0x1c: {  	p1 =	slt.u32 s9, $0xF7A;
	s5 =	simm.s32 @!p2 $0x0  }
0x1d: {  	s5 =	simm.s32 @p1 $0x1;
	p0 =	seq.s32 s7, s2  }
0x1e: {  	s7 =	smul.u32 @!p0 $0xF7A, s2;
	p2 =	seq.s32 @!p0 s5, $0x0  }
0x1f: {  	s9 =	smul.u32 $0xF7A, s1;
	s8 =	simm.s32 @!p0 $0x1BF5;
	p2 =	por !p2, p0  }
0x20: {  	[sflag:s8] =	ssyncset.s32 @!p0 $0xFFFFF086;
	s6 =	sadd.s32 @!p0 s3, s7;
	s7 =	simm.s32 @!p0 $0x108  }
0x21: {  	s3 =	sadd.s32 s3, s9;
	s6 =	sadd.s32 @!p0 $0x88, s6;
	s7 =	simm.s32 @p2 $0x1082  }
0x22: {  	[simem:s7], [sflag:s8] =	dma.local @!p0 [hbm:s6], $0xF7A  }
0x23: {  	s9 =	sor.u32 $0xD0000000, s2;
	s6 =	simm.s32 $0x108;
	_ =	swait.ge @!p0 [sflag:s8], $0x0  }
0x24: {  	s3 =	sadd.s32 $0x88, s3;
	s6 =	simm.s32 @!p1 $0x1082;
	[sflag:s4] =	ssyncset.s32 $0xFFFFF086  }
0x25: {  	[simem:s6], [sflag:s4] =	dma.local [hbm:s3], $0xF7A  }
0x26: {  	[smem:$0x3F9C] =	sst s1;
	(tag) =	ssettag s2;
	_ =	strace s9  }
0x27: {  	s1 =	sld [smem:$0x3FAC]  }
0x28: {  	s2 =	sld [smem:$0x3FAD]  }
0x29: {  	s4 =	sld [smem:$0x3FAF]  }
0x2a: {  	p0 =	seq.s32 s5, $0x0;
	s5 =	sld [smem:$0x3FB0]  }
0x2b: {  	s6 =	sld [smem:$0x3FB1]  }
0x2c: {  	s7 =	sld [smem:$0x3FB2]  }
0x2d: {  	s3 =	simm.s32 $0x108;
	s8 =	sld [smem:$0x3FB3]  }
0x2e: {  	s3 =	simm.s32 @!p0 $0x1082;
	s9 =	sld [smem:$0x3FB4]  }
0x2f: {  	lr =	sadd.s32 s0, s3;
	s0 =	sld [smem:$0x3FAB]  }
0x30: {  	s3 =	sld [smem:$0x3FAE]  }
0x31: {  	[smem:$0x3FB7] =	sst s10  }
0x32: {  	s10 =	sld [smem:$0x3FB5];
	_ =	sdelay $0x3  }
0x33: {  	p0 =	seq.s32 s10, $0x1;
	s10 =	sld [smem:$0x3FB7];
	_ =	sdelay $0x3  }
0x34: {  	[smem:$0x3FB7] =	sst s10  }
0x35: {  	s10 =	sld [smem:$0x3FB6];
	_ =	sdelay $0x3  }
0x36: {  	p1 =	seq.s32 s10, $0x1;
	s10 =	sld [smem:$0x3FB7];
	_ =	sdelay $0x3  }
0x37: {  	[smem:$0x3FB7] =	sst s10  }
0x38: {  	s10 =	sld [smem:$0x3FB8]  }
0x39: {  	_ = 	snop;
	(pc) =	sbr.ind lr, $3  }
0x3a: {  	_ = 	snop  }
0x3b: {  	_ = 	snop  }
0x3c: {  	p2 =	seq.s32 s10, $0x1;
	s10 =	sld [smem:$0x3FB7]  }
0x3d: {  	_ =	shalt  }
0x3e: {  	_ =	shalt  }
0x3f: {  	_ =	shalt  }
0x40: {  	_ =	shalt  }
0x41: {  	_ =	shalt  }
0x42: {  	_ =	shalt  }
0x43: {  	_ =	shalt  }
0x44: {  	_ =	shalt  }
0x45: {  	_ =	shalt  }
0x46: {  	_ =	shalt  }
0x47: {  	_ =	shalt  }
0x48: {  	_ =	shalt  }
0x49: {  	_ =	shalt  }
0x4a: {  	_ =	shalt  }
0x4b: {  	_ =	shalt  }
0x4c: {  	_ =	shalt  }
0x4d: {  	_ =	shalt  }
0x4e: {  	_ =	shalt  }
0x4f: {  	_ =	shalt  }
0x50: {  	_ =	shalt  }
0x51: {  	_ =	shalt  }
0x52: {  	_ =	shalt  }
0x53: {  	_ =	shalt  }
0x54: {  	_ =	shalt  }
0x55: {  	_ =	shalt  }
0x56: {  	_ =	shalt  }
0x57: {  	_ =	shalt  }
0x58: {  	_ =	shalt  }
0x59: {  	_ =	shalt  }
0x5a: {  	_ =	shalt  }
0x5b: {  	_ =	shalt  }
0x5c: {  	_ =	shalt  }
0x5d: {  	_ =	shalt  }
0x5e: {  	_ =	shalt  }
0x5f: {  	_ =	shalt  }
0x60: {  	_ =	shalt  }
0x61: {  	_ =	shalt  }
0x62: {  	_ =	shalt  }
0x63: {  	_ =	shalt  }
0x64: {  	_ =	shalt  }
0x65: {  	_ =	shalt  }
0x66: {  	_ =	shalt  }
0x67: {  	_ =	shalt  }
0x68: {  	_ =	shalt  }
0x69: {  	_ =	shalt  }
0x6a: {  	_ =	shalt  }
0x6b: {  	_ =	shalt  }
0x6c: {  	_ =	shalt  }
0x6d: {  	_ =	shalt  }
0x6e: {  	_ =	shalt  }
0x6f: {  	_ =	shalt  }
0x70: {  	_ =	shalt  }
0x71: {  	_ =	shalt  }
0x72: {  	_ =	shalt  }
0x73: {  	_ =	shalt  }
0x74: {  	_ =	shalt  }
0x75: {  	_ =	shalt  }
0x76: {  	_ =	shalt  }
0x77: {  	_ =	shalt  }
0x78: {  	_ =	shalt  }
0x79: {  	_ =	shalt  }
0x7a: {  	_ =	shalt  }
0x7b: {  	_ =	shalt  }
0x7c: {  	_ =	shalt  }
0x7d: {  	_ =	shalt  }
0x7e: {  	_ =	shalt  }
0x7f: {  	_ =	shalt  }
0x80: {  	_ =	shalt  }
0x81: {  	_ =	shalt  }
0x82: {  	_ =	shalt  }
0x83: {  	_ =	shalt  }
0x84: {  	_ =	shalt  }
0x85: {  	_ =	shalt  }
0x86: {  	_ =	shalt  }
0x87: {  	_ =	shalt  }
.Lfunc_end0:
.L_simem_size_0:
called_computation.1_lowered:
.L_overlay_start_0:
0x88: {  	s2 =	sld [smem:$0x3FD9]  }
0x89: {  	s3 =	sld [smem:$0x3FFE];
	_ =	sdelay $0x1  }
0x8a: {  	s1 =	srdreg.scid  }
0x8b: {  	s0 =	sand.u32 $0x1, s1  }
0x8c: {  	s16 =	sshll.u32 s0, $0xA;
	s2 =	sadd.s32 s3, s2  }
0x8d: {  	s2 =	sadd.s32 s2, s16  }
0x8e: {  	[smem:$0x3FC3] =	sst s2  }
0x8f: {  	_ = 	snop  }
0x90: {  	(tm) =	ssettm $0x1  }
0x91: {  	s17 =	sld [smem:$0x3FFB];
	_ =	sdelay $0x3  }
0x92: {  	_ =	strace s17  }
0x93: {  	s2 =	sld [smem:$0x3FFC];
	_ =	sdelay $0x3  }
0x94: {  	_ =	strace s2  }
0x95: {  	s2 =	sld [smem:$0x3FFD];
	_ =	sdelay $0x3  }
0x96: {  	_ =	strace s2  }
0x97: {  	_ =	strace $0x8FFFFFFF  }
0x98: {  	s18 =	sld [smem:$0x3FDB];
	_ =	sdelay $0x1  }
0x99: {  	s19 =	simm.s32 $_scs_section_size  }
0x9a: {  	s4 =	simm.s32 $_size__tile_overlayer_lowered;
	s5 =	simm.s32 $_tile_overlayer_lowered  }
0x9b: {  	s22 =	simm.s32 $0x1BFF;
	s21 =	sshll.u32 s5, $0x1;
	s2 =	sadd.s32 s19, s18  }
0x9c: {  	s6 =	simm.s32 $0x0;
	s20 =	sshll.u32 s4, $0x1;
	s4 =	sadd.s32 s21, s2  }
0x9d: {  	[timem:s6], [sflag:s22] =	dma.local [hbm:s4], s20  }
0x9e: {  	_ =	swait.ge [sflag:s22], s20  }
0x9f: {  	s3 =	ssub.s32 $0x0, s20;
	[sflag:s22] =	ssyncset.done $0x0  }
0xa0: {  	[sflag:s22] =	ssyncadd.s32 s3;
	_ =	sdelay $0x1  }
0xa1: {  	s23 =	simm.s32 $0x1B8B  }
0xa2: {  	_ =	swait.ge [sflag:s23], $0x1  }
0xa3: {  	[sflag:s23] =	ssyncset.done $0x0  }
0xa4: {  	s25 =	simm.s32 $0x1B8E;
	s24 =	sld [smem:$0x3FFE];
	[sflag:s23] =	ssyncadd.s32 $0xFFFFFFFF  }
0xa5: {  	s26 =	simm.s32 $execute0_lowered;
	[smem:$0x3FD2] =	sst s25  }
0xa6: {  	s4 =	sshll.u32 s26, $0x1;
	_ =	strace $0x80000049;
	[dreg:$0x1] =	wrdreg $0xFFFFFFFF  }
0xa7: {  	s28 =	simm.s32 $_size_execute0_lowered;
	s2 =	sadd.s32 s2, s4;
	[dreg:$0x0] =	wrdreg $0x0  }
0xa8: {  	s4 =	sshll.u32 s28, $0x1;
	[dreg:$0x2] =	wrdreg s2  }
0xa9: {  	[dreg:$0x3] =	wrdreg s4  }
0xaa: {  	[dreg:$0x4] =	wrdreg $0xC0  }
0xab: {  	_ =	task [dreg:s6], $0x5FFFF  }
0xac: {  	[dreg:$0x1] =	wrdreg $0xFFFFFFFF  }
0xad: {  	[dreg:$0x0] =	wrdreg $0x60  }
0xae: {  	[dreg:$0x2] =	wrdreg s24  }
0xaf: {  	[dreg:$0x3] =	wrdreg $0x9  }
0xb0: {  	_ =	task.clear_ibuf [dreg:s6], $0x4FFFF;
	_ =	strace $0x90000049  }
0xb1: {  	s29 =	simm.s32 $0x9;
	_ =	strace $0x8000004B  }
0xb2: {  	_ =	swait.ge [sflag:s29], $0x1  }
0xb3: {  	[sflag:s29] =	ssyncadd.s32 $0xFFFFFFFF  }
0xb4: {  	_ =	strace $0x9000004B  }
0xb5: {  	_ =	sfence  }
0xb6: {  	s30 =	sld [smem:$0x0];
	_ =	sdelay $0x2  }
0xb7: {  	s31 =	sshll.u32 s1, $0xD;
	s1 =	sshrl.u32 s1, $0x2  }
0xb8: {  	s3 =	sand.u32 $0x4000, s31;
	s1 =	sadd.s32 s1, s30  }
0xb9: {  	s0 =	sor.u32 s3, s0;
	s1 =	sshll.u32 s1, $0x11  }
0xba: {  	s0 =	sor.u32 s1, s0  }
0xbb: {  	s0 =	sadd.s32 $0x8F2B, s0  }
0xbc: {  	[sflag:s0] =	ssyncadd.remote.s32 $0x1  }
0xbd: {  	_ =	sfence.sel $0xFFFF  }
0xbe: {  	[dreg:$0x0] =	wrdreg $0xFFFFFFFF;
	(pc) =	sbr.abs _section_cstart, $3  }
0xbf: {  	[dreg:$0x1] =	wrdreg $0xFFFFFFFF  }
0xc0: {  	_ =	task.clear_ibuf [dreg:s6], $0x2FFFF;
	_ =	strace $0x9FFFFFFF  }
0xc1: {  	(tm) =	ssettm $0x7FFFFFFF  }
tec
execute0_lowered:
.L_overlay_start_1:
0x0: {  	(tag) =	ssettag $0x1  }
0x1: {  	s1 =	stileid.u32  }
0x2: {  	p0 =	sgt.u32 s1, $0xA  }
.Ltmp0:
0x3: {  	_ = 	snop;
	(pc) =	sbr.rel @p0 .LBB2_10-.Ltmp0, $4  }
0x4: {  	_ = 	snop  }
0x5: {  	s3 =	rddreg [dreg:$0x0];
	s2 =	simm.s32 $0x0  }
0x6: {  	[smem:$0x7FF] =	sst s2  }
0x7: {  	s0 =	rddreg [dreg:$0x1];
	_ =	strace $0x8000004A  }
0x8: {  	s4 =	srdreg.scid  }
0x9: {  	s5 =	sshll.u32 s1, $0x1;
	s9 =	sadd.s32 $0x328000, s3;
	s4 =	sand.u32 $0x1, s4  }
0xa: {  	s11 =	simm.s32 $0x1200;
	s12 =	simm.s32 $0x200;
	s5 =	sor.u32 s4, s5  }
0xb: {  	s13 =	simm.s32 $0x0;
	s8 =	ssub.s32 $0x2, s4;
	s6 =	smul.u32 $0x480, s5  }
.Ltmp1:
0xc: {  	s7 =	sshll.u32 s5, $0xC;
	s10 =	sshrl.u32 s8, $0x1;
	(pc) =	sbr.rel .LBB2_2-.Ltmp1, $4  }
0xd: {  	s31 =	sshll.u32 s5, $0x2;
	s7 =	sadd.s32 s7, s3;
	s8 =	ssub.s32 s8, s10  }
0xe: {  	s10 =	simm.s32 $0x1;
	s6 =	sadd.s32 s6, s3;
	s3 =	sadd.s32 $0x1800, s3  }
0xf: {  	s5 =	sadd.s32 $0x328200, s7;
	s7 =	smax.u32 s8, $0x1;
	s8 =	simm.s32 $0x2200  }
0x10: {  	s4 =	sadd.s32 $0x321C00, s6;
	s6 =	sadd.s32 s9, s31;
	s9 =	simm.s32 $0x2  }
.LBB2_4:
0x11: {  	s15 =	simm.s32 $0x0  }
.LBB2_8:
0x12: {  	s16 =	sadd.s32 s18, s5;
	[sflag:s10] =	ssyncadd.s32 @p0 $0xFFFFF000  }
0x13: {  	[tilespmem:s11], [sflag:$0x2] =	stream.linear.gather [hbm4b:s16+s2], $0x1000, $0x38;
	[tilespmem:$0x2210] =	vst v63  }
0x14: {  	_ =	swait.ge [sflag:s9], $0x1000  }
0x15: {  	s15 =	sadd.s32 @p0 $0x200, s15;
	[sflag:s9] =	ssyncset.done $0x0  }
0x16: {  	s14 =	smov.u32 @p0 s15;
	[sflag:s9] =	ssyncadd.s32 $0xFFFFF000  }
0x17: {  	[hbm4b:s3+s12] =	stream.indirect.scatter [tilespmem:s11], [sflag:$0x1], $0x8, s14, s12, $0xb8;
	[tilespmem:$0x2210] =	vst v63  }
0x18: {  	_ =	swait.ge [sflag:s10], $0x1000  }
0x19: {  	[sflag:s10] =	ssyncset.done $0x0  }
0x1a: {  	[sflag:s10] =	ssyncadd.s32 $0xFFFFF000  }
.LBB2_9:
0x1b: {  	s13 =	sadd.s32 $0x1, s13  }
0x1c: {  	p0 =	sne.s32 s13, s7  }
.Ltmp2:
0x1d: {  	_ = 	snop;
	(pc) =	sbr.rel @!p0 .LBB2_10-.Ltmp2, $1  }
0x1e: {  	_ =	sdelay $0x3  }
.LBB2_2:
0x1f: {  	[tilespmem:s8], [sflag:$0x2] =	stream.linear.gather [hbm4b:s6+s2], $0x10, $0x38;
	[tilespmem:$0x2210] =	vst v63  }
0x20: {  	_ =	swait.ge [sflag:s9], $0x10  }
0x21: {  	[sflag:s9] =	ssyncset.done $0x0  }
0x22: {  	[sflag:s9] =	ssyncadd.s32 $0xFFFFFFF0  }
0x23: {  	v0 =	vld [tilespmem:$0x2200];
	_ =	sdelay $0x4  }
0x24: {  	v0 =	vxor.u32 $0x80000000, v0  }
0x25: {  	(xrf0) =	vmax.scan.msk.u32 $0xffff, v0;
	_ =	sdelay $0x5  }
0x26: {  	v0, _, _ =	vpop (xrf0)  }
0x27: {  	(v2sf) =	vpush v0, $0xF;
	_ =	sdelay $0xe  }
0x28: {  	s14 =	spop (v2sf)  }
0x29: {  	s14 =	sadd.s32 $0x800001FF, s14  }
0x2a: {  	s15 =	sand.u32 $0x1FF, s14  }
0x2b: {  	s31 =	sshra.s32 s14, $0x1F;
	p1 =	slt.s32 s14, $0x1;
	p0 =	sne.s32 s15, $0x0  }
0x2c: {  	s15 =	sshrl.u32 s31, $0x17;
	p0 =	por !p1, !p0  }
0x2d: {  	s14 =	sadd.s32 s15, s14;
	s15 =	simm.s32 $0x1;
	p0 =	por !p0, !p0  }
0x2e: {  	s14 =	sshra.s32 s14, $0x9;
	s15 =	simm.s32 @!p0 $0x0  }
0x2f: {  	s15 =	ssub.s32 s14, s15  }
0x30: {  	p0 =	slt.s32 s15, $0x1  }
.Ltmp3:
0x31: {  	_ = 	snop;
	(pc) =	sbr.rel @p0 .LBB2_9-.Ltmp3, $4  }
0x32: {  	[tilespmem:s2], [sflag:$0x2] =	stream.linear.gather [hbm4b:s4+s2], $0x1200, $0x38;
	[tilespmem:$0x2210] =	vst v63  }
0x33: {  	_ =	swait.ge [sflag:s9], $0x1200  }
0x34: {  	[sflag:s9] =	ssyncset.done $0x0  }
0x35: {  	[sflag:s9] =	ssyncadd.s32 $0xFFFFEE00  }
0x36: {  	p1 =	sne.s32 s15, $0x1  }
.Ltmp4:
0x37: {  	_ = 	snop;
	(pc) =	sbr.rel @!p1 .LBB2_4-.Ltmp4, $3  }
0x38: {  	_ =	sdelay $0x1  }
0x39: {  	s14 =	simm.s32 $0x0  }
0x3a: {  	s15 =	sadd.s32 $0xFFFFFFFF, s15;
	p0 =	por $0x0, $0x0;
	s18 =	sand.u32 $0x1FFFFE00, s14  }
0x3b: {  	s16 =	sadd.s32 s18, s5  }
0x3c: {  	[tilespmem:s11], [sflag:$0x2] =	stream.linear.gather [hbm4b:s16+s2], $0x1000, $0x38;
	[tilespmem:$0x2210] =	vst v63  }
0x3d: {  	p1 =	sne.s32 s15, $0x1;
	_ =	swait.ge [sflag:s9], $0x1000  }
.Ltmp5:
0x3e: {  	[sflag:s9] =	ssyncset.done $0x0;
	(pc) =	sbr.rel @!p1 .LBB2_6-.Ltmp5, $4  }
0x3f: {  	s17 =	sadd.s32 $0xFFFFFFFF, s15;
	[sflag:s9] =	ssyncadd.s32 $0xFFFFF000  }
0x40: {  	[hbm4b:s3+s12] =	stream.indirect.scatter [tilespmem:s11], [sflag:$0x1], $0x8, s14, s12, $0xb8;
	[tilespmem:$0x2210] =	vst v63  }
0x41: {  	p0 =	por $0x1, $0x1;
	s16 =	simm.s32 $0x200;
	_ =	swait.ge [sflag:s10], $0x1000  }
0x42: {  	s15 =	simm.s32 $0x0;
	s18 =	sand.u32 $0x1FFFFE00, s16;
	[sflag:s10] =	ssyncset.done $0x0  }
.LBB2_7:
0x43: {  	s18 =	sadd.s32 s18, s5;
	[sflag:s10] =	ssyncadd.s32 $0xFFFFF000;
	s15 =	sadd.s32 $0x200, s15  }
0x44: {  	[tilespmem:s11], [sflag:$0x2] =	stream.linear.gather [hbm4b:s18+s2], $0x1000, $0x38;
	[tilespmem:$0x2210] =	vst v63  }
0x45: {  	p1 =	sne.s32 s17, $0x1;
	s17 =	sadd.s32 $0xFFFFFFFF, s17;
	_ =	swait.ge [sflag:s9], $0x1000  }
.Ltmp6:
0x46: {  	[sflag:s9] =	ssyncset.done $0x0;
	(pc) =	sbr.rel @p1 .LBB2_7-.Ltmp6, $4  }
0x47: {  	[sflag:s9] =	ssyncadd.s32 $0xFFFFF000  }
0x48: {  	[hbm4b:s3+s12] =	stream.indirect.scatter [tilespmem:s11], [sflag:$0x1], $0x8, s15, s12, $0xb8;
	[tilespmem:$0x2210] =	vst v63  }
0x49: {  	s16 =	sadd.s32 $0x200, s16;
	_ =	swait.ge [sflag:s10], $0x1000  }
0x4a: {  	s18 =	sand.u32 $0x1FFFFE00, s16;
	[sflag:s10] =	ssyncset.done $0x0  }
.Ltmp7:
0x4b: {  	_ = 	snop;
	(pc) =	sbr.rel .LBB2_8-.Ltmp7, $1  }
0x4c: {  	_ =	sdelay $0x3  }
.LBB2_6:
.Ltmp8:
0x4d: {  	(pc) =	sbr.rel .LBB2_8-.Ltmp8, $2  }
0x4e: {  	_ =	sdelay $0x2  }
0x4f: {  	s15 =	simm.s32 $0x0  }
.LBB2_10:
0x50: {  	_ =	sfence.sel $0x180000  }
0x51: {  	[bflag:$0x0] =	sbarrier.arrive $0xFFFF  }
0x52: {  	p0 =	sne.s32 s1, $0x0;
	_ =	strace $0x9000004A  }
0x53: {  	s0 =	sadd.s32 @!p0 $0x100000, s0;
	[bflag:$0x2] =	sbarrier.arrive $0xFFFF  }
0x54: {  	[sflag:s0] =	ssyncadd.tile.s32 @!p0 $0x1;
	_ =	shalt  }
.Lfunc_end2:
_tile_overlayer_lowered:
.L_overlay_start_2:
0x55: {  	(tag) =	ssettag $0x2  }
0x56: {  	s0 =	rddreg [dreg:$0x0];
	s2 =	stileid.u32  }
0x57: {  	s1 =	rddreg [dreg:$0x1];
	p0 =	sne.s32 s2, $0x0  }
0x58: {  	s3 =	rddreg [dreg:$0x2];
	[bflag:$0x3] =	sbarrier.arrive $0xFFFF;
	s2 =	simm.s32 @!p0 $0x1C02  }
0x59: {  	[timem:s3], [sflag:s2] =	dma.local @!p0 [hbm:s0], s1  }
0x5a: {  	s0 =	simm.s32 @!p0 $0x2  }
0x5b: {  	_ =	swait.ge @!p0 [sflag:s0], s1  }
0x5c: {  	s1 =	ssub.s32 @!p0 $0x0, s1;
	[sflag:s0] =	ssyncset.done @!p0 $0x0  }
0x5d: {  	[sflag:s0] =	ssyncadd.s32 @!p0 s1  }
0x5e: {  	[bflag:$0x3] =	sbarrier.arrive $0xFFFF  }
0x5f: {  	_ =	shalt  }

</sc_bundles>
